<compile_context>
chip_gen: v7x
topology: tpu7x:2x2x1
jax: 0.10.2.dev20260603
libtpu: 0.0.44.dev20260713+nightly
codegen_flags: <defaults>
</compile_context>

<pallas_src>
import functools

import jax
import jax.numpy as jnp
from jax import lax
from jax.experimental import pallas as pl
from jax.experimental.pallas import tpu as pltpu
from jax.experimental.pallas import tpu_sc as plsc

N_NEG = 16
NC, NS = 2, 16
NW = NC * NS
NCHUNK = 4


def _sc_gather(table, idx_flat, Bc, Sp, base_b):
    D = table.shape[1]
    b_per_w = Bc // NW
    npairs = b_per_w // 2
    mesh = plsc.VectorSubcoreMesh(core_axis_name="c", subcore_axis_name="s")

    @functools.partial(
        pl.kernel,
        mesh=mesh,
        compiler_params=pltpu.CompilerParams(use_tc_tiling_on_sc=False),
        out_type=jax.ShapeDtypeStruct((Bc, Sp, 2 * D), table.dtype),
        scratch_types=[
            pltpu.VMEM((b_per_w * Sp,), jnp.int32),
            pltpu.VMEM((Sp, D), table.dtype),
            pltpu.VMEM((Sp, D), table.dtype),
            pltpu.SemaphoreType.DMA,
            pltpu.SemaphoreType.DMA,
        ],
    )
    def k(table_hbm, idx_hbm, out_hbm, idx_v, rows0, rows1, sem0, sem1):
        wid = lax.axis_index("s") * NC + lax.axis_index("c")
        b0 = wid * b_per_w
        pltpu.sync_copy(
            idx_hbm.at[pl.ds((base_b + b0) * Sp, b_per_w * Sp)], idx_v)

        def gather(i, rows, sem):
            pltpu.async_copy(
                table_hbm.at[idx_v.at[pl.ds(i * Sp, Sp)]], rows, sem)

        def store(i, rows):
            pltpu.sync_copy(
                rows, out_hbm.at[b0 + i, pl.ds(0, Sp), pl.ds(0, D)])

        gather(0, rows0, sem0)

        def pair(p, carry):
            i = 2 * p
            gather(i + 1, rows1, sem1)
            pltpu.make_async_copy(
                table_hbm.at[idx_v.at[pl.ds(i * Sp, Sp)]], rows0, sem0).wait()
            store(i, rows0)

            @pl.when(p + 1 < npairs)
            def _():
                gather(i + 2, rows0, sem0)

            pltpu.make_async_copy(
                table_hbm.at[idx_v.at[pl.ds(i * Sp, Sp)]], rows1, sem1).wait()
            store(i + 1, rows1)
            return carry

        lax.fori_loop(0, npairs, pair, 0)

    return k(table, idx_flat)


def _tc_loss(E, x, n_samples, base_b, Bc, bblk=8):
    L, D = x.shape[1], x.shape[2]
    Sp = E.shape[1]

    def body(e_ref, x_ref, o_ref):
        xb = x_ref[...]
        xss = jnp.sum(xb * xb, axis=1, keepdims=True)
        xn = xb * jnp.minimum(lax.rsqrt(xss), 1e12)
        logits = []
        for k in range(n_samples):
            Ek = e_ref[:, k * L:(k + 1) * L, :D]
            ess = jnp.sum(Ek * Ek, axis=1, keepdims=True)
            rn = jnp.minimum(lax.rsqrt(ess), 1e12)
            logits.append(jnp.sum(Ek * rn * xn, axis=2))
        m = logits[0]
        for lk in logits[1:]:
            m = jnp.maximum(m, lk)
        s = jnp.exp(logits[0] - m)
        for lk in logits[1:]:
            s = s + jnp.exp(lk - m)
        o_ref[...] = m + jnp.log(s) - logits[0]

    boff = base_b // bblk
    return pl.pallas_call(
        body,
        grid=(Bc // bblk,),
        in_specs=[
            pl.BlockSpec((bblk, Sp, 2 * D), lambda b: (b, 0, 0)),
            pl.BlockSpec((bblk, L, D), lambda b: (b + boff, 0, 0)),
        ],
        out_specs=pl.BlockSpec((bblk, L), lambda b: (b, 0)),
        out_shape=jax.ShapeDtypeStruct((Bc, L), jnp.float32),
    )(E, x)


def kernel(input, target, W):
    B, L, D = input.shape
    V = W.shape[0]
    S = (1 + N_NEG) * L
    Sp = (S + 7) // 8 * 8
    neg_key = jax.random.key(42)
    neg = jax.random.randint(neg_key, (B, L, N_NEG), 0, V - 1, dtype=jnp.int32)
    neg_t = jnp.transpose(neg, (0, 2, 1))
    neg_t = neg_t + (neg_t >= target[:, None, :]).astype(jnp.int32)
    idx = jnp.concatenate([target[:, None, :], neg_t], axis=1)
    idx = idx.reshape(B, S)
    idx = jnp.pad(idx, ((0, 0), (0, Sp - S))).reshape(B * Sp)
    Bc = B // NCHUNK
    losses = []
    for c in range(NCHUNK):
        E_c = _sc_gather(W, idx, Bc, Sp, c * Bc)
        losses.append(_tc_loss(E_c, input, 1 + N_NEG, c * Bc, Bc))
    return jnp.concatenate(losses, axis=0)

# --- scband reference (transcript-rebuilt; emitter-appended) ---
"""Pipeline reference for scband-cpcloss-36249523978852 (READ-ONLY COPY).

The authoritative reference and input builder live on the scoring server;
editing this copy changes nothing except your own understanding.
"""

import jax, jax.numpy as jnp
import numpy as np

VOCAB = 100000
EMBED_DIM = 64
N_NEG = 16
B = 1024
L = 50


def _normalize(x, axis):
    # faithful to torch F.normalize(p=2, dim=1, eps=1e-12)
    n = jnp.linalg.norm(x, ord=2, axis=axis, keepdims=True)
    return x / jnp.maximum(n, 1e-12)


def setup_inputs(seed: int = 0) -> dict:
    key = jax.random.key(seed)
    k1, k2, k3 = jax.random.split(key, 3)
    inp = jax.random.normal(k1, (B, L, EMBED_DIM), dtype=jnp.float32)
    target = jax.random.randint(k2, (B, L), 0, VOCAB, dtype=jnp.int32)
    W = jax.random.normal(k3, (VOCAB, EMBED_DIM), dtype=jnp.float32) * 0.02
    return {"input": inp, "target": target, "W": W}


def reference(input, target, W):
    # target_embeddings = embeddings[target.unsqueeze(-1)] -> [B, L, 1, D]
    target_embeddings = jnp.take(W, target[..., None], axis=0)
    # negative sampling (torch.randint high=V-1 is exclusive -> range [0, V-2])
    neg_key = jax.random.key(42)
    negative_indices = jax.random.randint(
        neg_key, (input.shape[0], input.shape[1], N_NEG), 0, W.shape[0] - 1, dtype=jnp.int32
    )
    negative_indices = negative_indices + (negative_indices >= target[..., None]).astype(negative_indices.dtype)
    negative_embeddings = jnp.take(W, negative_indices, axis=0)  # [B, L, K, D]
    all_embeddings = jnp.concatenate([target_embeddings, negative_embeddings], axis=-2)  # [B, L, 1+K, D]
    # torch F.normalize defaults to dim=1 -> normalize over the L dimension (faithful)
    all_embeddings = _normalize(all_embeddings, axis=1)
    normalized_input = _normalize(input, axis=1)[..., None, :]  # [B, L, 1, D]
    logits = (all_embeddings * normalized_input).sum(axis=-1)  # [B, L, 1+K]
    # cross_entropy(logits.transpose(-1,-2), zeros, reduction='none') over class dim (1+K), label 0
    loss = jax.nn.logsumexp(logits, axis=-1) - logits[..., 0]  # [B, L]
    return loss

if __name__ == "__main__":
    import jax
    _d = setup_inputs()
    print(jax.jit(kernel)(*tuple(_d.values())))

</pallas_src>

<mosaic_0001>
#map = affine_map<(d0, d1) -> (0, 0)>
#map1 = affine_map<(d0, d1) -> (0)>
#map2 = affine_map<(d0, d1) -> (0, 0, 0)>
module attributes {stable_mosaic.version = 14 : i64} {
  func.func @k(%arg0: i32, %arg1: i32, %arg2: memref<100000x64xf32, #tpu.memory_space<hbm>>, %arg3: memref<876544xi32, #tpu.memory_space<hbm>>, %arg4: memref<256x856x128xf32, #tpu.memory_space<hbm>>, %arg5: memref<6848xi32, #tpu.memory_space<vmem>>, %arg6: memref<856x64xf32, #tpu.memory_space<vmem>>, %arg7: memref<856x64xf32, #tpu.memory_space<vmem>>, %arg8: memref<!tpu.dma_semaphore, #tpu.memory_space<semaphore_mem>>, %arg9: memref<!tpu.dma_semaphore, #tpu.memory_space<semaphore_mem>>) attributes {dimension_semantics = [#tpu.dimension_semantics<core_parallel>, #tpu.dimension_semantics<subcore_parallel>], iteration_bounds = array<i64: 2, 16>, scalar_prefetch = 0 : i64, scratch_operands = 5 : i64, tpu.core_type = #tpu.core_type<sc_vector_subcore>, window_params = [{transform_indices = #map}, {transform_indices = #map1}, {transform_indices = #map2}]} {
    %mul3A = arith.constant 2 : i32
    %mul3A_0 = arith.muli %arg1, %mul3A : i32
    %add3A = arith.addi %mul3A_0, %arg0 : i32
    %mul3A_1 = arith.constant 8 : i32
    %mul3A_2 = arith.muli %add3A, %mul3A_1 : i32
    %add3A_3 = arith.constant 0 : i32
    %add3A_4 = arith.addi %add3A_3, %mul3A_2 : i32
    %mul3A_5 = arith.constant 856 : i32
    %mul3A_6 = arith.muli %add3A_4, %mul3A_5 : i32
    "tpu.region"() ({
      %run_scoped3A = tpu.sem_alloc : memref<!tpu.dma_semaphore, #tpu.memory_space<semaphore_mem>>
      %dma_start3A_16 = tpu.memref_slice %arg3[%mul3A_6] : memref<876544xi32, #tpu.memory_space<hbm>> -> memref<6848xi32, #tpu.memory_space<hbm>>
      %dma_start3A_17 = tpu.memref_slice %arg3[%mul3A_6] : memref<876544xi32, #tpu.memory_space<hbm>> -> memref<6848xi32, #tpu.memory_space<hbm>>
      tpu.enqueue_dma source(%dma_start3A_17 : memref<6848xi32, #tpu.memory_space<hbm>>) target(%arg5 : memref<6848xi32, #tpu.memory_space<vmem>>) target_semaphore(%run_scoped3A : memref<!tpu.dma_semaphore, #tpu.memory_space<semaphore_mem>>)
      %dma_wait3A = tpu.memref_slice %arg3[%mul3A_6] : memref<876544xi32, #tpu.memory_space<hbm>> -> memref<6848xi32, #tpu.memory_space<hbm>>
      %dma_wait3A_18 = tpu.memref_slice %arg3[%mul3A_6] : memref<876544xi32, #tpu.memory_space<hbm>> -> memref<6848xi32, #tpu.memory_space<hbm>>
      tpu.wait_dma2 semaphore(%run_scoped3A : memref<!tpu.dma_semaphore, #tpu.memory_space<semaphore_mem>>) src(%dma_wait3A_18 : memref<6848xi32, #tpu.memory_space<hbm>>) dst(%arg5 : memref<6848xi32, #tpu.memory_space<vmem>>)
      tpu.yield
    }) : () -> ()
    %dma_start3A = arith.constant 0 : i32
    %dma_start3A_7 = tpu.memref_slice %arg5[%dma_start3A] : memref<6848xi32, #tpu.memory_space<vmem>> -> memref<856xi32, #tpu.memory_space<vmem>>
    %dma_start3A_8 = arith.constant 0 : i32
    %dma_start3A_9 = arith.constant 0 : i32
    %dma_start3A_10 = tpu.memref_slice %arg2[%dma_start3A_8, %dma_start3A_9] : memref<100000x64xf32, #tpu.memory_space<hbm>> -> memref<100000x64xf32, #tpu.memory_space<hbm>>
    tpu.enqueue_indirect_dma source(%dma_start3A_10 : memref<100000x64xf32, #tpu.memory_space<hbm>>) target(%arg6 : memref<856x64xf32, #tpu.memory_space<vmem>>) offsets(%dma_start3A_7 : memref<856xi32, #tpu.memory_space<vmem>>) semaphore(%arg8 : memref<!tpu.dma_semaphore, #tpu.memory_space<semaphore_mem>>)
    %scan3A = arith.constant 0 : i32
    %scan3A_11 = arith.constant 0 : i32
    %scan3A_12 = arith.constant 4 : i32
    %scan3A_13 = arith.addi %scan3A_11, %scan3A_12 : i32
    %scan3A_14 = arith.constant 1 : i32
    scf.for %scan3A_16 = %scan3A_11 to %scan3A_13 step %scan3A_14  : i32 {
      %mul3A_17 = arith.constant 2 : i32
      %mul3A_18 = arith.muli %mul3A_17, %scan3A_16 : i32
      %add3A_19 = arith.constant 1 : i32
      %add3A_20 = arith.addi %mul3A_18, %add3A_19 : i32
      %mul3A_21 = arith.constant 856 : i32
      %mul3A_22 = arith.muli %add3A_20, %mul3A_21 : i32
      %dma_start3A_23 = tpu.memref_slice %arg5[%mul3A_22] : memref<6848xi32, #tpu.memory_space<vmem>> -> memref<856xi32, #tpu.memory_space<vmem>>
      %dma_start3A_24 = arith.constant 0 : i32
      %dma_start3A_25 = arith.constant 0 : i32
      %dma_start3A_26 = tpu.memref_slice %arg2[%dma_start3A_24, %dma_start3A_25] : memref<100000x64xf32, #tpu.memory_space<hbm>> -> memref<100000x64xf32, #tpu.memory_space<hbm>>
      tpu.enqueue_indirect_dma source(%dma_start3A_26 : memref<100000x64xf32, #tpu.memory_space<hbm>>) target(%arg7 : memref<856x64xf32, #tpu.memory_space<vmem>>) offsets(%dma_start3A_23 : memref<856xi32, #tpu.memory_space<vmem>>) semaphore(%arg9 : memref<!tpu.dma_semaphore, #tpu.memory_space<semaphore_mem>>)
      %mul3A_27 = arith.constant 856 : i32
      %mul3A_28 = arith.muli %mul3A_18, %mul3A_27 : i32
      %dma_wait3A = tpu.memref_slice %arg5[%mul3A_28] : memref<6848xi32, #tpu.memory_space<vmem>> -> memref<856xi32, #tpu.memory_space<vmem>>
      %dma_wait3A_29 = arith.constant 0 : i32
      %dma_wait3A_30 = arith.constant 0 : i32
      %dma_wait3A_31 = tpu.memref_slice %arg2[%dma_wait3A_29, %dma_wait3A_30] : memref<100000x64xf32, #tpu.memory_space<hbm>> -> memref<100000x64xf32, #tpu.memory_space<hbm>>
      tpu.wait_indirect_dma semaphore(%arg8 : memref<!tpu.dma_semaphore, #tpu.memory_space<semaphore_mem>>) src(%dma_wait3A_31 : memref<100000x64xf32, #tpu.memory_space<hbm>>) dst(%arg6 : memref<856x64xf32, #tpu.memory_space<vmem>>)
      %add3A_32 = arith.addi %mul3A_2, %mul3A_18 : i32
      "tpu.region"() ({
        %run_scoped3A = tpu.sem_alloc : memref<!tpu.dma_semaphore, #tpu.memory_space<semaphore_mem>>
        %dma_start3A_46 = arith.constant 0 : i32
        %dma_start3A_47 = arith.constant 0 : i32
        %dma_start3A_48 = tpu.memref_slice %arg4[%add3A_32, %dma_start3A_46, %dma_start3A_47] : memref<256x856x128xf32, #tpu.memory_space<hbm>> -> memref<1x856x64xf32, #tpu.memory_space<hbm>>
        %dma_start3A_49 = tpu.memref_squeeze %dma_start3A_48 : memref<1x856x64xf32, #tpu.memory_space<hbm>> -> memref<856x64xf32, #tpu.memory_space<hbm>>
        %dma_start3A_50 = arith.constant 0 : i32
        %dma_start3A_51 = arith.constant 0 : i32
        %dma_start3A_52 = tpu.memref_slice %arg4[%add3A_32, %dma_start3A_50, %dma_start3A_51] : memref<256x856x128xf32, #tpu.memory_space<hbm>> -> memref<1x856x64xf32, #tpu.memory_space<hbm>>
        %dma_start3A_53 = tpu.memref_squeeze %dma_start3A_52 : memref<1x856x64xf32, #tpu.memory_space<hbm>> -> memref<856x64xf32, #tpu.memory_space<hbm>>
        tpu.enqueue_dma source(%arg6 : memref<856x64xf32, #tpu.memory_space<vmem>>) target(%dma_start3A_53 : memref<856x64xf32, #tpu.memory_space<hbm>>) target_semaphore(%run_scoped3A : memref<!tpu.dma_semaphore, #tpu.memory_space<semaphore_mem>>)
        %dma_wait3A_54 = arith.constant 0 : i32
        %dma_wait3A_55 = arith.constant 0 : i32
        %dma_wait3A_56 = tpu.memref_slice %arg4[%add3A_32, %dma_wait3A_54, %dma_wait3A_55] : memref<256x856x128xf32, #tpu.memory_space<hbm>> -> memref<1x856x64xf32, #tpu.memory_space<hbm>>
        %dma_wait3A_57 = tpu.memref_squeeze %dma_wait3A_56 : memref<1x856x64xf32, #tpu.memory_space<hbm>> -> memref<856x64xf32, #tpu.memory_space<hbm>>
        %dma_wait3A_58 = arith.constant 0 : i32
        %dma_wait3A_59 = arith.constant 0 : i32
        %dma_wait3A_60 = tpu.memref_slice %arg4[%add3A_32, %dma_wait3A_58, %dma_wait3A_59] : memref<256x856x128xf32, #tpu.memory_space<hbm>> -> memref<1x856x64xf32, #tpu.memory_space<hbm>>
        %dma_wait3A_61 = tpu.memref_squeeze %dma_wait3A_60 : memref<1x856x64xf32, #tpu.memory_space<hbm>> -> memref<856x64xf32, #tpu.memory_space<hbm>>
        tpu.wait_dma2 semaphore(%run_scoped3A : memref<!tpu.dma_semaphore, #tpu.memory_space<semaphore_mem>>) src(%arg6 : memref<856x64xf32, #tpu.memory_space<vmem>>) dst(%dma_wait3A_61 : memref<856x64xf32, #tpu.memory_space<hbm>>)
        tpu.yield
      }) : () -> ()
      %add3A_33 = arith.constant 1 : i32
      %add3A_34 = arith.addi %scan3A_16, %add3A_33 : i32
      %lt3A = arith.constant 4 : i32
      %lt3A_35 = arith.cmpi slt, %add3A_34, %lt3A : i32
      %convert_element_type3A = arith.extui %lt3A_35 : i1 to i32
      %cond3A = arith.constant 0 : i32
      %cond3A_36 = arith.cmpi ne, %convert_element_type3A, %cond3A : i32
      scf.if %cond3A_36 {
        %add3A_46 = arith.constant 2 : i32
        %add3A_47 = arith.addi %mul3A_18, %add3A_46 : i32
        %mul3A_48 = arith.constant 856 : i32
        %mul3A_49 = arith.muli %add3A_47, %mul3A_48 : i32
        %dma_start3A_50 = tpu.memref_slice %arg5[%mul3A_49] : memref<6848xi32, #tpu.memory_space<vmem>> -> memref<856xi32, #tpu.memory_space<vmem>>
        %dma_start3A_51 = arith.constant 0 : i32
        %dma_start3A_52 = arith.constant 0 : i32
        %dma_start3A_53 = tpu.memref_slice %arg2[%dma_start3A_51, %dma_start3A_52] : memref<100000x64xf32, #tpu.memory_space<hbm>> -> memref<100000x64xf32, #tpu.memory_space<hbm>>
        tpu.enqueue_indirect_dma source(%dma_start3A_53 : memref<100000x64xf32, #tpu.memory_space<hbm>>) target(%arg6 : memref<856x64xf32, #tpu.memory_space<vmem>>) offsets(%dma_start3A_50 : memref<856xi32, #tpu.memory_space<vmem>>) semaphore(%arg8 : memref<!tpu.dma_semaphore, #tpu.memory_space<semaphore_mem>>)
      } else {
      }
      %mul3A_37 = arith.constant 856 : i32
      %mul3A_38 = arith.muli %mul3A_18, %mul3A_37 : i32
      %dma_wait3A_39 = tpu.memref_slice %arg5[%mul3A_38] : memref<6848xi32, #tpu.memory_space<vmem>> -> memref<856xi32, #tpu.memory_space<vmem>>
      %dma_wait3A_40 = arith.constant 0 : i32
      %dma_wait3A_41 = arith.constant 0 : i32
      %dma_wait3A_42 = tpu.memref_slice %arg2[%dma_wait3A_40, %dma_wait3A_41] : memref<100000x64xf32, #tpu.memory_space<hbm>> -> memref<100000x64xf32, #tpu.memory_space<hbm>>
      tpu.wait_indirect_dma semaphore(%arg9 : memref<!tpu.dma_semaphore, #tpu.memory_space<semaphore_mem>>) src(%dma_wait3A_42 : memref<100000x64xf32, #tpu.memory_space<hbm>>) dst(%arg7 : memref<856x64xf32, #tpu.memory_space<vmem>>)
      %add3A_43 = arith.constant 1 : i32
      %add3A_44 = arith.addi %mul3A_18, %add3A_43 : i32
      %add3A_45 = arith.addi %mul3A_2, %add3A_44 : i32
      "tpu.region"() ({
        %run_scoped3A = tpu.sem_alloc : memref<!tpu.dma_semaphore, #tpu.memory_space<semaphore_mem>>
        %dma_start3A_46 = arith.constant 0 : i32
        %dma_start3A_47 = arith.constant 0 : i32
        %dma_start3A_48 = tpu.memref_slice %arg4[%add3A_45, %dma_start3A_46, %dma_start3A_47] : memref<256x856x128xf32, #tpu.memory_space<hbm>> -> memref<1x856x64xf32, #tpu.memory_space<hbm>>
        %dma_start3A_49 = tpu.memref_squeeze %dma_start3A_48 : memref<1x856x64xf32, #tpu.memory_space<hbm>> -> memref<856x64xf32, #tpu.memory_space<hbm>>
        %dma_start3A_50 = arith.constant 0 : i32
        %dma_start3A_51 = arith.constant 0 : i32
        %dma_start3A_52 = tpu.memref_slice %arg4[%add3A_45, %dma_start3A_50, %dma_start3A_51] : memref<256x856x128xf32, #tpu.memory_space<hbm>> -> memref<1x856x64xf32, #tpu.memory_space<hbm>>
        %dma_start3A_53 = tpu.memref_squeeze %dma_start3A_52 : memref<1x856x64xf32, #tpu.memory_space<hbm>> -> memref<856x64xf32, #tpu.memory_space<hbm>>
        tpu.enqueue_dma source(%arg7 : memref<856x64xf32, #tpu.memory_space<vmem>>) target(%dma_start3A_53 : memref<856x64xf32, #tpu.memory_space<hbm>>) target_semaphore(%run_scoped3A : memref<!tpu.dma_semaphore, #tpu.memory_space<semaphore_mem>>)
        %dma_wait3A_54 = arith.constant 0 : i32
        %dma_wait3A_55 = arith.constant 0 : i32
        %dma_wait3A_56 = tpu.memref_slice %arg4[%add3A_45, %dma_wait3A_54, %dma_wait3A_55] : memref<256x856x128xf32, #tpu.memory_space<hbm>> -> memref<1x856x64xf32, #tpu.memory_space<hbm>>
        %dma_wait3A_57 = tpu.memref_squeeze %dma_wait3A_56 : memref<1x856x64xf32, #tpu.memory_space<hbm>> -> memref<856x64xf32, #tpu.memory_space<hbm>>
        %dma_wait3A_58 = arith.constant 0 : i32
        %dma_wait3A_59 = arith.constant 0 : i32
        %dma_wait3A_60 = tpu.memref_slice %arg4[%add3A_45, %dma_wait3A_58, %dma_wait3A_59] : memref<256x856x128xf32, #tpu.memory_space<hbm>> -> memref<1x856x64xf32, #tpu.memory_space<hbm>>
        %dma_wait3A_61 = tpu.memref_squeeze %dma_wait3A_60 : memref<1x856x64xf32, #tpu.memory_space<hbm>> -> memref<856x64xf32, #tpu.memory_space<hbm>>
        tpu.wait_dma2 semaphore(%run_scoped3A : memref<!tpu.dma_semaphore, #tpu.memory_space<semaphore_mem>>) src(%arg7 : memref<856x64xf32, #tpu.memory_space<vmem>>) dst(%dma_wait3A_61 : memref<856x64xf32, #tpu.memory_space<hbm>>)
        tpu.yield
      }) : () -> ()
    }
    %scan3A_15 = arith.constant 4 : i32
    return
  }
}

#map = affine_map<(d0, d1) -> (0, 0)>
#map1 = affine_map<(d0, d1) -> (0)>
#map2 = affine_map<(d0, d1) -> (0, 0, 0)>
module attributes {stable_mosaic.version = 14 : i64} {
  func.func @k(%arg0: i32, %arg1: i32, %arg2: memref<100000x64xf32, #tpu.memory_space<hbm>>, %arg3: memref<876544xi32, #tpu.memory_space<hbm>>, %arg4: memref<256x856x128xf32, #tpu.memory_space<hbm>>, %arg5: memref<6848xi32, #tpu.memory_space<vmem>>, %arg6: memref<856x64xf32, #tpu.memory_space<vmem>>, %arg7: memref<856x64xf32, #tpu.memory_space<vmem>>, %arg8: memref<!tpu.dma_semaphore, #tpu.memory_space<semaphore_mem>>, %arg9: memref<!tpu.dma_semaphore, #tpu.memory_space<semaphore_mem>>) attributes {dimension_semantics = [#tpu.dimension_semantics<core_parallel>, #tpu.dimension_semantics<subcore_parallel>], iteration_bounds = array<i64: 2, 16>, scalar_prefetch = 0 : i64, scratch_operands = 5 : i64, tpu.core_type = #tpu.core_type<sc_vector_subcore>, window_params = [{transform_indices = #map}, {transform_indices = #map1}, {transform_indices = #map2}]} {
    %mul3A = arith.constant 2 : i32
    %mul3A_0 = arith.muli %arg1, %mul3A : i32
    %add3A = arith.addi %mul3A_0, %arg0 : i32
    %mul3A_1 = arith.constant 8 : i32
    %mul3A_2 = arith.muli %add3A, %mul3A_1 : i32
    %add3A_3 = arith.constant 512 : i32
    %add3A_4 = arith.addi %add3A_3, %mul3A_2 : i32
    %mul3A_5 = arith.constant 856 : i32
    %mul3A_6 = arith.muli %add3A_4, %mul3A_5 : i32
    "tpu.region"() ({
      %run_scoped3A = tpu.sem_alloc : memref<!tpu.dma_semaphore, #tpu.memory_space<semaphore_mem>>
      %dma_start3A_16 = tpu.memref_slice %arg3[%mul3A_6] : memref<876544xi32, #tpu.memory_space<hbm>> -> memref<6848xi32, #tpu.memory_space<hbm>>
      %dma_start3A_17 = tpu.memref_slice %arg3[%mul3A_6] : memref<876544xi32, #tpu.memory_space<hbm>> -> memref<6848xi32, #tpu.memory_space<hbm>>
      tpu.enqueue_dma source(%dma_start3A_17 : memref<6848xi32, #tpu.memory_space<hbm>>) target(%arg5 : memref<6848xi32, #tpu.memory_space<vmem>>) target_semaphore(%run_scoped3A : memref<!tpu.dma_semaphore, #tpu.memory_space<semaphore_mem>>)
      %dma_wait3A = tpu.memref_slice %arg3[%mul3A_6] : memref<876544xi32, #tpu.memory_space<hbm>> -> memref<6848xi32, #tpu.memory_space<hbm>>
      %dma_wait3A_18 = tpu.memref_slice %arg3[%mul3A_6] : memref<876544xi32, #tpu.memory_space<hbm>> -> memref<6848xi32, #tpu.memory_space<hbm>>
      tpu.wait_dma2 semaphore(%run_scoped3A : memref<!tpu.dma_semaphore, #tpu.memory_space<semaphore_mem>>) src(%dma_wait3A_18 : memref<6848xi32, #tpu.memory_space<hbm>>) dst(%arg5 : memref<6848xi32, #tpu.memory_space<vmem>>)
      tpu.yield
    }) : () -> ()
    %dma_start3A = arith.constant 0 : i32
    %dma_start3A_7 = tpu.memref_slice %arg5[%dma_start3A] : memref<6848xi32, #tpu.memory_space<vmem>> -> memref<856xi32, #tpu.memory_space<vmem>>
    %dma_start3A_8 = arith.constant 0 : i32
    %dma_start3A_9 = arith.constant 0 : i32
    %dma_start3A_10 = tpu.memref_slice %arg2[%dma_start3A_8, %dma_start3A_9] : memref<100000x64xf32, #tpu.memory_space<hbm>> -> memref<100000x64xf32, #tpu.memory_space<hbm>>
    tpu.enqueue_indirect_dma source(%dma_start3A_10 : memref<100000x64xf32, #tpu.memory_space<hbm>>) target(%arg6 : memref<856x64xf32, #tpu.memory_space<vmem>>) offsets(%dma_start3A_7 : memref<856xi32, #tpu.memory_space<vmem>>) semaphore(%arg8 : memref<!tpu.dma_semaphore, #tpu.memory_space<semaphore_mem>>)
    %scan3A = arith.constant 0 : i32
    %scan3A_11 = arith.constant 0 : i32
    %scan3A_12 = arith.constant 4 : i32
    %scan3A_13 = arith.addi %scan3A_11, %scan3A_12 : i32
    %scan3A_14 = arith.constant 1 : i32
    scf.for %scan3A_16 = %scan3A_11 to %scan3A_13 step %scan3A_14  : i32 {
      %mul3A_17 = arith.constant 2 : i32
      %mul3A_18 = arith.muli %mul3A_17, %scan3A_16 : i32
      %add3A_19 = arith.constant 1 : i32
      %add3A_20 = arith.addi %mul3A_18, %add3A_19 : i32
      %mul3A_21 = arith.constant 856 : i32
      %mul3A_22 = arith.muli %add3A_20, %mul3A_21 : i32
      %dma_start3A_23 = tpu.memref_slice %arg5[%mul3A_22] : memref<6848xi32, #tpu.memory_space<vmem>> -> memref<856xi32, #tpu.memory_space<vmem>>
      %dma_start3A_24 = arith.constant 0 : i32
      %dma_start3A_25 = arith.constant 0 : i32
      %dma_start3A_26 = tpu.memref_slice %arg2[%dma_start3A_24, %dma_start3A_25] : memref<100000x64xf32, #tpu.memory_space<hbm>> -> memref<100000x64xf32, #tpu.memory_space<hbm>>
      tpu.enqueue_indirect_dma source(%dma_start3A_26 : memref<100000x64xf32, #tpu.memory_space<hbm>>) target(%arg7 : memref<856x64xf32, #tpu.memory_space<vmem>>) offsets(%dma_start3A_23 : memref<856xi32, #tpu.memory_space<vmem>>) semaphore(%arg9 : memref<!tpu.dma_semaphore, #tpu.memory_space<semaphore_mem>>)
      %mul3A_27 = arith.constant 856 : i32
      %mul3A_28 = arith.muli %mul3A_18, %mul3A_27 : i32
      %dma_wait3A = tpu.memref_slice %arg5[%mul3A_28] : memref<6848xi32, #tpu.memory_space<vmem>> -> memref<856xi32, #tpu.memory_space<vmem>>
      %dma_wait3A_29 = arith.constant 0 : i32
      %dma_wait3A_30 = arith.constant 0 : i32
      %dma_wait3A_31 = tpu.memref_slice %arg2[%dma_wait3A_29, %dma_wait3A_30] : memref<100000x64xf32, #tpu.memory_space<hbm>> -> memref<100000x64xf32, #tpu.memory_space<hbm>>
      tpu.wait_indirect_dma semaphore(%arg8 : memref<!tpu.dma_semaphore, #tpu.memory_space<semaphore_mem>>) src(%dma_wait3A_31 : memref<100000x64xf32, #tpu.memory_space<hbm>>) dst(%arg6 : memref<856x64xf32, #tpu.memory_space<vmem>>)
      %add3A_32 = arith.addi %mul3A_2, %mul3A_18 : i32
      "tpu.region"() ({
        %run_scoped3A = tpu.sem_alloc : memref<!tpu.dma_semaphore, #tpu.memory_space<semaphore_mem>>
        %dma_start3A_46 = arith.constant 0 : i32
        %dma_start3A_47 = arith.constant 0 : i32
        %dma_start3A_48 = tpu.memref_slice %arg4[%add3A_32, %dma_start3A_46, %dma_start3A_47] : memref<256x856x128xf32, #tpu.memory_space<hbm>> -> memref<1x856x64xf32, #tpu.memory_space<hbm>>
        %dma_start3A_49 = tpu.memref_squeeze %dma_start3A_48 : memref<1x856x64xf32, #tpu.memory_space<hbm>> -> memref<856x64xf32, #tpu.memory_space<hbm>>
        %dma_start3A_50 = arith.constant 0 : i32
        %dma_start3A_51 = arith.constant 0 : i32
        %dma_start3A_52 = tpu.memref_slice %arg4[%add3A_32, %dma_start3A_50, %dma_start3A_51] : memref<256x856x128xf32, #tpu.memory_space<hbm>> -> memref<1x856x64xf32, #tpu.memory_space<hbm>>
        %dma_start3A_53 = tpu.memref_squeeze %dma_start3A_52 : memref<1x856x64xf32, #tpu.memory_space<hbm>> -> memref<856x64xf32, #tpu.memory_space<hbm>>
        tpu.enqueue_dma source(%arg6 : memref<856x64xf32, #tpu.memory_space<vmem>>) target(%dma_start3A_53 : memref<856x64xf32, #tpu.memory_space<hbm>>) target_semaphore(%run_scoped3A : memref<!tpu.dma_semaphore, #tpu.memory_space<semaphore_mem>>)
        %dma_wait3A_54 = arith.constant 0 : i32
        %dma_wait3A_55 = arith.constant 0 : i32
        %dma_wait3A_56 = tpu.memref_slice %arg4[%add3A_32, %dma_wait3A_54, %dma_wait3A_55] : memref<256x856x128xf32, #tpu.memory_space<hbm>> -> memref<1x856x64xf32, #tpu.memory_space<hbm>>
        %dma_wait3A_57 = tpu.memref_squeeze %dma_wait3A_56 : memref<1x856x64xf32, #tpu.memory_space<hbm>> -> memref<856x64xf32, #tpu.memory_space<hbm>>
        %dma_wait3A_58 = arith.constant 0 : i32
        %dma_wait3A_59 = arith.constant 0 : i32
        %dma_wait3A_60 = tpu.memref_slice %arg4[%add3A_32, %dma_wait3A_58, %dma_wait3A_59] : memref<256x856x128xf32, #tpu.memory_space<hbm>> -> memref<1x856x64xf32, #tpu.memory_space<hbm>>
        %dma_wait3A_61 = tpu.memref_squeeze %dma_wait3A_60 : memref<1x856x64xf32, #tpu.memory_space<hbm>> -> memref<856x64xf32, #tpu.memory_space<hbm>>
        tpu.wait_dma2 semaphore(%run_scoped3A : memref<!tpu.dma_semaphore, #tpu.memory_space<semaphore_mem>>) src(%arg6 : memref<856x64xf32, #tpu.memory_space<vmem>>) dst(%dma_wait3A_61 : memref<856x64xf32, #tpu.memory_space<hbm>>)
        tpu.yield
      }) : () -> ()
      %add3A_33 = arith.constant 1 : i32
      %add3A_34 = arith.addi %scan3A_16, %add3A_33 : i32
      %lt3A = arith.constant 4 : i32
      %lt3A_35 = arith.cmpi slt, %add3A_34, %lt3A : i32
      %convert_element_type3A = arith.extui %lt3A_35 : i1 to i32
      %cond3A = arith.constant 0 : i32
      %cond3A_36 = arith.cmpi ne, %convert_element_type3A, %cond3A : i32
      scf.if %cond3A_36 {
        %add3A_46 = arith.constant 2 : i32
        %add3A_47 = arith.addi %mul3A_18, %add3A_46 : i32
        %mul3A_48 = arith.constant 856 : i32
        %mul3A_49 = arith.muli %add3A_47, %mul3A_48 : i32
        %dma_start3A_50 = tpu.memref_slice %arg5[%mul3A_49] : memref<6848xi32, #tpu.memory_space<vmem>> -> memref<856xi32, #tpu.memory_space<vmem>>
        %dma_start3A_51 = arith.constant 0 : i32
        %dma_start3A_52 = arith.constant 0 : i32
        %dma_start3A_53 = tpu.memref_slice %arg2[%dma_start3A_51, %dma_start3A_52] : memref<100000x64xf32, #tpu.memory_space<hbm>> -> memref<100000x64xf32, #tpu.memory_space<hbm>>
        tpu.enqueue_indirect_dma source(%dma_start3A_53 : memref<100000x64xf32, #tpu.memory_space<hbm>>) target(%arg6 : memref<856x64xf32, #tpu.memory_space<vmem>>) offsets(%dma_start3A_50 : memref<856xi32, #tpu.memory_space<vmem>>) semaphore(%arg8 : memref<!tpu.dma_semaphore, #tpu.memory_space<semaphore_mem>>)
      } else {
      }
      %mul3A_37 = arith.constant 856 : i32
      %mul3A_38 = arith.muli %mul3A_18, %mul3A_37 : i32
      %dma_wait3A_39 = tpu.memref_slice %arg5[%mul3A_38] : memref<6848xi32, #tpu.memory_space<vmem>> -> memref<856xi32, #tpu.memory_space<vmem>>
      %dma_wait3A_40 = arith.constant 0 : i32
      %dma_wait3A_41 = arith.constant 0 : i32
      %dma_wait3A_42 = tpu.memref_slice %arg2[%dma_wait3A_40, %dma_wait3A_41] : memref<100000x64xf32, #tpu.memory_space<hbm>> -> memref<100000x64xf32, #tpu.memory_space<hbm>>
      tpu.wait_indirect_dma semaphore(%arg9 : memref<!tpu.dma_semaphore, #tpu.memory_space<semaphore_mem>>) src(%dma_wait3A_42 : memref<100000x64xf32, #tpu.memory_space<hbm>>) dst(%arg7 : memref<856x64xf32, #tpu.memory_space<vmem>>)
      %add3A_43 = arith.constant 1 : i32
      %add3A_44 = arith.addi %mul3A_18, %add3A_43 : i32
      %add3A_45 = arith.addi %mul3A_2, %add3A_44 : i32
      "tpu.region"() ({
        %run_scoped3A = tpu.sem_alloc : memref<!tpu.dma_semaphore, #tpu.memory_space<semaphore_mem>>
        %dma_start3A_46 = arith.constant 0 : i32
        %dma_start3A_47 = arith.constant 0 : i32
        %dma_start3A_48 = tpu.memref_slice %arg4[%add3A_45, %dma_start3A_46, %dma_start3A_47] : memref<256x856x128xf32, #tpu.memory_space<hbm>> -> memref<1x856x64xf32, #tpu.memory_space<hbm>>
        %dma_start3A_49 = tpu.memref_squeeze %dma_start3A_48 : memref<1x856x64xf32, #tpu.memory_space<hbm>> -> memref<856x64xf32, #tpu.memory_space<hbm>>
        %dma_start3A_50 = arith.constant 0 : i32
        %dma_start3A_51 = arith.constant 0 : i32
        %dma_start3A_52 = tpu.memref_slice %arg4[%add3A_45, %dma_start3A_50, %dma_start3A_51] : memref<256x856x128xf32, #tpu.memory_space<hbm>> -> memref<1x856x64xf32, #tpu.memory_space<hbm>>
        %dma_start3A_53 = tpu.memref_squeeze %dma_start3A_52 : memref<1x856x64xf32, #tpu.memory_space<hbm>> -> memref<856x64xf32, #tpu.memory_space<hbm>>
        tpu.enqueue_dma source(%arg7 : memref<856x64xf32, #tpu.memory_space<vmem>>) target(%dma_start3A_53 : memref<856x64xf32, #tpu.memory_space<hbm>>) target_semaphore(%run_scoped3A : memref<!tpu.dma_semaphore, #tpu.memory_space<semaphore_mem>>)
        %dma_wait3A_54 = arith.constant 0 : i32
        %dma_wait3A_55 = arith.constant 0 : i32
        %dma_wait3A_56 = tpu.memref_slice %arg4[%add3A_45, %dma_wait3A_54, %dma_wait3A_55] : memref<256x856x128xf32, #tpu.memory_space<hbm>> -> memref<1x856x64xf32, #tpu.memory_space<hbm>>
        %dma_wait3A_57 = tpu.memref_squeeze %dma_wait3A_56 : memref<1x856x64xf32, #tpu.memory_space<hbm>> -> memref<856x64xf32, #tpu.memory_space<hbm>>
        %dma_wait3A_58 = arith.constant 0 : i32
        %dma_wait3A_59 = arith.constant 0 : i32
        %dma_wait3A_60 = tpu.memref_slice %arg4[%add3A_45, %dma_wait3A_58, %dma_wait3A_59] : memref<256x856x128xf32, #tpu.memory_space<hbm>> -> memref<1x856x64xf32, #tpu.memory_space<hbm>>
        %dma_wait3A_61 = tpu.memref_squeeze %dma_wait3A_60 : memref<1x856x64xf32, #tpu.memory_space<hbm>> -> memref<856x64xf32, #tpu.memory_space<hbm>>
        tpu.wait_dma2 semaphore(%run_scoped3A : memref<!tpu.dma_semaphore, #tpu.memory_space<semaphore_mem>>) src(%arg7 : memref<856x64xf32, #tpu.memory_space<vmem>>) dst(%dma_wait3A_61 : memref<856x64xf32, #tpu.memory_space<hbm>>)
        tpu.yield
      }) : () -> ()
    }
    %scan3A_15 = arith.constant 4 : i32
    return
  }
}

#map = affine_map<(d0, d1) -> (0, 0)>
#map1 = affine_map<(d0, d1) -> (0)>
#map2 = affine_map<(d0, d1) -> (0, 0, 0)>
module attributes {stable_mosaic.version = 14 : i64} {
  func.func @k(%arg0: i32, %arg1: i32, %arg2: memref<100000x64xf32, #tpu.memory_space<hbm>>, %arg3: memref<876544xi32, #tpu.memory_space<hbm>>, %arg4: memref<256x856x128xf32, #tpu.memory_space<hbm>>, %arg5: memref<6848xi32, #tpu.memory_space<vmem>>, %arg6: memref<856x64xf32, #tpu.memory_space<vmem>>, %arg7: memref<856x64xf32, #tpu.memory_space<vmem>>, %arg8: memref<!tpu.dma_semaphore, #tpu.memory_space<semaphore_mem>>, %arg9: memref<!tpu.dma_semaphore, #tpu.memory_space<semaphore_mem>>) attributes {dimension_semantics = [#tpu.dimension_semantics<core_parallel>, #tpu.dimension_semantics<subcore_parallel>], iteration_bounds = array<i64: 2, 16>, scalar_prefetch = 0 : i64, scratch_operands = 5 : i64, tpu.core_type = #tpu.core_type<sc_vector_subcore>, window_params = [{transform_indices = #map}, {transform_indices = #map1}, {transform_indices = #map2}]} {
    %mul3A = arith.constant 2 : i32
    %mul3A_0 = arith.muli %arg1, %mul3A : i32
    %add3A = arith.addi %mul3A_0, %arg0 : i32
    %mul3A_1 = arith.constant 8 : i32
    %mul3A_2 = arith.muli %add3A, %mul3A_1 : i32
    %add3A_3 = arith.constant 768 : i32
    %add3A_4 = arith.addi %add3A_3, %mul3A_2 : i32
    %mul3A_5 = arith.constant 856 : i32
    %mul3A_6 = arith.muli %add3A_4, %mul3A_5 : i32
    "tpu.region"() ({
      %run_scoped3A = tpu.sem_alloc : memref<!tpu.dma_semaphore, #tpu.memory_space<semaphore_mem>>
      %dma_start3A_16 = tpu.memref_slice %arg3[%mul3A_6] : memref<876544xi32, #tpu.memory_space<hbm>> -> memref<6848xi32, #tpu.memory_space<hbm>>
      %dma_start3A_17 = tpu.memref_slice %arg3[%mul3A_6] : memref<876544xi32, #tpu.memory_space<hbm>> -> memref<6848xi32, #tpu.memory_space<hbm>>
      tpu.enqueue_dma source(%dma_start3A_17 : memref<6848xi32, #tpu.memory_space<hbm>>) target(%arg5 : memref<6848xi32, #tpu.memory_space<vmem>>) target_semaphore(%run_scoped3A : memref<!tpu.dma_semaphore, #tpu.memory_space<semaphore_mem>>)
      %dma_wait3A = tpu.memref_slice %arg3[%mul3A_6] : memref<876544xi32, #tpu.memory_space<hbm>> -> memref<6848xi32, #tpu.memory_space<hbm>>
      %dma_wait3A_18 = tpu.memref_slice %arg3[%mul3A_6] : memref<876544xi32, #tpu.memory_space<hbm>> -> memref<6848xi32, #tpu.memory_space<hbm>>
      tpu.wait_dma2 semaphore(%run_scoped3A : memref<!tpu.dma_semaphore, #tpu.memory_space<semaphore_mem>>) src(%dma_wait3A_18 : memref<6848xi32, #tpu.memory_space<hbm>>) dst(%arg5 : memref<6848xi32, #tpu.memory_space<vmem>>)
      tpu.yield
    }) : () -> ()
    %dma_start3A = arith.constant 0 : i32
    %dma_start3A_7 = tpu.memref_slice %arg5[%dma_start3A] : memref<6848xi32, #tpu.memory_space<vmem>> -> memref<856xi32, #tpu.memory_space<vmem>>
    %dma_start3A_8 = arith.constant 0 : i32
    %dma_start3A_9 = arith.constant 0 : i32
    %dma_start3A_10 = tpu.memref_slice %arg2[%dma_start3A_8, %dma_start3A_9] : memref<100000x64xf32, #tpu.memory_space<hbm>> -> memref<100000x64xf32, #tpu.memory_space<hbm>>
    tpu.enqueue_indirect_dma source(%dma_start3A_10 : memref<100000x64xf32, #tpu.memory_space<hbm>>) target(%arg6 : memref<856x64xf32, #tpu.memory_space<vmem>>) offsets(%dma_start3A_7 : memref<856xi32, #tpu.memory_space<vmem>>) semaphore(%arg8 : memref<!tpu.dma_semaphore, #tpu.memory_space<semaphore_mem>>)
    %scan3A = arith.constant 0 : i32
    %scan3A_11 = arith.constant 0 : i32
    %scan3A_12 = arith.constant 4 : i32
    %scan3A_13 = arith.addi %scan3A_11, %scan3A_12 : i32
    %scan3A_14 = arith.constant 1 : i32
    scf.for %scan3A_16 = %scan3A_11 to %scan3A_13 step %scan3A_14  : i32 {
      %mul3A_17 = arith.constant 2 : i32
      %mul3A_18 = arith.muli %mul3A_17, %scan3A_16 : i32
      %add3A_19 = arith.constant 1 : i32
      %add3A_20 = arith.addi %mul3A_18, %add3A_19 : i32
      %mul3A_21 = arith.constant 856 : i32
      %mul3A_22 = arith.muli %add3A_20, %mul3A_21 : i32
      %dma_start3A_23 = tpu.memref_slice %arg5[%mul3A_22] : memref<6848xi32, #tpu.memory_space<vmem>> -> memref<856xi32, #tpu.memory_space<vmem>>
      %dma_start3A_24 = arith.constant 0 : i32
      %dma_start3A_25 = arith.constant 0 : i32
      %dma_start3A_26 = tpu.memref_slice %arg2[%dma_start3A_24, %dma_start3A_25] : memref<100000x64xf32, #tpu.memory_space<hbm>> -> memref<100000x64xf32, #tpu.memory_space<hbm>>
      tpu.enqueue_indirect_dma source(%dma_start3A_26 : memref<100000x64xf32, #tpu.memory_space<hbm>>) target(%arg7 : memref<856x64xf32, #tpu.memory_space<vmem>>) offsets(%dma_start3A_23 : memref<856xi32, #tpu.memory_space<vmem>>) semaphore(%arg9 : memref<!tpu.dma_semaphore, #tpu.memory_space<semaphore_mem>>)
      %mul3A_27 = arith.constant 856 : i32
      %mul3A_28 = arith.muli %mul3A_18, %mul3A_27 : i32
      %dma_wait3A = tpu.memref_slice %arg5[%mul3A_28] : memref<6848xi32, #tpu.memory_space<vmem>> -> memref<856xi32, #tpu.memory_space<vmem>>
      %dma_wait3A_29 = arith.constant 0 : i32
      %dma_wait3A_30 = arith.constant 0 : i32
      %dma_wait3A_31 = tpu.memref_slice %arg2[%dma_wait3A_29, %dma_wait3A_30] : memref<100000x64xf32, #tpu.memory_space<hbm>> -> memref<100000x64xf32, #tpu.memory_space<hbm>>
      tpu.wait_indirect_dma semaphore(%arg8 : memref<!tpu.dma_semaphore, #tpu.memory_space<semaphore_mem>>) src(%dma_wait3A_31 : memref<100000x64xf32, #tpu.memory_space<hbm>>) dst(%arg6 : memref<856x64xf32, #tpu.memory_space<vmem>>)
      %add3A_32 = arith.addi %mul3A_2, %mul3A_18 : i32
      "tpu.region"() ({
        %run_scoped3A = tpu.sem_alloc : memref<!tpu.dma_semaphore, #tpu.memory_space<semaphore_mem>>
        %dma_start3A_46 = arith.constant 0 : i32
        %dma_start3A_47 = arith.constant 0 : i32
        %dma_start3A_48 = tpu.memref_slice %arg4[%add3A_32, %dma_start3A_46, %dma_start3A_47] : memref<256x856x128xf32, #tpu.memory_space<hbm>> -> memref<1x856x64xf32, #tpu.memory_space<hbm>>
        %dma_start3A_49 = tpu.memref_squeeze %dma_start3A_48 : memref<1x856x64xf32, #tpu.memory_space<hbm>> -> memref<856x64xf32, #tpu.memory_space<hbm>>
        %dma_start3A_50 = arith.constant 0 : i32
        %dma_start3A_51 = arith.constant 0 : i32
        %dma_start3A_52 = tpu.memref_slice %arg4[%add3A_32, %dma_start3A_50, %dma_start3A_51] : memref<256x856x128xf32, #tpu.memory_space<hbm>> -> memref<1x856x64xf32, #tpu.memory_space<hbm>>
        %dma_start3A_53 = tpu.memref_squeeze %dma_start3A_52 : memref<1x856x64xf32, #tpu.memory_space<hbm>> -> memref<856x64xf32, #tpu.memory_space<hbm>>
        tpu.enqueue_dma source(%arg6 : memref<856x64xf32, #tpu.memory_space<vmem>>) target(%dma_start3A_53 : memref<856x64xf32, #tpu.memory_space<hbm>>) target_semaphore(%run_scoped3A : memref<!tpu.dma_semaphore, #tpu.memory_space<semaphore_mem>>)
        %dma_wait3A_54 = arith.constant 0 : i32
        %dma_wait3A_55 = arith.constant 0 : i32
        %dma_wait3A_56 = tpu.memref_slice %arg4[%add3A_32, %dma_wait3A_54, %dma_wait3A_55] : memref<256x856x128xf32, #tpu.memory_space<hbm>> -> memref<1x856x64xf32, #tpu.memory_space<hbm>>
        %dma_wait3A_57 = tpu.memref_squeeze %dma_wait3A_56 : memref<1x856x64xf32, #tpu.memory_space<hbm>> -> memref<856x64xf32, #tpu.memory_space<hbm>>
        %dma_wait3A_58 = arith.constant 0 : i32
        %dma_wait3A_59 = arith.constant 0 : i32
        %dma_wait3A_60 = tpu.memref_slice %arg4[%add3A_32, %dma_wait3A_58, %dma_wait3A_59] : memref<256x856x128xf32, #tpu.memory_space<hbm>> -> memref<1x856x64xf32, #tpu.memory_space<hbm>>
        %dma_wait3A_61 = tpu.memref_squeeze %dma_wait3A_60 : memref<1x856x64xf32, #tpu.memory_space<hbm>> -> memref<856x64xf32, #tpu.memory_space<hbm>>
        tpu.wait_dma2 semaphore(%run_scoped3A : memref<!tpu.dma_semaphore, #tpu.memory_space<semaphore_mem>>) src(%arg6 : memref<856x64xf32, #tpu.memory_space<vmem>>) dst(%dma_wait3A_61 : memref<856x64xf32, #tpu.memory_space<hbm>>)
        tpu.yield
      }) : () -> ()
      %add3A_33 = arith.constant 1 : i32
      %add3A_34 = arith.addi %scan3A_16, %add3A_33 : i32
      %lt3A = arith.constant 4 : i32
      %lt3A_35 = arith.cmpi slt, %add3A_34, %lt3A : i32
      %convert_element_type3A = arith.extui %lt3A_35 : i1 to i32
      %cond3A = arith.constant 0 : i32
      %cond3A_36 = arith.cmpi ne, %convert_element_type3A, %cond3A : i32
      scf.if %cond3A_36 {
        %add3A_46 = arith.constant 2 : i32
        %add3A_47 = arith.addi %mul3A_18, %add3A_46 : i32
        %mul3A_48 = arith.constant 856 : i32
        %mul3A_49 = arith.muli %add3A_47, %mul3A_48 : i32
        %dma_start3A_50 = tpu.memref_slice %arg5[%mul3A_49] : memref<6848xi32, #tpu.memory_space<vmem>> -> memref<856xi32, #tpu.memory_space<vmem>>
        %dma_start3A_51 = arith.constant 0 : i32
        %dma_start3A_52 = arith.constant 0 : i32
        %dma_start3A_53 = tpu.memref_slice %arg2[%dma_start3A_51, %dma_start3A_52] : memref<100000x64xf32, #tpu.memory_space<hbm>> -> memref<100000x64xf32, #tpu.memory_space<hbm>>
        tpu.enqueue_indirect_dma source(%dma_start3A_53 : memref<100000x64xf32, #tpu.memory_space<hbm>>) target(%arg6 : memref<856x64xf32, #tpu.memory_space<vmem>>) offsets(%dma_start3A_50 : memref<856xi32, #tpu.memory_space<vmem>>) semaphore(%arg8 : memref<!tpu.dma_semaphore, #tpu.memory_space<semaphore_mem>>)
      } else {
      }
      %mul3A_37 = arith.constant 856 : i32
      %mul3A_38 = arith.muli %mul3A_18, %mul3A_37 : i32
      %dma_wait3A_39 = tpu.memref_slice %arg5[%mul3A_38] : memref<6848xi32, #tpu.memory_space<vmem>> -> memref<856xi32, #tpu.memory_space<vmem>>
      %dma_wait3A_40 = arith.constant 0 : i32
      %dma_wait3A_41 = arith.constant 0 : i32
      %dma_wait3A_42 = tpu.memref_slice %arg2[%dma_wait3A_40, %dma_wait3A_41] : memref<100000x64xf32, #tpu.memory_space<hbm>> -> memref<100000x64xf32, #tpu.memory_space<hbm>>
      tpu.wait_indirect_dma semaphore(%arg9 : memref<!tpu.dma_semaphore, #tpu.memory_space<semaphore_mem>>) src(%dma_wait3A_42 : memref<100000x64xf32, #tpu.memory_space<hbm>>) dst(%arg7 : memref<856x64xf32, #tpu.memory_space<vmem>>)
      %add3A_43 = arith.constant 1 : i32
      %add3A_44 = arith.addi %mul3A_18, %add3A_43 : i32
      %add3A_45 = arith.addi %mul3A_2, %add3A_44 : i32
      "tpu.region"() ({
        %run_scoped3A = tpu.sem_alloc : memref<!tpu.dma_semaphore, #tpu.memory_space<semaphore_mem>>
        %dma_start3A_46 = arith.constant 0 : i32
        %dma_start3A_47 = arith.constant 0 : i32
        %dma_start3A_48 = tpu.memref_slice %arg4[%add3A_45, %dma_start3A_46, %dma_start3A_47] : memref<256x856x128xf32, #tpu.memory_space<hbm>> -> memref<1x856x64xf32, #tpu.memory_space<hbm>>
        %dma_start3A_49 = tpu.memref_squeeze %dma_start3A_48 : memref<1x856x64xf32, #tpu.memory_space<hbm>> -> memref<856x64xf32, #tpu.memory_space<hbm>>
        %dma_start3A_50 = arith.constant 0 : i32
        %dma_start3A_51 = arith.constant 0 : i32
        %dma_start3A_52 = tpu.memref_slice %arg4[%add3A_45, %dma_start3A_50, %dma_start3A_51] : memref<256x856x128xf32, #tpu.memory_space<hbm>> -> memref<1x856x64xf32, #tpu.memory_space<hbm>>
        %dma_start3A_53 = tpu.memref_squeeze %dma_start3A_52 : memref<1x856x64xf32, #tpu.memory_space<hbm>> -> memref<856x64xf32, #tpu.memory_space<hbm>>
        tpu.enqueue_dma source(%arg7 : memref<856x64xf32, #tpu.memory_space<vmem>>) target(%dma_start3A_53 : memref<856x64xf32, #tpu.memory_space<hbm>>) target_semaphore(%run_scoped3A : memref<!tpu.dma_semaphore, #tpu.memory_space<semaphore_mem>>)
        %dma_wait3A_54 = arith.constant 0 : i32
        %dma_wait3A_55 = arith.constant 0 : i32
        %dma_wait3A_56 = tpu.memref_slice %arg4[%add3A_45, %dma_wait3A_54, %dma_wait3A_55] : memref<256x856x128xf32, #tpu.memory_space<hbm>> -> memref<1x856x64xf32, #tpu.memory_space<hbm>>
        %dma_wait3A_57 = tpu.memref_squeeze %dma_wait3A_56 : memref<1x856x64xf32, #tpu.memory_space<hbm>> -> memref<856x64xf32, #tpu.memory_space<hbm>>
        %dma_wait3A_58 = arith.constant 0 : i32
        %dma_wait3A_59 = arith.constant 0 : i32
        %dma_wait3A_60 = tpu.memref_slice %arg4[%add3A_45, %dma_wait3A_58, %dma_wait3A_59] : memref<256x856x128xf32, #tpu.memory_space<hbm>> -> memref<1x856x64xf32, #tpu.memory_space<hbm>>
        %dma_wait3A_61 = tpu.memref_squeeze %dma_wait3A_60 : memref<1x856x64xf32, #tpu.memory_space<hbm>> -> memref<856x64xf32, #tpu.memory_space<hbm>>
        tpu.wait_dma2 semaphore(%run_scoped3A : memref<!tpu.dma_semaphore, #tpu.memory_space<semaphore_mem>>) src(%arg7 : memref<856x64xf32, #tpu.memory_space<vmem>>) dst(%dma_wait3A_61 : memref<856x64xf32, #tpu.memory_space<hbm>>)
        tpu.yield
      }) : () -> ()
    }
    %scan3A_15 = arith.constant 4 : i32
    return
  }
}

#map = affine_map<(d0, d1) -> (0, 0)>
#map1 = affine_map<(d0, d1) -> (0)>
#map2 = affine_map<(d0, d1) -> (0, 0, 0)>
module attributes {stable_mosaic.version = 14 : i64} {
  func.func @k(%arg0: i32, %arg1: i32, %arg2: memref<100000x64xf32, #tpu.memory_space<hbm>>, %arg3: memref<876544xi32, #tpu.memory_space<hbm>>, %arg4: memref<256x856x128xf32, #tpu.memory_space<hbm>>, %arg5: memref<6848xi32, #tpu.memory_space<vmem>>, %arg6: memref<856x64xf32, #tpu.memory_space<vmem>>, %arg7: memref<856x64xf32, #tpu.memory_space<vmem>>, %arg8: memref<!tpu.dma_semaphore, #tpu.memory_space<semaphore_mem>>, %arg9: memref<!tpu.dma_semaphore, #tpu.memory_space<semaphore_mem>>) attributes {dimension_semantics = [#tpu.dimension_semantics<core_parallel>, #tpu.dimension_semantics<subcore_parallel>], iteration_bounds = array<i64: 2, 16>, scalar_prefetch = 0 : i64, scratch_operands = 5 : i64, tpu.core_type = #tpu.core_type<sc_vector_subcore>, window_params = [{transform_indices = #map}, {transform_indices = #map1}, {transform_indices = #map2}]} {
    %mul3A = arith.constant 2 : i32
    %mul3A_0 = arith.muli %arg1, %mul3A : i32
    %add3A = arith.addi %mul3A_0, %arg0 : i32
    %mul3A_1 = arith.constant 8 : i32
    %mul3A_2 = arith.muli %add3A, %mul3A_1 : i32
    %add3A_3 = arith.constant 256 : i32
    %add3A_4 = arith.addi %add3A_3, %mul3A_2 : i32
    %mul3A_5 = arith.constant 856 : i32
    %mul3A_6 = arith.muli %add3A_4, %mul3A_5 : i32
    "tpu.region"() ({
      %run_scoped3A = tpu.sem_alloc : memref<!tpu.dma_semaphore, #tpu.memory_space<semaphore_mem>>
      %dma_start3A_16 = tpu.memref_slice %arg3[%mul3A_6] : memref<876544xi32, #tpu.memory_space<hbm>> -> memref<6848xi32, #tpu.memory_space<hbm>>
      %dma_start3A_17 = tpu.memref_slice %arg3[%mul3A_6] : memref<876544xi32, #tpu.memory_space<hbm>> -> memref<6848xi32, #tpu.memory_space<hbm>>
      tpu.enqueue_dma source(%dma_start3A_17 : memref<6848xi32, #tpu.memory_space<hbm>>) target(%arg5 : memref<6848xi32, #tpu.memory_space<vmem>>) target_semaphore(%run_scoped3A : memref<!tpu.dma_semaphore, #tpu.memory_space<semaphore_mem>>)
      %dma_wait3A = tpu.memref_slice %arg3[%mul3A_6] : memref<876544xi32, #tpu.memory_space<hbm>> -> memref<6848xi32, #tpu.memory_space<hbm>>
      %dma_wait3A_18 = tpu.memref_slice %arg3[%mul3A_6] : memref<876544xi32, #tpu.memory_space<hbm>> -> memref<6848xi32, #tpu.memory_space<hbm>>
      tpu.wait_dma2 semaphore(%run_scoped3A : memref<!tpu.dma_semaphore, #tpu.memory_space<semaphore_mem>>) src(%dma_wait3A_18 : memref<6848xi32, #tpu.memory_space<hbm>>) dst(%arg5 : memref<6848xi32, #tpu.memory_space<vmem>>)
      tpu.yield
    }) : () -> ()
    %dma_start3A = arith.constant 0 : i32
    %dma_start3A_7 = tpu.memref_slice %arg5[%dma_start3A] : memref<6848xi32, #tpu.memory_space<vmem>> -> memref<856xi32, #tpu.memory_space<vmem>>
    %dma_start3A_8 = arith.constant 0 : i32
    %dma_start3A_9 = arith.constant 0 : i32
    %dma_start3A_10 = tpu.memref_slice %arg2[%dma_start3A_8, %dma_start3A_9] : memref<100000x64xf32, #tpu.memory_space<hbm>> -> memref<100000x64xf32, #tpu.memory_space<hbm>>
    tpu.enqueue_indirect_dma source(%dma_start3A_10 : memref<100000x64xf32, #tpu.memory_space<hbm>>) target(%arg6 : memref<856x64xf32, #tpu.memory_space<vmem>>) offsets(%dma_start3A_7 : memref<856xi32, #tpu.memory_space<vmem>>) semaphore(%arg8 : memref<!tpu.dma_semaphore, #tpu.memory_space<semaphore_mem>>)
    %scan3A = arith.constant 0 : i32
    %scan3A_11 = arith.constant 0 : i32
    %scan3A_12 = arith.constant 4 : i32
    %scan3A_13 = arith.addi %scan3A_11, %scan3A_12 : i32
    %scan3A_14 = arith.constant 1 : i32
    scf.for %scan3A_16 = %scan3A_11 to %scan3A_13 step %scan3A_14  : i32 {
      %mul3A_17 = arith.constant 2 : i32
      %mul3A_18 = arith.muli %mul3A_17, %scan3A_16 : i32
      %add3A_19 = arith.constant 1 : i32
      %add3A_20 = arith.addi %mul3A_18, %add3A_19 : i32
      %mul3A_21 = arith.constant 856 : i32
      %mul3A_22 = arith.muli %add3A_20, %mul3A_21 : i32
      %dma_start3A_23 = tpu.memref_slice %arg5[%mul3A_22] : memref<6848xi32, #tpu.memory_space<vmem>> -> memref<856xi32, #tpu.memory_space<vmem>>
      %dma_start3A_24 = arith.constant 0 : i32
      %dma_start3A_25 = arith.constant 0 : i32
      %dma_start3A_26 = tpu.memref_slice %arg2[%dma_start3A_24, %dma_start3A_25] : memref<100000x64xf32, #tpu.memory_space<hbm>> -> memref<100000x64xf32, #tpu.memory_space<hbm>>
      tpu.enqueue_indirect_dma source(%dma_start3A_26 : memref<100000x64xf32, #tpu.memory_space<hbm>>) target(%arg7 : memref<856x64xf32, #tpu.memory_space<vmem>>) offsets(%dma_start3A_23 : memref<856xi32, #tpu.memory_space<vmem>>) semaphore(%arg9 : memref<!tpu.dma_semaphore, #tpu.memory_space<semaphore_mem>>)
      %mul3A_27 = arith.constant 856 : i32
      %mul3A_28 = arith.muli %mul3A_18, %mul3A_27 : i32
      %dma_wait3A = tpu.memref_slice %arg5[%mul3A_28] : memref<6848xi32, #tpu.memory_space<vmem>> -> memref<856xi32, #tpu.memory_space<vmem>>
      %dma_wait3A_29 = arith.constant 0 : i32
      %dma_wait3A_30 = arith.constant 0 : i32
      %dma_wait3A_31 = tpu.memref_slice %arg2[%dma_wait3A_29, %dma_wait3A_30] : memref<100000x64xf32, #tpu.memory_space<hbm>> -> memref<100000x64xf32, #tpu.memory_space<hbm>>
      tpu.wait_indirect_dma semaphore(%arg8 : memref<!tpu.dma_semaphore, #tpu.memory_space<semaphore_mem>>) src(%dma_wait3A_31 : memref<100000x64xf32, #tpu.memory_space<hbm>>) dst(%arg6 : memref<856x64xf32, #tpu.memory_space<vmem>>)
      %add3A_32 = arith.addi %mul3A_2, %mul3A_18 : i32
      "tpu.region"() ({
        %run_scoped3A = tpu.sem_alloc : memref<!tpu.dma_semaphore, #tpu.memory_space<semaphore_mem>>
        %dma_start3A_46 = arith.constant 0 : i32
        %dma_start3A_47 = arith.constant 0 : i32
        %dma_start3A_48 = tpu.memref_slice %arg4[%add3A_32, %dma_start3A_46, %dma_start3A_47] : memref<256x856x128xf32, #tpu.memory_space<hbm>> -> memref<1x856x64xf32, #tpu.memory_space<hbm>>
        %dma_start3A_49 = tpu.memref_squeeze %dma_start3A_48 : memref<1x856x64xf32, #tpu.memory_space<hbm>> -> memref<856x64xf32, #tpu.memory_space<hbm>>
        %dma_start3A_50 = arith.constant 0 : i32
        %dma_start3A_51 = arith.constant 0 : i32
        %dma_start3A_52 = tpu.memref_slice %arg4[%add3A_32, %dma_start3A_50, %dma_start3A_51] : memref<256x856x128xf32, #tpu.memory_space<hbm>> -> memref<1x856x64xf32, #tpu.memory_space<hbm>>
        %dma_start3A_53 = tpu.memref_squeeze %dma_start3A_52 : memref<1x856x64xf32, #tpu.memory_space<hbm>> -> memref<856x64xf32, #tpu.memory_space<hbm>>
        tpu.enqueue_dma source(%arg6 : memref<856x64xf32, #tpu.memory_space<vmem>>) target(%dma_start3A_53 : memref<856x64xf32, #tpu.memory_space<hbm>>) target_semaphore(%run_scoped3A : memref<!tpu.dma_semaphore, #tpu.memory_space<semaphore_mem>>)
        %dma_wait3A_54 = arith.constant 0 : i32
        %dma_wait3A_55 = arith.constant 0 : i32
        %dma_wait3A_56 = tpu.memref_slice %arg4[%add3A_32, %dma_wait3A_54, %dma_wait3A_55] : memref<256x856x128xf32, #tpu.memory_space<hbm>> -> memref<1x856x64xf32, #tpu.memory_space<hbm>>
        %dma_wait3A_57 = tpu.memref_squeeze %dma_wait3A_56 : memref<1x856x64xf32, #tpu.memory_space<hbm>> -> memref<856x64xf32, #tpu.memory_space<hbm>>
        %dma_wait3A_58 = arith.constant 0 : i32
        %dma_wait3A_59 = arith.constant 0 : i32
        %dma_wait3A_60 = tpu.memref_slice %arg4[%add3A_32, %dma_wait3A_58, %dma_wait3A_59] : memref<256x856x128xf32, #tpu.memory_space<hbm>> -> memref<1x856x64xf32, #tpu.memory_space<hbm>>
        %dma_wait3A_61 = tpu.memref_squeeze %dma_wait3A_60 : memref<1x856x64xf32, #tpu.memory_space<hbm>> -> memref<856x64xf32, #tpu.memory_space<hbm>>
        tpu.wait_dma2 semaphore(%run_scoped3A : memref<!tpu.dma_semaphore, #tpu.memory_space<semaphore_mem>>) src(%arg6 : memref<856x64xf32, #tpu.memory_space<vmem>>) dst(%dma_wait3A_61 : memref<856x64xf32, #tpu.memory_space<hbm>>)
        tpu.yield
      }) : () -> ()
      %add3A_33 = arith.constant 1 : i32
      %add3A_34 = arith.addi %scan3A_16, %add3A_33 : i32
      %lt3A = arith.constant 4 : i32
      %lt3A_35 = arith.cmpi slt, %add3A_34, %lt3A : i32
      %convert_element_type3A = arith.extui %lt3A_35 : i1 to i32
      %cond3A = arith.constant 0 : i32
      %cond3A_36 = arith.cmpi ne, %convert_element_type3A, %cond3A : i32
      scf.if %cond3A_36 {
        %add3A_46 = arith.constant 2 : i32
        %add3A_47 = arith.addi %mul3A_18, %add3A_46 : i32
        %mul3A_48 = arith.constant 856 : i32
        %mul3A_49 = arith.muli %add3A_47, %mul3A_48 : i32
        %dma_start3A_50 = tpu.memref_slice %arg5[%mul3A_49] : memref<6848xi32, #tpu.memory_space<vmem>> -> memref<856xi32, #tpu.memory_space<vmem>>
        %dma_start3A_51 = arith.constant 0 : i32
        %dma_start3A_52 = arith.constant 0 : i32
        %dma_start3A_53 = tpu.memref_slice %arg2[%dma_start3A_51, %dma_start3A_52] : memref<100000x64xf32, #tpu.memory_space<hbm>> -> memref<100000x64xf32, #tpu.memory_space<hbm>>
        tpu.enqueue_indirect_dma source(%dma_start3A_53 : memref<100000x64xf32, #tpu.memory_space<hbm>>) target(%arg6 : memref<856x64xf32, #tpu.memory_space<vmem>>) offsets(%dma_start3A_50 : memref<856xi32, #tpu.memory_space<vmem>>) semaphore(%arg8 : memref<!tpu.dma_semaphore, #tpu.memory_space<semaphore_mem>>)
      } else {
      }
      %mul3A_37 = arith.constant 856 : i32
      %mul3A_38 = arith.muli %mul3A_18, %mul3A_37 : i32
      %dma_wait3A_39 = tpu.memref_slice %arg5[%mul3A_38] : memref<6848xi32, #tpu.memory_space<vmem>> -> memref<856xi32, #tpu.memory_space<vmem>>
      %dma_wait3A_40 = arith.constant 0 : i32
      %dma_wait3A_41 = arith.constant 0 : i32
      %dma_wait3A_42 = tpu.memref_slice %arg2[%dma_wait3A_40, %dma_wait3A_41] : memref<100000x64xf32, #tpu.memory_space<hbm>> -> memref<100000x64xf32, #tpu.memory_space<hbm>>
      tpu.wait_indirect_dma semaphore(%arg9 : memref<!tpu.dma_semaphore, #tpu.memory_space<semaphore_mem>>) src(%dma_wait3A_42 : memref<100000x64xf32, #tpu.memory_space<hbm>>) dst(%arg7 : memref<856x64xf32, #tpu.memory_space<vmem>>)
      %add3A_43 = arith.constant 1 : i32
      %add3A_44 = arith.addi %mul3A_18, %add3A_43 : i32
      %add3A_45 = arith.addi %mul3A_2, %add3A_44 : i32
      "tpu.region"() ({
        %run_scoped3A = tpu.sem_alloc : memref<!tpu.dma_semaphore, #tpu.memory_space<semaphore_mem>>
        %dma_start3A_46 = arith.constant 0 : i32
        %dma_start3A_47 = arith.constant 0 : i32
        %dma_start3A_48 = tpu.memref_slice %arg4[%add3A_45, %dma_start3A_46, %dma_start3A_47] : memref<256x856x128xf32, #tpu.memory_space<hbm>> -> memref<1x856x64xf32, #tpu.memory_space<hbm>>
        %dma_start3A_49 = tpu.memref_squeeze %dma_start3A_48 : memref<1x856x64xf32, #tpu.memory_space<hbm>> -> memref<856x64xf32, #tpu.memory_space<hbm>>
        %dma_start3A_50 = arith.constant 0 : i32
        %dma_start3A_51 = arith.constant 0 : i32
        %dma_start3A_52 = tpu.memref_slice %arg4[%add3A_45, %dma_start3A_50, %dma_start3A_51] : memref<256x856x128xf32, #tpu.memory_space<hbm>> -> memref<1x856x64xf32, #tpu.memory_space<hbm>>
        %dma_start3A_53 = tpu.memref_squeeze %dma_start3A_52 : memref<1x856x64xf32, #tpu.memory_space<hbm>> -> memref<856x64xf32, #tpu.memory_space<hbm>>
        tpu.enqueue_dma source(%arg7 : memref<856x64xf32, #tpu.memory_space<vmem>>) target(%dma_start3A_53 : memref<856x64xf32, #tpu.memory_space<hbm>>) target_semaphore(%run_scoped3A : memref<!tpu.dma_semaphore, #tpu.memory_space<semaphore_mem>>)
        %dma_wait3A_54 = arith.constant 0 : i32
        %dma_wait3A_55 = arith.constant 0 : i32
        %dma_wait3A_56 = tpu.memref_slice %arg4[%add3A_45, %dma_wait3A_54, %dma_wait3A_55] : memref<256x856x128xf32, #tpu.memory_space<hbm>> -> memref<1x856x64xf32, #tpu.memory_space<hbm>>
        %dma_wait3A_57 = tpu.memref_squeeze %dma_wait3A_56 : memref<1x856x64xf32, #tpu.memory_space<hbm>> -> memref<856x64xf32, #tpu.memory_space<hbm>>
        %dma_wait3A_58 = arith.constant 0 : i32
        %dma_wait3A_59 = arith.constant 0 : i32
        %dma_wait3A_60 = tpu.memref_slice %arg4[%add3A_45, %dma_wait3A_58, %dma_wait3A_59] : memref<256x856x128xf32, #tpu.memory_space<hbm>> -> memref<1x856x64xf32, #tpu.memory_space<hbm>>
        %dma_wait3A_61 = tpu.memref_squeeze %dma_wait3A_60 : memref<1x856x64xf32, #tpu.memory_space<hbm>> -> memref<856x64xf32, #tpu.memory_space<hbm>>
        tpu.wait_dma2 semaphore(%run_scoped3A : memref<!tpu.dma_semaphore, #tpu.memory_space<semaphore_mem>>) src(%arg7 : memref<856x64xf32, #tpu.memory_space<vmem>>) dst(%dma_wait3A_61 : memref<856x64xf32, #tpu.memory_space<hbm>>)
        tpu.yield
      }) : () -> ()
    }
    %scan3A_15 = arith.constant 4 : i32
    return
  }
}

module attributes {stable_mosaic.version = 14 : i64} {
  func.func @body(%arg0: i32, %arg1: memref<8x856x128xf32, #tpu.memory_space<vmem>>, %arg2: memref<8x50x64xf32, #tpu.memory_space<vmem>>, %arg3: memref<8x50xf32, #tpu.memory_space<vmem>>) attributes {dimension_semantics = [#tpu.dimension_semantics<arbitrary>], iteration_bounds = array<i64: 32>, scalar_prefetch = 0 : i64, scratch_operands = 0 : i64, tpu.core_type = #tpu.core_type<tc>, window_params = [{transform_indices = @transform_0, window_bounds = array<i64: 8, 856, 128>}, {transform_indices = @transform_1, window_bounds = array<i64: 8, 50, 64>}, {transform_indices = @transform_2, window_bounds = array<i64: 8, 50>}]} {
    %get3A = arith.constant 0 : index
    %get3A_0 = arith.constant 0 : index
    %get3A_1 = arith.constant 0 : index
    %get3A_2 = vector.load %arg2[%get3A, %get3A_0, %get3A_1] : memref<8x50x64xf32, #tpu.memory_space<vmem>>, vector<8x50x64xf32>
    %mul3A = arith.mulf %get3A_2, %get3A_2 : vector<8x50x64xf32>
    %reduce_sum3A = arith.constant dense<0.000000e+00> : vector<8x64xf32>
    %reduce_sum3A_3 = vector.multi_reduction <add>, %mul3A, %reduce_sum3A [1] : vector<8x50x64xf32> to vector<8x64xf32>
    %broadcast_in_dim3A = vector.shape_cast %reduce_sum3A_3 : vector<8x64xf32> to vector<8x1x64xf32>
    %rsqrt3A = math.rsqrt %broadcast_in_dim3A : vector<8x1x64xf32>
    %min3A = arith.constant 9.99999995E+11 : f32
    %min3A_4 = vector.broadcast %min3A : f32 to vector<8x1x64xf32>
    %min3A_5 = arith.minimumf %rsqrt3A, %min3A_4 : vector<8x1x64xf32>
    %mul3A_6 = vector.broadcast %min3A_5 : vector<8x1x64xf32> to vector<8x50x64xf32>
    %mul3A_7 = arith.mulf %get3A_2, %mul3A_6 : vector<8x50x64xf32>
    %get3A_8 = arith.constant 0 : index
    %get3A_9 = arith.constant 0 : index
    %get3A_10 = arith.constant 0 : index
    %get3A_11 = vector.load %arg1[%get3A_8, %get3A_9, %get3A_10] : memref<8x856x128xf32, #tpu.memory_space<vmem>>, vector<8x50x64xf32>
    %mul3A_12 = arith.mulf %get3A_11, %get3A_11 : vector<8x50x64xf32>
    %reduce_sum3A_13 = arith.constant dense<0.000000e+00> : vector<8x64xf32>
    %reduce_sum3A_14 = vector.multi_reduction <add>, %mul3A_12, %reduce_sum3A_13 [1] : vector<8x50x64xf32> to vector<8x64xf32>
    %broadcast_in_dim3A_15 = vector.shape_cast %reduce_sum3A_14 : vector<8x64xf32> to vector<8x1x64xf32>
    %rsqrt3A_16 = math.rsqrt %broadcast_in_dim3A_15 : vector<8x1x64xf32>
    %min3A_17 = arith.constant 9.99999995E+11 : f32
    %min3A_18 = vector.broadcast %min3A_17 : f32 to vector<8x1x64xf32>
    %min3A_19 = arith.minimumf %rsqrt3A_16, %min3A_18 : vector<8x1x64xf32>
    %mul3A_20 = vector.broadcast %min3A_19 : vector<8x1x64xf32> to vector<8x50x64xf32>
    %mul3A_21 = arith.mulf %get3A_11, %mul3A_20 : vector<8x50x64xf32>
    %mul3A_22 = arith.mulf %mul3A_21, %mul3A_7 : vector<8x50x64xf32>
    %reduce_sum3A_23 = arith.constant dense<0.000000e+00> : vector<8x50xf32>
    %reduce_sum3A_24 = vector.multi_reduction <add>, %mul3A_22, %reduce_sum3A_23 [2] : vector<8x50x64xf32> to vector<8x50xf32>
    %get3A_25 = arith.constant 0 : index
    %get3A_26 = arith.constant 50 : index
    %get3A_27 = arith.constant 0 : index
    %get3A_28 = vector.load %arg1[%get3A_25, %get3A_26, %get3A_27] : memref<8x856x128xf32, #tpu.memory_space<vmem>>, vector<8x50x64xf32>
    %mul3A_29 = arith.mulf %get3A_28, %get3A_28 : vector<8x50x64xf32>
    %reduce_sum3A_30 = arith.constant dense<0.000000e+00> : vector<8x64xf32>
    %reduce_sum3A_31 = vector.multi_reduction <add>, %mul3A_29, %reduce_sum3A_30 [1] : vector<8x50x64xf32> to vector<8x64xf32>
    %broadcast_in_dim3A_32 = vector.shape_cast %reduce_sum3A_31 : vector<8x64xf32> to vector<8x1x64xf32>
    %rsqrt3A_33 = math.rsqrt %broadcast_in_dim3A_32 : vector<8x1x64xf32>
    %min3A_34 = arith.constant 9.99999995E+11 : f32
    %min3A_35 = vector.broadcast %min3A_34 : f32 to vector<8x1x64xf32>
    %min3A_36 = arith.minimumf %rsqrt3A_33, %min3A_35 : vector<8x1x64xf32>
    %mul3A_37 = vector.broadcast %min3A_36 : vector<8x1x64xf32> to vector<8x50x64xf32>
    %mul3A_38 = arith.mulf %get3A_28, %mul3A_37 : vector<8x50x64xf32>
    %mul3A_39 = arith.mulf %mul3A_38, %mul3A_7 : vector<8x50x64xf32>
    %reduce_sum3A_40 = arith.constant dense<0.000000e+00> : vector<8x50xf32>
    %reduce_sum3A_41 = vector.multi_reduction <add>, %mul3A_39, %reduce_sum3A_40 [2] : vector<8x50x64xf32> to vector<8x50xf32>
    %get3A_42 = arith.constant 0 : index
    %get3A_43 = arith.constant 100 : index
    %get3A_44 = arith.constant 0 : index
    %get3A_45 = vector.load %arg1[%get3A_42, %get3A_43, %get3A_44] : memref<8x856x128xf32, #tpu.memory_space<vmem>>, vector<8x50x64xf32>
    %mul3A_46 = arith.mulf %get3A_45, %get3A_45 : vector<8x50x64xf32>
    %reduce_sum3A_47 = arith.constant dense<0.000000e+00> : vector<8x64xf32>
    %reduce_sum3A_48 = vector.multi_reduction <add>, %mul3A_46, %reduce_sum3A_47 [1] : vector<8x50x64xf32> to vector<8x64xf32>
    %broadcast_in_dim3A_49 = vector.shape_cast %reduce_sum3A_48 : vector<8x64xf32> to vector<8x1x64xf32>
    %rsqrt3A_50 = math.rsqrt %broadcast_in_dim3A_49 : vector<8x1x64xf32>
    %min3A_51 = arith.constant 9.99999995E+11 : f32
    %min3A_52 = vector.broadcast %min3A_51 : f32 to vector<8x1x64xf32>
    %min3A_53 = arith.minimumf %rsqrt3A_50, %min3A_52 : vector<8x1x64xf32>
    %mul3A_54 = vector.broadcast %min3A_53 : vector<8x1x64xf32> to vector<8x50x64xf32>
    %mul3A_55 = arith.mulf %get3A_45, %mul3A_54 : vector<8x50x64xf32>
    %mul3A_56 = arith.mulf %mul3A_55, %mul3A_7 : vector<8x50x64xf32>
    %reduce_sum3A_57 = arith.constant dense<0.000000e+00> : vector<8x50xf32>
    %reduce_sum3A_58 = vector.multi_reduction <add>, %mul3A_56, %reduce_sum3A_57 [2] : vector<8x50x64xf32> to vector<8x50xf32>
    %get3A_59 = arith.constant 0 : index
    %get3A_60 = arith.constant 150 : index
    %get3A_61 = arith.constant 0 : index
    %get3A_62 = vector.load %arg1[%get3A_59, %get3A_60, %get3A_61] : memref<8x856x128xf32, #tpu.memory_space<vmem>>, vector<8x50x64xf32>
    %mul3A_63 = arith.mulf %get3A_62, %get3A_62 : vector<8x50x64xf32>
    %reduce_sum3A_64 = arith.constant dense<0.000000e+00> : vector<8x64xf32>
    %reduce_sum3A_65 = vector.multi_reduction <add>, %mul3A_63, %reduce_sum3A_64 [1] : vector<8x50x64xf32> to vector<8x64xf32>
    %broadcast_in_dim3A_66 = vector.shape_cast %reduce_sum3A_65 : vector<8x64xf32> to vector<8x1x64xf32>
    %rsqrt3A_67 = math.rsqrt %broadcast_in_dim3A_66 : vector<8x1x64xf32>
    %min3A_68 = arith.constant 9.99999995E+11 : f32
    %min3A_69 = vector.broadcast %min3A_68 : f32 to vector<8x1x64xf32>
    %min3A_70 = arith.minimumf %rsqrt3A_67, %min3A_69 : vector<8x1x64xf32>
    %mul3A_71 = vector.broadcast %min3A_70 : vector<8x1x64xf32> to vector<8x50x64xf32>
    %mul3A_72 = arith.mulf %get3A_62, %mul3A_71 : vector<8x50x64xf32>
    %mul3A_73 = arith.mulf %mul3A_72, %mul3A_7 : vector<8x50x64xf32>
    %reduce_sum3A_74 = arith.constant dense<0.000000e+00> : vector<8x50xf32>
    %reduce_sum3A_75 = vector.multi_reduction <add>, %mul3A_73, %reduce_sum3A_74 [2] : vector<8x50x64xf32> to vector<8x50xf32>
    %get3A_76 = arith.constant 0 : index
    %get3A_77 = arith.constant 200 : index
    %get3A_78 = arith.constant 0 : index
    %get3A_79 = vector.load %arg1[%get3A_76, %get3A_77, %get3A_78] : memref<8x856x128xf32, #tpu.memory_space<vmem>>, vector<8x50x64xf32>
    %mul3A_80 = arith.mulf %get3A_79, %get3A_79 : vector<8x50x64xf32>
    %reduce_sum3A_81 = arith.constant dense<0.000000e+00> : vector<8x64xf32>
    %reduce_sum3A_82 = vector.multi_reduction <add>, %mul3A_80, %reduce_sum3A_81 [1] : vector<8x50x64xf32> to vector<8x64xf32>
    %broadcast_in_dim3A_83 = vector.shape_cast %reduce_sum3A_82 : vector<8x64xf32> to vector<8x1x64xf32>
    %rsqrt3A_84 = math.rsqrt %broadcast_in_dim3A_83 : vector<8x1x64xf32>
    %min3A_85 = arith.constant 9.99999995E+11 : f32
    %min3A_86 = vector.broadcast %min3A_85 : f32 to vector<8x1x64xf32>
    %min3A_87 = arith.minimumf %rsqrt3A_84, %min3A_86 : vector<8x1x64xf32>
    %mul3A_88 = vector.broadcast %min3A_87 : vector<8x1x64xf32> to vector<8x50x64xf32>
    %mul3A_89 = arith.mulf %get3A_79, %mul3A_88 : vector<8x50x64xf32>
    %mul3A_90 = arith.mulf %mul3A_89, %mul3A_7 : vector<8x50x64xf32>
    %reduce_sum3A_91 = arith.constant dense<0.000000e+00> : vector<8x50xf32>
    %reduce_sum3A_92 = vector.multi_reduction <add>, %mul3A_90, %reduce_sum3A_91 [2] : vector<8x50x64xf32> to vector<8x50xf32>
    %get3A_93 = arith.constant 0 : index
    %get3A_94 = arith.constant 250 : index
    %get3A_95 = arith.constant 0 : index
    %get3A_96 = vector.load %arg1[%get3A_93, %get3A_94, %get3A_95] : memref<8x856x128xf32, #tpu.memory_space<vmem>>, vector<8x50x64xf32>
    %mul3A_97 = arith.mulf %get3A_96, %get3A_96 : vector<8x50x64xf32>
    %reduce_sum3A_98 = arith.constant dense<0.000000e+00> : vector<8x64xf32>
    %reduce_sum3A_99 = vector.multi_reduction <add>, %mul3A_97, %reduce_sum3A_98 [1] : vector<8x50x64xf32> to vector<8x64xf32>
    %broadcast_in_dim3A_100 = vector.shape_cast %reduce_sum3A_99 : vector<8x64xf32> to vector<8x1x64xf32>
    %rsqrt3A_101 = math.rsqrt %broadcast_in_dim3A_100 : vector<8x1x64xf32>
    %min3A_102 = arith.constant 9.99999995E+11 : f32
    %min3A_103 = vector.broadcast %min3A_102 : f32 to vector<8x1x64xf32>
    %min3A_104 = arith.minimumf %rsqrt3A_101, %min3A_103 : vector<8x1x64xf32>
    %mul3A_105 = vector.broadcast %min3A_104 : vector<8x1x64xf32> to vector<8x50x64xf32>
    %mul3A_106 = arith.mulf %get3A_96, %mul3A_105 : vector<8x50x64xf32>
    %mul3A_107 = arith.mulf %mul3A_106, %mul3A_7 : vector<8x50x64xf32>
    %reduce_sum3A_108 = arith.constant dense<0.000000e+00> : vector<8x50xf32>
    %reduce_sum3A_109 = vector.multi_reduction <add>, %mul3A_107, %reduce_sum3A_108 [2] : vector<8x50x64xf32> to vector<8x50xf32>
    %get3A_110 = arith.constant 0 : index
    %get3A_111 = arith.constant 300 : index
    %get3A_112 = arith.constant 0 : index
    %get3A_113 = vector.load %arg1[%get3A_110, %get3A_111, %get3A_112] : memref<8x856x128xf32, #tpu.memory_space<vmem>>, vector<8x50x64xf32>
    %mul3A_114 = arith.mulf %get3A_113, %get3A_113 : vector<8x50x64xf32>
    %reduce_sum3A_115 = arith.constant dense<0.000000e+00> : vector<8x64xf32>
    %reduce_sum3A_116 = vector.multi_reduction <add>, %mul3A_114, %reduce_sum3A_115 [1] : vector<8x50x64xf32> to vector<8x64xf32>
    %broadcast_in_dim3A_117 = vector.shape_cast %reduce_sum3A_116 : vector<8x64xf32> to vector<8x1x64xf32>
    %rsqrt3A_118 = math.rsqrt %broadcast_in_dim3A_117 : vector<8x1x64xf32>
    %min3A_119 = arith.constant 9.99999995E+11 : f32
    %min3A_120 = vector.broadcast %min3A_119 : f32 to vector<8x1x64xf32>
    %min3A_121 = arith.minimumf %rsqrt3A_118, %min3A_120 : vector<8x1x64xf32>
    %mul3A_122 = vector.broadcast %min3A_121 : vector<8x1x64xf32> to vector<8x50x64xf32>
    %mul3A_123 = arith.mulf %get3A_113, %mul3A_122 : vector<8x50x64xf32>
    %mul3A_124 = arith.mulf %mul3A_123, %mul3A_7 : vector<8x50x64xf32>
    %reduce_sum3A_125 = arith.constant dense<0.000000e+00> : vector<8x50xf32>
    %reduce_sum3A_126 = vector.multi_reduction <add>, %mul3A_124, %reduce_sum3A_125 [2] : vector<8x50x64xf32> to vector<8x50xf32>
    %get3A_127 = arith.constant 0 : index
    %get3A_128 = arith.constant 350 : index
    %get3A_129 = arith.constant 0 : index
    %get3A_130 = vector.load %arg1[%get3A_127, %get3A_128, %get3A_129] : memref<8x856x128xf32, #tpu.memory_space<vmem>>, vector<8x50x64xf32>
    %mul3A_131 = arith.mulf %get3A_130, %get3A_130 : vector<8x50x64xf32>
    %reduce_sum3A_132 = arith.constant dense<0.000000e+00> : vector<8x64xf32>
    %reduce_sum3A_133 = vector.multi_reduction <add>, %mul3A_131, %reduce_sum3A_132 [1] : vector<8x50x64xf32> to vector<8x64xf32>
    %broadcast_in_dim3A_134 = vector.shape_cast %reduce_sum3A_133 : vector<8x64xf32> to vector<8x1x64xf32>
    %rsqrt3A_135 = math.rsqrt %broadcast_in_dim3A_134 : vector<8x1x64xf32>
    %min3A_136 = arith.constant 9.99999995E+11 : f32
    %min3A_137 = vector.broadcast %min3A_136 : f32 to vector<8x1x64xf32>
    %min3A_138 = arith.minimumf %rsqrt3A_135, %min3A_137 : vector<8x1x64xf32>
    %mul3A_139 = vector.broadcast %min3A_138 : vector<8x1x64xf32> to vector<8x50x64xf32>
    %mul3A_140 = arith.mulf %get3A_130, %mul3A_139 : vector<8x50x64xf32>
    %mul3A_141 = arith.mulf %mul3A_140, %mul3A_7 : vector<8x50x64xf32>
    %reduce_sum3A_142 = arith.constant dense<0.000000e+00> : vector<8x50xf32>
    %reduce_sum3A_143 = vector.multi_reduction <add>, %mul3A_141, %reduce_sum3A_142 [2] : vector<8x50x64xf32> to vector<8x50xf32>
    %get3A_144 = arith.constant 0 : index
    %get3A_145 = arith.constant 400 : index
    %get3A_146 = arith.constant 0 : index
    %get3A_147 = vector.load %arg1[%get3A_144, %get3A_145, %get3A_146] : memref<8x856x128xf32, #tpu.memory_space<vmem>>, vector<8x50x64xf32>
    %mul3A_148 = arith.mulf %get3A_147, %get3A_147 : vector<8x50x64xf32>
    %reduce_sum3A_149 = arith.constant dense<0.000000e+00> : vector<8x64xf32>
    %reduce_sum3A_150 = vector.multi_reduction <add>, %mul3A_148, %reduce_sum3A_149 [1] : vector<8x50x64xf32> to vector<8x64xf32>
    %broadcast_in_dim3A_151 = vector.shape_cast %reduce_sum3A_150 : vector<8x64xf32> to vector<8x1x64xf32>
    %rsqrt3A_152 = math.rsqrt %broadcast_in_dim3A_151 : vector<8x1x64xf32>
    %min3A_153 = arith.constant 9.99999995E+11 : f32
    %min3A_154 = vector.broadcast %min3A_153 : f32 to vector<8x1x64xf32>
    %min3A_155 = arith.minimumf %rsqrt3A_152, %min3A_154 : vector<8x1x64xf32>
    %mul3A_156 = vector.broadcast %min3A_155 : vector<8x1x64xf32> to vector<8x50x64xf32>
    %mul3A_157 = arith.mulf %get3A_147, %mul3A_156 : vector<8x50x64xf32>
    %mul3A_158 = arith.mulf %mul3A_157, %mul3A_7 : vector<8x50x64xf32>
    %reduce_sum3A_159 = arith.constant dense<0.000000e+00> : vector<8x50xf32>
    %reduce_sum3A_160 = vector.multi_reduction <add>, %mul3A_158, %reduce_sum3A_159 [2] : vector<8x50x64xf32> to vector<8x50xf32>
    %get3A_161 = arith.constant 0 : index
    %get3A_162 = arith.constant 450 : index
    %get3A_163 = arith.constant 0 : index
    %get3A_164 = vector.load %arg1[%get3A_161, %get3A_162, %get3A_163] : memref<8x856x128xf32, #tpu.memory_space<vmem>>, vector<8x50x64xf32>
    %mul3A_165 = arith.mulf %get3A_164, %get3A_164 : vector<8x50x64xf32>
    %reduce_sum3A_166 = arith.constant dense<0.000000e+00> : vector<8x64xf32>
    %reduce_sum3A_167 = vector.multi_reduction <add>, %mul3A_165, %reduce_sum3A_166 [1] : vector<8x50x64xf32> to vector<8x64xf32>
    %broadcast_in_dim3A_168 = vector.shape_cast %reduce_sum3A_167 : vector<8x64xf32> to vector<8x1x64xf32>
    %rsqrt3A_169 = math.rsqrt %broadcast_in_dim3A_168 : vector<8x1x64xf32>
    %min3A_170 = arith.constant 9.99999995E+11 : f32
    %min3A_171 = vector.broadcast %min3A_170 : f32 to vector<8x1x64xf32>
    %min3A_172 = arith.minimumf %rsqrt3A_169, %min3A_171 : vector<8x1x64xf32>
    %mul3A_173 = vector.broadcast %min3A_172 : vector<8x1x64xf32> to vector<8x50x64xf32>
    %mul3A_174 = arith.mulf %get3A_164, %mul3A_173 : vector<8x50x64xf32>
    %mul3A_175 = arith.mulf %mul3A_174, %mul3A_7 : vector<8x50x64xf32>
    %reduce_sum3A_176 = arith.constant dense<0.000000e+00> : vector<8x50xf32>
    %reduce_sum3A_177 = vector.multi_reduction <add>, %mul3A_175, %reduce_sum3A_176 [2] : vector<8x50x64xf32> to vector<8x50xf32>
    %get3A_178 = arith.constant 0 : index
    %get3A_179 = arith.constant 500 : index
    %get3A_180 = arith.constant 0 : index
    %get3A_181 = vector.load %arg1[%get3A_178, %get3A_179, %get3A_180] : memref<8x856x128xf32, #tpu.memory_space<vmem>>, vector<8x50x64xf32>
    %mul3A_182 = arith.mulf %get3A_181, %get3A_181 : vector<8x50x64xf32>
    %reduce_sum3A_183 = arith.constant dense<0.000000e+00> : vector<8x64xf32>
    %reduce_sum3A_184 = vector.multi_reduction <add>, %mul3A_182, %reduce_sum3A_183 [1] : vector<8x50x64xf32> to vector<8x64xf32>
    %broadcast_in_dim3A_185 = vector.shape_cast %reduce_sum3A_184 : vector<8x64xf32> to vector<8x1x64xf32>
    %rsqrt3A_186 = math.rsqrt %broadcast_in_dim3A_185 : vector<8x1x64xf32>
    %min3A_187 = arith.constant 9.99999995E+11 : f32
    %min3A_188 = vector.broadcast %min3A_187 : f32 to vector<8x1x64xf32>
    %min3A_189 = arith.minimumf %rsqrt3A_186, %min3A_188 : vector<8x1x64xf32>
    %mul3A_190 = vector.broadcast %min3A_189 : vector<8x1x64xf32> to vector<8x50x64xf32>
    %mul3A_191 = arith.mulf %get3A_181, %mul3A_190 : vector<8x50x64xf32>
    %mul3A_192 = arith.mulf %mul3A_191, %mul3A_7 : vector<8x50x64xf32>
    %reduce_sum3A_193 = arith.constant dense<0.000000e+00> : vector<8x50xf32>
    %reduce_sum3A_194 = vector.multi_reduction <add>, %mul3A_192, %reduce_sum3A_193 [2] : vector<8x50x64xf32> to vector<8x50xf32>
    %get3A_195 = arith.constant 0 : index
    %get3A_196 = arith.constant 550 : index
    %get3A_197 = arith.constant 0 : index
    %get3A_198 = vector.load %arg1[%get3A_195, %get3A_196, %get3A_197] : memref<8x856x128xf32, #tpu.memory_space<vmem>>, vector<8x50x64xf32>
    %mul3A_199 = arith.mulf %get3A_198, %get3A_198 : vector<8x50x64xf32>
    %reduce_sum3A_200 = arith.constant dense<0.000000e+00> : vector<8x64xf32>
    %reduce_sum3A_201 = vector.multi_reduction <add>, %mul3A_199, %reduce_sum3A_200 [1] : vector<8x50x64xf32> to vector<8x64xf32>
    %broadcast_in_dim3A_202 = vector.shape_cast %reduce_sum3A_201 : vector<8x64xf32> to vector<8x1x64xf32>
    %rsqrt3A_203 = math.rsqrt %broadcast_in_dim3A_202 : vector<8x1x64xf32>
    %min3A_204 = arith.constant 9.99999995E+11 : f32
    %min3A_205 = vector.broadcast %min3A_204 : f32 to vector<8x1x64xf32>
    %min3A_206 = arith.minimumf %rsqrt3A_203, %min3A_205 : vector<8x1x64xf32>
    %mul3A_207 = vector.broadcast %min3A_206 : vector<8x1x64xf32> to vector<8x50x64xf32>
    %mul3A_208 = arith.mulf %get3A_198, %mul3A_207 : vector<8x50x64xf32>
    %mul3A_209 = arith.mulf %mul3A_208, %mul3A_7 : vector<8x50x64xf32>
    %reduce_sum3A_210 = arith.constant dense<0.000000e+00> : vector<8x50xf32>
    %reduce_sum3A_211 = vector.multi_reduction <add>, %mul3A_209, %reduce_sum3A_210 [2] : vector<8x50x64xf32> to vector<8x50xf32>
    %get3A_212 = arith.constant 0 : index
    %get3A_213 = arith.constant 600 : index
    %get3A_214 = arith.constant 0 : index
    %get3A_215 = vector.load %arg1[%get3A_212, %get3A_213, %get3A_214] : memref<8x856x128xf32, #tpu.memory_space<vmem>>, vector<8x50x64xf32>
    %mul3A_216 = arith.mulf %get3A_215, %get3A_215 : vector<8x50x64xf32>
    %reduce_sum3A_217 = arith.constant dense<0.000000e+00> : vector<8x64xf32>
    %reduce_sum3A_218 = vector.multi_reduction <add>, %mul3A_216, %reduce_sum3A_217 [1] : vector<8x50x64xf32> to vector<8x64xf32>
    %broadcast_in_dim3A_219 = vector.shape_cast %reduce_sum3A_218 : vector<8x64xf32> to vector<8x1x64xf32>
    %rsqrt3A_220 = math.rsqrt %broadcast_in_dim3A_219 : vector<8x1x64xf32>
    %min3A_221 = arith.constant 9.99999995E+11 : f32
    %min3A_222 = vector.broadcast %min3A_221 : f32 to vector<8x1x64xf32>
    %min3A_223 = arith.minimumf %rsqrt3A_220, %min3A_222 : vector<8x1x64xf32>
    %mul3A_224 = vector.broadcast %min3A_223 : vector<8x1x64xf32> to vector<8x50x64xf32>
    %mul3A_225 = arith.mulf %get3A_215, %mul3A_224 : vector<8x50x64xf32>
    %mul3A_226 = arith.mulf %mul3A_225, %mul3A_7 : vector<8x50x64xf32>
    %reduce_sum3A_227 = arith.constant dense<0.000000e+00> : vector<8x50xf32>
    %reduce_sum3A_228 = vector.multi_reduction <add>, %mul3A_226, %reduce_sum3A_227 [2] : vector<8x50x64xf32> to vector<8x50xf32>
    %get3A_229 = arith.constant 0 : index
    %get3A_230 = arith.constant 650 : index
    %get3A_231 = arith.constant 0 : index
    %get3A_232 = vector.load %arg1[%get3A_229, %get3A_230, %get3A_231] : memref<8x856x128xf32, #tpu.memory_space<vmem>>, vector<8x50x64xf32>
    %mul3A_233 = arith.mulf %get3A_232, %get3A_232 : vector<8x50x64xf32>
    %reduce_sum3A_234 = arith.constant dense<0.000000e+00> : vector<8x64xf32>
    %reduce_sum3A_235 = vector.multi_reduction <add>, %mul3A_233, %reduce_sum3A_234 [1] : vector<8x50x64xf32> to vector<8x64xf32>
    %broadcast_in_dim3A_236 = vector.shape_cast %reduce_sum3A_235 : vector<8x64xf32> to vector<8x1x64xf32>
    %rsqrt3A_237 = math.rsqrt %broadcast_in_dim3A_236 : vector<8x1x64xf32>
    %min3A_238 = arith.constant 9.99999995E+11 : f32
    %min3A_239 = vector.broadcast %min3A_238 : f32 to vector<8x1x64xf32>
    %min3A_240 = arith.minimumf %rsqrt3A_237, %min3A_239 : vector<8x1x64xf32>
    %mul3A_241 = vector.broadcast %min3A_240 : vector<8x1x64xf32> to vector<8x50x64xf32>
    %mul3A_242 = arith.mulf %get3A_232, %mul3A_241 : vector<8x50x64xf32>
    %mul3A_243 = arith.mulf %mul3A_242, %mul3A_7 : vector<8x50x64xf32>
    %reduce_sum3A_244 = arith.constant dense<0.000000e+00> : vector<8x50xf32>
    %reduce_sum3A_245 = vector.multi_reduction <add>, %mul3A_243, %reduce_sum3A_244 [2] : vector<8x50x64xf32> to vector<8x50xf32>
    %get3A_246 = arith.constant 0 : index
    %get3A_247 = arith.constant 700 : index
    %get3A_248 = arith.constant 0 : index
    %get3A_249 = vector.load %arg1[%get3A_246, %get3A_247, %get3A_248] : memref<8x856x128xf32, #tpu.memory_space<vmem>>, vector<8x50x64xf32>
    %mul3A_250 = arith.mulf %get3A_249, %get3A_249 : vector<8x50x64xf32>
    %reduce_sum3A_251 = arith.constant dense<0.000000e+00> : vector<8x64xf32>
    %reduce_sum3A_252 = vector.multi_reduction <add>, %mul3A_250, %reduce_sum3A_251 [1] : vector<8x50x64xf32> to vector<8x64xf32>
    %broadcast_in_dim3A_253 = vector.shape_cast %reduce_sum3A_252 : vector<8x64xf32> to vector<8x1x64xf32>
    %rsqrt3A_254 = math.rsqrt %broadcast_in_dim3A_253 : vector<8x1x64xf32>
    %min3A_255 = arith.constant 9.99999995E+11 : f32
    %min3A_256 = vector.broadcast %min3A_255 : f32 to vector<8x1x64xf32>
    %min3A_257 = arith.minimumf %rsqrt3A_254, %min3A_256 : vector<8x1x64xf32>
    %mul3A_258 = vector.broadcast %min3A_257 : vector<8x1x64xf32> to vector<8x50x64xf32>
    %mul3A_259 = arith.mulf %get3A_249, %mul3A_258 : vector<8x50x64xf32>
    %mul3A_260 = arith.mulf %mul3A_259, %mul3A_7 : vector<8x50x64xf32>
    %reduce_sum3A_261 = arith.constant dense<0.000000e+00> : vector<8x50xf32>
    %reduce_sum3A_262 = vector.multi_reduction <add>, %mul3A_260, %reduce_sum3A_261 [2] : vector<8x50x64xf32> to vector<8x50xf32>
    %get3A_263 = arith.constant 0 : index
    %get3A_264 = arith.constant 750 : index
    %get3A_265 = arith.constant 0 : index
    %get3A_266 = vector.load %arg1[%get3A_263, %get3A_264, %get3A_265] : memref<8x856x128xf32, #tpu.memory_space<vmem>>, vector<8x50x64xf32>
    %mul3A_267 = arith.mulf %get3A_266, %get3A_266 : vector<8x50x64xf32>
    %reduce_sum3A_268 = arith.constant dense<0.000000e+00> : vector<8x64xf32>
    %reduce_sum3A_269 = vector.multi_reduction <add>, %mul3A_267, %reduce_sum3A_268 [1] : vector<8x50x64xf32> to vector<8x64xf32>
    %broadcast_in_dim3A_270 = vector.shape_cast %reduce_sum3A_269 : vector<8x64xf32> to vector<8x1x64xf32>
    %rsqrt3A_271 = math.rsqrt %broadcast_in_dim3A_270 : vector<8x1x64xf32>
    %min3A_272 = arith.constant 9.99999995E+11 : f32
    %min3A_273 = vector.broadcast %min3A_272 : f32 to vector<8x1x64xf32>
    %min3A_274 = arith.minimumf %rsqrt3A_271, %min3A_273 : vector<8x1x64xf32>
    %mul3A_275 = vector.broadcast %min3A_274 : vector<8x1x64xf32> to vector<8x50x64xf32>
    %mul3A_276 = arith.mulf %get3A_266, %mul3A_275 : vector<8x50x64xf32>
    %mul3A_277 = arith.mulf %mul3A_276, %mul3A_7 : vector<8x50x64xf32>
    %reduce_sum3A_278 = arith.constant dense<0.000000e+00> : vector<8x50xf32>
    %reduce_sum3A_279 = vector.multi_reduction <add>, %mul3A_277, %reduce_sum3A_278 [2] : vector<8x50x64xf32> to vector<8x50xf32>
    %get3A_280 = arith.constant 0 : index
    %get3A_281 = arith.constant 800 : index
    %get3A_282 = arith.constant 0 : index
    %get3A_283 = vector.load %arg1[%get3A_280, %get3A_281, %get3A_282] : memref<8x856x128xf32, #tpu.memory_space<vmem>>, vector<8x50x64xf32>
    %mul3A_284 = arith.mulf %get3A_283, %get3A_283 : vector<8x50x64xf32>
    %reduce_sum3A_285 = arith.constant dense<0.000000e+00> : vector<8x64xf32>
    %reduce_sum3A_286 = vector.multi_reduction <add>, %mul3A_284, %reduce_sum3A_285 [1] : vector<8x50x64xf32> to vector<8x64xf32>
    %broadcast_in_dim3A_287 = vector.shape_cast %reduce_sum3A_286 : vector<8x64xf32> to vector<8x1x64xf32>
    %rsqrt3A_288 = math.rsqrt %broadcast_in_dim3A_287 : vector<8x1x64xf32>
    %min3A_289 = arith.constant 9.99999995E+11 : f32
    %min3A_290 = vector.broadcast %min3A_289 : f32 to vector<8x1x64xf32>
    %min3A_291 = arith.minimumf %rsqrt3A_288, %min3A_290 : vector<8x1x64xf32>
    %mul3A_292 = vector.broadcast %min3A_291 : vector<8x1x64xf32> to vector<8x50x64xf32>
    %mul3A_293 = arith.mulf %get3A_283, %mul3A_292 : vector<8x50x64xf32>
    %mul3A_294 = arith.mulf %mul3A_293, %mul3A_7 : vector<8x50x64xf32>
    %reduce_sum3A_295 = arith.constant dense<0.000000e+00> : vector<8x50xf32>
    %reduce_sum3A_296 = vector.multi_reduction <add>, %mul3A_294, %reduce_sum3A_295 [2] : vector<8x50x64xf32> to vector<8x50xf32>
    %max3A = arith.maximumf %reduce_sum3A_24, %reduce_sum3A_41 : vector<8x50xf32>
    %max3A_297 = arith.maximumf %max3A, %reduce_sum3A_58 : vector<8x50xf32>
    %max3A_298 = arith.maximumf %max3A_297, %reduce_sum3A_75 : vector<8x50xf32>
    %max3A_299 = arith.maximumf %max3A_298, %reduce_sum3A_92 : vector<8x50xf32>
    %max3A_300 = arith.maximumf %max3A_299, %reduce_sum3A_109 : vector<8x50xf32>
    %max3A_301 = arith.maximumf %max3A_300, %reduce_sum3A_126 : vector<8x50xf32>
    %max3A_302 = arith.maximumf %max3A_301, %reduce_sum3A_143 : vector<8x50xf32>
    %max3A_303 = arith.maximumf %max3A_302, %reduce_sum3A_160 : vector<8x50xf32>
    %max3A_304 = arith.maximumf %max3A_303, %reduce_sum3A_177 : vector<8x50xf32>
    %max3A_305 = arith.maximumf %max3A_304, %reduce_sum3A_194 : vector<8x50xf32>
    %max3A_306 = arith.maximumf %max3A_305, %reduce_sum3A_211 : vector<8x50xf32>
    %max3A_307 = arith.maximumf %max3A_306, %reduce_sum3A_228 : vector<8x50xf32>
    %max3A_308 = arith.maximumf %max3A_307, %reduce_sum3A_245 : vector<8x50xf32>
    %max3A_309 = arith.maximumf %max3A_308, %reduce_sum3A_262 : vector<8x50xf32>
    %max3A_310 = arith.maximumf %max3A_309, %reduce_sum3A_279 : vector<8x50xf32>
    %max3A_311 = arith.maximumf %max3A_310, %reduce_sum3A_296 : vector<8x50xf32>
    %sub3A = arith.subf %reduce_sum3A_24, %max3A_311 : vector<8x50xf32>
    %exp3A = math.exp %sub3A : vector<8x50xf32>
    %sub3A_312 = arith.subf %reduce_sum3A_41, %max3A_311 : vector<8x50xf32>
    %exp3A_313 = math.exp %sub3A_312 : vector<8x50xf32>
    %add3A = arith.addf %exp3A, %exp3A_313 : vector<8x50xf32>
    %sub3A_314 = arith.subf %reduce_sum3A_58, %max3A_311 : vector<8x50xf32>
    %exp3A_315 = math.exp %sub3A_314 : vector<8x50xf32>
    %add3A_316 = arith.addf %add3A, %exp3A_315 : vector<8x50xf32>
    %sub3A_317 = arith.subf %reduce_sum3A_75, %max3A_311 : vector<8x50xf32>
    %exp3A_318 = math.exp %sub3A_317 : vector<8x50xf32>
    %add3A_319 = arith.addf %add3A_316, %exp3A_318 : vector<8x50xf32>
    %sub3A_320 = arith.subf %reduce_sum3A_92, %max3A_311 : vector<8x50xf32>
    %exp3A_321 = math.exp %sub3A_320 : vector<8x50xf32>
    %add3A_322 = arith.addf %add3A_319, %exp3A_321 : vector<8x50xf32>
    %sub3A_323 = arith.subf %reduce_sum3A_109, %max3A_311 : vector<8x50xf32>
    %exp3A_324 = math.exp %sub3A_323 : vector<8x50xf32>
    %add3A_325 = arith.addf %add3A_322, %exp3A_324 : vector<8x50xf32>
    %sub3A_326 = arith.subf %reduce_sum3A_126, %max3A_311 : vector<8x50xf32>
    %exp3A_327 = math.exp %sub3A_326 : vector<8x50xf32>
    %add3A_328 = arith.addf %add3A_325, %exp3A_327 : vector<8x50xf32>
    %sub3A_329 = arith.subf %reduce_sum3A_143, %max3A_311 : vector<8x50xf32>
    %exp3A_330 = math.exp %sub3A_329 : vector<8x50xf32>
    %add3A_331 = arith.addf %add3A_328, %exp3A_330 : vector<8x50xf32>
    %sub3A_332 = arith.subf %reduce_sum3A_160, %max3A_311 : vector<8x50xf32>
    %exp3A_333 = math.exp %sub3A_332 : vector<8x50xf32>
    %add3A_334 = arith.addf %add3A_331, %exp3A_333 : vector<8x50xf32>
    %sub3A_335 = arith.subf %reduce_sum3A_177, %max3A_311 : vector<8x50xf32>
    %exp3A_336 = math.exp %sub3A_335 : vector<8x50xf32>
    %add3A_337 = arith.addf %add3A_334, %exp3A_336 : vector<8x50xf32>
    %sub3A_338 = arith.subf %reduce_sum3A_194, %max3A_311 : vector<8x50xf32>
    %exp3A_339 = math.exp %sub3A_338 : vector<8x50xf32>
    %add3A_340 = arith.addf %add3A_337, %exp3A_339 : vector<8x50xf32>
    %sub3A_341 = arith.subf %reduce_sum3A_211, %max3A_311 : vector<8x50xf32>
    %exp3A_342 = math.exp %sub3A_341 : vector<8x50xf32>
    %add3A_343 = arith.addf %add3A_340, %exp3A_342 : vector<8x50xf32>
    %sub3A_344 = arith.subf %reduce_sum3A_228, %max3A_311 : vector<8x50xf32>
    %exp3A_345 = math.exp %sub3A_344 : vector<8x50xf32>
    %add3A_346 = arith.addf %add3A_343, %exp3A_345 : vector<8x50xf32>
    %sub3A_347 = arith.subf %reduce_sum3A_245, %max3A_311 : vector<8x50xf32>
    %exp3A_348 = math.exp %sub3A_347 : vector<8x50xf32>
    %add3A_349 = arith.addf %add3A_346, %exp3A_348 : vector<8x50xf32>
    %sub3A_350 = arith.subf %reduce_sum3A_262, %max3A_311 : vector<8x50xf32>
    %exp3A_351 = math.exp %sub3A_350 : vector<8x50xf32>
    %add3A_352 = arith.addf %add3A_349, %exp3A_351 : vector<8x50xf32>
    %sub3A_353 = arith.subf %reduce_sum3A_279, %max3A_311 : vector<8x50xf32>
    %exp3A_354 = math.exp %sub3A_353 : vector<8x50xf32>
    %add3A_355 = arith.addf %add3A_352, %exp3A_354 : vector<8x50xf32>
    %sub3A_356 = arith.subf %reduce_sum3A_296, %max3A_311 : vector<8x50xf32>
    %exp3A_357 = math.exp %sub3A_356 : vector<8x50xf32>
    %add3A_358 = arith.addf %add3A_355, %exp3A_357 : vector<8x50xf32>
    %log3A = math.log %add3A_358 : vector<8x50xf32>
    %add3A_359 = arith.addf %max3A_311, %log3A : vector<8x50xf32>
    %sub3A_360 = arith.subf %add3A_359, %reduce_sum3A_24 : vector<8x50xf32>
    %swap3A = arith.constant 0 : index
    %swap3A_361 = arith.constant 0 : index
    %swap3A_362 = vector.load %arg3[%swap3A, %swap3A_361] : memref<8x50xf32, #tpu.memory_space<vmem>>, vector<8x50xf32>
    tpu.vector_store %arg3[%swap3A, %swap3A_361], %sub3A_360 {strides = array<i32>} : memref<8x50xf32, #tpu.memory_space<vmem>>, vector<8x50xf32>,
    return
  }
  func.func @transform_0(%arg0: i32) -> (i32, i32, i32) {
    %c0_i32 = arith.constant 0 : i32
    %c0_i32_0 = arith.constant 0 : i32
    %c0_i32_1 = arith.constant 0 : i32
    return %arg0, %c0_i32, %c0_i32_0 : i32, i32, i32
  }
  func.func @transform_1(%arg0: i32) -> (i32, i32, i32) {
    %add3A = arith.constant 96 : i32
    %add3A_0 = arith.addi %arg0, %add3A : i32
    %c0_i32 = arith.constant 0 : i32
    %c0_i32_1 = arith.constant 0 : i32
    %c0_i32_2 = arith.constant 0 : i32
    return %add3A_0, %c0_i32, %c0_i32_1 : i32, i32, i32
  }
  func.func @transform_2(%arg0: i32) -> (i32, i32) {
    %c0_i32 = arith.constant 0 : i32
    %c0_i32_0 = arith.constant 0 : i32
    return %arg0, %c0_i32 : i32, i32
  }
}

module attributes {stable_mosaic.version = 14 : i64} {
  func.func @body(%arg0: i32, %arg1: memref<8x856x128xf32, #tpu.memory_space<vmem>>, %arg2: memref<8x50x64xf32, #tpu.memory_space<vmem>>, %arg3: memref<8x50xf32, #tpu.memory_space<vmem>>) attributes {dimension_semantics = [#tpu.dimension_semantics<arbitrary>], iteration_bounds = array<i64: 32>, scalar_prefetch = 0 : i64, scratch_operands = 0 : i64, tpu.core_type = #tpu.core_type<tc>, window_params = [{transform_indices = @transform_0, window_bounds = array<i64: 8, 856, 128>}, {transform_indices = @transform_1, window_bounds = array<i64: 8, 50, 64>}, {transform_indices = @transform_2, window_bounds = array<i64: 8, 50>}]} {
    %get3A = arith.constant 0 : index
    %get3A_0 = arith.constant 0 : index
    %get3A_1 = arith.constant 0 : index
    %get3A_2 = vector.load %arg2[%get3A, %get3A_0, %get3A_1] : memref<8x50x64xf32, #tpu.memory_space<vmem>>, vector<8x50x64xf32>
    %mul3A = arith.mulf %get3A_2, %get3A_2 : vector<8x50x64xf32>
    %reduce_sum3A = arith.constant dense<0.000000e+00> : vector<8x64xf32>
    %reduce_sum3A_3 = vector.multi_reduction <add>, %mul3A, %reduce_sum3A [1] : vector<8x50x64xf32> to vector<8x64xf32>
    %broadcast_in_dim3A = vector.shape_cast %reduce_sum3A_3 : vector<8x64xf32> to vector<8x1x64xf32>
    %rsqrt3A = math.rsqrt %broadcast_in_dim3A : vector<8x1x64xf32>
    %min3A = arith.constant 9.99999995E+11 : f32
    %min3A_4 = vector.broadcast %min3A : f32 to vector<8x1x64xf32>
    %min3A_5 = arith.minimumf %rsqrt3A, %min3A_4 : vector<8x1x64xf32>
    %mul3A_6 = vector.broadcast %min3A_5 : vector<8x1x64xf32> to vector<8x50x64xf32>
    %mul3A_7 = arith.mulf %get3A_2, %mul3A_6 : vector<8x50x64xf32>
    %get3A_8 = arith.constant 0 : index
    %get3A_9 = arith.constant 0 : index
    %get3A_10 = arith.constant 0 : index
    %get3A_11 = vector.load %arg1[%get3A_8, %get3A_9, %get3A_10] : memref<8x856x128xf32, #tpu.memory_space<vmem>>, vector<8x50x64xf32>
    %mul3A_12 = arith.mulf %get3A_11, %get3A_11 : vector<8x50x64xf32>
    %reduce_sum3A_13 = arith.constant dense<0.000000e+00> : vector<8x64xf32>
    %reduce_sum3A_14 = vector.multi_reduction <add>, %mul3A_12, %reduce_sum3A_13 [1] : vector<8x50x64xf32> to vector<8x64xf32>
    %broadcast_in_dim3A_15 = vector.shape_cast %reduce_sum3A_14 : vector<8x64xf32> to vector<8x1x64xf32>
    %rsqrt3A_16 = math.rsqrt %broadcast_in_dim3A_15 : vector<8x1x64xf32>
    %min3A_17 = arith.constant 9.99999995E+11 : f32
    %min3A_18 = vector.broadcast %min3A_17 : f32 to vector<8x1x64xf32>
    %min3A_19 = arith.minimumf %rsqrt3A_16, %min3A_18 : vector<8x1x64xf32>
    %mul3A_20 = vector.broadcast %min3A_19 : vector<8x1x64xf32> to vector<8x50x64xf32>
    %mul3A_21 = arith.mulf %get3A_11, %mul3A_20 : vector<8x50x64xf32>
    %mul3A_22 = arith.mulf %mul3A_21, %mul3A_7 : vector<8x50x64xf32>
    %reduce_sum3A_23 = arith.constant dense<0.000000e+00> : vector<8x50xf32>
    %reduce_sum3A_24 = vector.multi_reduction <add>, %mul3A_22, %reduce_sum3A_23 [2] : vector<8x50x64xf32> to vector<8x50xf32>
    %get3A_25 = arith.constant 0 : index
    %get3A_26 = arith.constant 50 : index
    %get3A_27 = arith.constant 0 : index
    %get3A_28 = vector.load %arg1[%get3A_25, %get3A_26, %get3A_27] : memref<8x856x128xf32, #tpu.memory_space<vmem>>, vector<8x50x64xf32>
    %mul3A_29 = arith.mulf %get3A_28, %get3A_28 : vector<8x50x64xf32>
    %reduce_sum3A_30 = arith.constant dense<0.000000e+00> : vector<8x64xf32>
    %reduce_sum3A_31 = vector.multi_reduction <add>, %mul3A_29, %reduce_sum3A_30 [1] : vector<8x50x64xf32> to vector<8x64xf32>
    %broadcast_in_dim3A_32 = vector.shape_cast %reduce_sum3A_31 : vector<8x64xf32> to vector<8x1x64xf32>
    %rsqrt3A_33 = math.rsqrt %broadcast_in_dim3A_32 : vector<8x1x64xf32>
    %min3A_34 = arith.constant 9.99999995E+11 : f32
    %min3A_35 = vector.broadcast %min3A_34 : f32 to vector<8x1x64xf32>
    %min3A_36 = arith.minimumf %rsqrt3A_33, %min3A_35 : vector<8x1x64xf32>
    %mul3A_37 = vector.broadcast %min3A_36 : vector<8x1x64xf32> to vector<8x50x64xf32>
    %mul3A_38 = arith.mulf %get3A_28, %mul3A_37 : vector<8x50x64xf32>
    %mul3A_39 = arith.mulf %mul3A_38, %mul3A_7 : vector<8x50x64xf32>
    %reduce_sum3A_40 = arith.constant dense<0.000000e+00> : vector<8x50xf32>
    %reduce_sum3A_41 = vector.multi_reduction <add>, %mul3A_39, %reduce_sum3A_40 [2] : vector<8x50x64xf32> to vector<8x50xf32>
    %get3A_42 = arith.constant 0 : index
    %get3A_43 = arith.constant 100 : index
    %get3A_44 = arith.constant 0 : index
    %get3A_45 = vector.load %arg1[%get3A_42, %get3A_43, %get3A_44] : memref<8x856x128xf32, #tpu.memory_space<vmem>>, vector<8x50x64xf32>
    %mul3A_46 = arith.mulf %get3A_45, %get3A_45 : vector<8x50x64xf32>
    %reduce_sum3A_47 = arith.constant dense<0.000000e+00> : vector<8x64xf32>
    %reduce_sum3A_48 = vector.multi_reduction <add>, %mul3A_46, %reduce_sum3A_47 [1] : vector<8x50x64xf32> to vector<8x64xf32>
    %broadcast_in_dim3A_49 = vector.shape_cast %reduce_sum3A_48 : vector<8x64xf32> to vector<8x1x64xf32>
    %rsqrt3A_50 = math.rsqrt %broadcast_in_dim3A_49 : vector<8x1x64xf32>
    %min3A_51 = arith.constant 9.99999995E+11 : f32
    %min3A_52 = vector.broadcast %min3A_51 : f32 to vector<8x1x64xf32>
    %min3A_53 = arith.minimumf %rsqrt3A_50, %min3A_52 : vector<8x1x64xf32>
    %mul3A_54 = vector.broadcast %min3A_53 : vector<8x1x64xf32> to vector<8x50x64xf32>
    %mul3A_55 = arith.mulf %get3A_45, %mul3A_54 : vector<8x50x64xf32>
    %mul3A_56 = arith.mulf %mul3A_55, %mul3A_7 : vector<8x50x64xf32>
    %reduce_sum3A_57 = arith.constant dense<0.000000e+00> : vector<8x50xf32>
    %reduce_sum3A_58 = vector.multi_reduction <add>, %mul3A_56, %reduce_sum3A_57 [2] : vector<8x50x64xf32> to vector<8x50xf32>
    %get3A_59 = arith.constant 0 : index
    %get3A_60 = arith.constant 150 : index
    %get3A_61 = arith.constant 0 : index
    %get3A_62 = vector.load %arg1[%get3A_59, %get3A_60, %get3A_61] : memref<8x856x128xf32, #tpu.memory_space<vmem>>, vector<8x50x64xf32>
    %mul3A_63 = arith.mulf %get3A_62, %get3A_62 : vector<8x50x64xf32>
    %reduce_sum3A_64 = arith.constant dense<0.000000e+00> : vector<8x64xf32>
    %reduce_sum3A_65 = vector.multi_reduction <add>, %mul3A_63, %reduce_sum3A_64 [1] : vector<8x50x64xf32> to vector<8x64xf32>
    %broadcast_in_dim3A_66 = vector.shape_cast %reduce_sum3A_65 : vector<8x64xf32> to vector<8x1x64xf32>
    %rsqrt3A_67 = math.rsqrt %broadcast_in_dim3A_66 : vector<8x1x64xf32>
    %min3A_68 = arith.constant 9.99999995E+11 : f32
    %min3A_69 = vector.broadcast %min3A_68 : f32 to vector<8x1x64xf32>
    %min3A_70 = arith.minimumf %rsqrt3A_67, %min3A_69 : vector<8x1x64xf32>
    %mul3A_71 = vector.broadcast %min3A_70 : vector<8x1x64xf32> to vector<8x50x64xf32>
    %mul3A_72 = arith.mulf %get3A_62, %mul3A_71 : vector<8x50x64xf32>
    %mul3A_73 = arith.mulf %mul3A_72, %mul3A_7 : vector<8x50x64xf32>
    %reduce_sum3A_74 = arith.constant dense<0.000000e+00> : vector<8x50xf32>
    %reduce_sum3A_75 = vector.multi_reduction <add>, %mul3A_73, %reduce_sum3A_74 [2] : vector<8x50x64xf32> to vector<8x50xf32>
    %get3A_76 = arith.constant 0 : index
    %get3A_77 = arith.constant 200 : index
    %get3A_78 = arith.constant 0 : index
    %get3A_79 = vector.load %arg1[%get3A_76, %get3A_77, %get3A_78] : memref<8x856x128xf32, #tpu.memory_space<vmem>>, vector<8x50x64xf32>
    %mul3A_80 = arith.mulf %get3A_79, %get3A_79 : vector<8x50x64xf32>
    %reduce_sum3A_81 = arith.constant dense<0.000000e+00> : vector<8x64xf32>
    %reduce_sum3A_82 = vector.multi_reduction <add>, %mul3A_80, %reduce_sum3A_81 [1] : vector<8x50x64xf32> to vector<8x64xf32>
    %broadcast_in_dim3A_83 = vector.shape_cast %reduce_sum3A_82 : vector<8x64xf32> to vector<8x1x64xf32>
    %rsqrt3A_84 = math.rsqrt %broadcast_in_dim3A_83 : vector<8x1x64xf32>
    %min3A_85 = arith.constant 9.99999995E+11 : f32
    %min3A_86 = vector.broadcast %min3A_85 : f32 to vector<8x1x64xf32>
    %min3A_87 = arith.minimumf %rsqrt3A_84, %min3A_86 : vector<8x1x64xf32>
    %mul3A_88 = vector.broadcast %min3A_87 : vector<8x1x64xf32> to vector<8x50x64xf32>
    %mul3A_89 = arith.mulf %get3A_79, %mul3A_88 : vector<8x50x64xf32>
    %mul3A_90 = arith.mulf %mul3A_89, %mul3A_7 : vector<8x50x64xf32>
    %reduce_sum3A_91 = arith.constant dense<0.000000e+00> : vector<8x50xf32>
    %reduce_sum3A_92 = vector.multi_reduction <add>, %mul3A_90, %reduce_sum3A_91 [2] : vector<8x50x64xf32> to vector<8x50xf32>
    %get3A_93 = arith.constant 0 : index
    %get3A_94 = arith.constant 250 : index
    %get3A_95 = arith.constant 0 : index
    %get3A_96 = vector.load %arg1[%get3A_93, %get3A_94, %get3A_95] : memref<8x856x128xf32, #tpu.memory_space<vmem>>, vector<8x50x64xf32>
    %mul3A_97 = arith.mulf %get3A_96, %get3A_96 : vector<8x50x64xf32>
    %reduce_sum3A_98 = arith.constant dense<0.000000e+00> : vector<8x64xf32>
    %reduce_sum3A_99 = vector.multi_reduction <add>, %mul3A_97, %reduce_sum3A_98 [1] : vector<8x50x64xf32> to vector<8x64xf32>
    %broadcast_in_dim3A_100 = vector.shape_cast %reduce_sum3A_99 : vector<8x64xf32> to vector<8x1x64xf32>
    %rsqrt3A_101 = math.rsqrt %broadcast_in_dim3A_100 : vector<8x1x64xf32>
    %min3A_102 = arith.constant 9.99999995E+11 : f32
    %min3A_103 = vector.broadcast %min3A_102 : f32 to vector<8x1x64xf32>
    %min3A_104 = arith.minimumf %rsqrt3A_101, %min3A_103 : vector<8x1x64xf32>
    %mul3A_105 = vector.broadcast %min3A_104 : vector<8x1x64xf32> to vector<8x50x64xf32>
    %mul3A_106 = arith.mulf %get3A_96, %mul3A_105 : vector<8x50x64xf32>
    %mul3A_107 = arith.mulf %mul3A_106, %mul3A_7 : vector<8x50x64xf32>
    %reduce_sum3A_108 = arith.constant dense<0.000000e+00> : vector<8x50xf32>
    %reduce_sum3A_109 = vector.multi_reduction <add>, %mul3A_107, %reduce_sum3A_108 [2] : vector<8x50x64xf32> to vector<8x50xf32>
    %get3A_110 = arith.constant 0 : index
    %get3A_111 = arith.constant 300 : index
    %get3A_112 = arith.constant 0 : index
    %get3A_113 = vector.load %arg1[%get3A_110, %get3A_111, %get3A_112] : memref<8x856x128xf32, #tpu.memory_space<vmem>>, vector<8x50x64xf32>
    %mul3A_114 = arith.mulf %get3A_113, %get3A_113 : vector<8x50x64xf32>
    %reduce_sum3A_115 = arith.constant dense<0.000000e+00> : vector<8x64xf32>
    %reduce_sum3A_116 = vector.multi_reduction <add>, %mul3A_114, %reduce_sum3A_115 [1] : vector<8x50x64xf32> to vector<8x64xf32>
    %broadcast_in_dim3A_117 = vector.shape_cast %reduce_sum3A_116 : vector<8x64xf32> to vector<8x1x64xf32>
    %rsqrt3A_118 = math.rsqrt %broadcast_in_dim3A_117 : vector<8x1x64xf32>
    %min3A_119 = arith.constant 9.99999995E+11 : f32
    %min3A_120 = vector.broadcast %min3A_119 : f32 to vector<8x1x64xf32>
    %min3A_121 = arith.minimumf %rsqrt3A_118, %min3A_120 : vector<8x1x64xf32>
    %mul3A_122 = vector.broadcast %min3A_121 : vector<8x1x64xf32> to vector<8x50x64xf32>
    %mul3A_123 = arith.mulf %get3A_113, %mul3A_122 : vector<8x50x64xf32>
    %mul3A_124 = arith.mulf %mul3A_123, %mul3A_7 : vector<8x50x64xf32>
    %reduce_sum3A_125 = arith.constant dense<0.000000e+00> : vector<8x50xf32>
    %reduce_sum3A_126 = vector.multi_reduction <add>, %mul3A_124, %reduce_sum3A_125 [2] : vector<8x50x64xf32> to vector<8x50xf32>
    %get3A_127 = arith.constant 0 : index
    %get3A_128 = arith.constant 350 : index
    %get3A_129 = arith.constant 0 : index
    %get3A_130 = vector.load %arg1[%get3A_127, %get3A_128, %get3A_129] : memref<8x856x128xf32, #tpu.memory_space<vmem>>, vector<8x50x64xf32>
    %mul3A_131 = arith.mulf %get3A_130, %get3A_130 : vector<8x50x64xf32>
    %reduce_sum3A_132 = arith.constant dense<0.000000e+00> : vector<8x64xf32>
    %reduce_sum3A_133 = vector.multi_reduction <add>, %mul3A_131, %reduce_sum3A_132 [1] : vector<8x50x64xf32> to vector<8x64xf32>
    %broadcast_in_dim3A_134 = vector.shape_cast %reduce_sum3A_133 : vector<8x64xf32> to vector<8x1x64xf32>
    %rsqrt3A_135 = math.rsqrt %broadcast_in_dim3A_134 : vector<8x1x64xf32>
    %min3A_136 = arith.constant 9.99999995E+11 : f32
    %min3A_137 = vector.broadcast %min3A_136 : f32 to vector<8x1x64xf32>
    %min3A_138 = arith.minimumf %rsqrt3A_135, %min3A_137 : vector<8x1x64xf32>
    %mul3A_139 = vector.broadcast %min3A_138 : vector<8x1x64xf32> to vector<8x50x64xf32>
    %mul3A_140 = arith.mulf %get3A_130, %mul3A_139 : vector<8x50x64xf32>
    %mul3A_141 = arith.mulf %mul3A_140, %mul3A_7 : vector<8x50x64xf32>
    %reduce_sum3A_142 = arith.constant dense<0.000000e+00> : vector<8x50xf32>
    %reduce_sum3A_143 = vector.multi_reduction <add>, %mul3A_141, %reduce_sum3A_142 [2] : vector<8x50x64xf32> to vector<8x50xf32>
    %get3A_144 = arith.constant 0 : index
    %get3A_145 = arith.constant 400 : index
    %get3A_146 = arith.constant 0 : index
    %get3A_147 = vector.load %arg1[%get3A_144, %get3A_145, %get3A_146] : memref<8x856x128xf32, #tpu.memory_space<vmem>>, vector<8x50x64xf32>
    %mul3A_148 = arith.mulf %get3A_147, %get3A_147 : vector<8x50x64xf32>
    %reduce_sum3A_149 = arith.constant dense<0.000000e+00> : vector<8x64xf32>
    %reduce_sum3A_150 = vector.multi_reduction <add>, %mul3A_148, %reduce_sum3A_149 [1] : vector<8x50x64xf32> to vector<8x64xf32>
    %broadcast_in_dim3A_151 = vector.shape_cast %reduce_sum3A_150 : vector<8x64xf32> to vector<8x1x64xf32>
    %rsqrt3A_152 = math.rsqrt %broadcast_in_dim3A_151 : vector<8x1x64xf32>
    %min3A_153 = arith.constant 9.99999995E+11 : f32
    %min3A_154 = vector.broadcast %min3A_153 : f32 to vector<8x1x64xf32>
    %min3A_155 = arith.minimumf %rsqrt3A_152, %min3A_154 : vector<8x1x64xf32>
    %mul3A_156 = vector.broadcast %min3A_155 : vector<8x1x64xf32> to vector<8x50x64xf32>
    %mul3A_157 = arith.mulf %get3A_147, %mul3A_156 : vector<8x50x64xf32>
    %mul3A_158 = arith.mulf %mul3A_157, %mul3A_7 : vector<8x50x64xf32>
    %reduce_sum3A_159 = arith.constant dense<0.000000e+00> : vector<8x50xf32>
    %reduce_sum3A_160 = vector.multi_reduction <add>, %mul3A_158, %reduce_sum3A_159 [2] : vector<8x50x64xf32> to vector<8x50xf32>
    %get3A_161 = arith.constant 0 : index
    %get3A_162 = arith.constant 450 : index
    %get3A_163 = arith.constant 0 : index
    %get3A_164 = vector.load %arg1[%get3A_161, %get3A_162, %get3A_163] : memref<8x856x128xf32, #tpu.memory_space<vmem>>, vector<8x50x64xf32>
    %mul3A_165 = arith.mulf %get3A_164, %get3A_164 : vector<8x50x64xf32>
    %reduce_sum3A_166 = arith.constant dense<0.000000e+00> : vector<8x64xf32>
    %reduce_sum3A_167 = vector.multi_reduction <add>, %mul3A_165, %reduce_sum3A_166 [1] : vector<8x50x64xf32> to vector<8x64xf32>
    %broadcast_in_dim3A_168 = vector.shape_cast %reduce_sum3A_167 : vector<8x64xf32> to vector<8x1x64xf32>
    %rsqrt3A_169 = math.rsqrt %broadcast_in_dim3A_168 : vector<8x1x64xf32>
    %min3A_170 = arith.constant 9.99999995E+11 : f32
    %min3A_171 = vector.broadcast %min3A_170 : f32 to vector<8x1x64xf32>
    %min3A_172 = arith.minimumf %rsqrt3A_169, %min3A_171 : vector<8x1x64xf32>
    %mul3A_173 = vector.broadcast %min3A_172 : vector<8x1x64xf32> to vector<8x50x64xf32>
    %mul3A_174 = arith.mulf %get3A_164, %mul3A_173 : vector<8x50x64xf32>
    %mul3A_175 = arith.mulf %mul3A_174, %mul3A_7 : vector<8x50x64xf32>
    %reduce_sum3A_176 = arith.constant dense<0.000000e+00> : vector<8x50xf32>
    %reduce_sum3A_177 = vector.multi_reduction <add>, %mul3A_175, %reduce_sum3A_176 [2] : vector<8x50x64xf32> to vector<8x50xf32>
    %get3A_178 = arith.constant 0 : index
    %get3A_179 = arith.constant 500 : index
    %get3A_180 = arith.constant 0 : index
    %get3A_181 = vector.load %arg1[%get3A_178, %get3A_179, %get3A_180] : memref<8x856x128xf32, #tpu.memory_space<vmem>>, vector<8x50x64xf32>
    %mul3A_182 = arith.mulf %get3A_181, %get3A_181 : vector<8x50x64xf32>
    %reduce_sum3A_183 = arith.constant dense<0.000000e+00> : vector<8x64xf32>
    %reduce_sum3A_184 = vector.multi_reduction <add>, %mul3A_182, %reduce_sum3A_183 [1] : vector<8x50x64xf32> to vector<8x64xf32>
    %broadcast_in_dim3A_185 = vector.shape_cast %reduce_sum3A_184 : vector<8x64xf32> to vector<8x1x64xf32>
    %rsqrt3A_186 = math.rsqrt %broadcast_in_dim3A_185 : vector<8x1x64xf32>
    %min3A_187 = arith.constant 9.99999995E+11 : f32
    %min3A_188 = vector.broadcast %min3A_187 : f32 to vector<8x1x64xf32>
    %min3A_189 = arith.minimumf %rsqrt3A_186, %min3A_188 : vector<8x1x64xf32>
    %mul3A_190 = vector.broadcast %min3A_189 : vector<8x1x64xf32> to vector<8x50x64xf32>
    %mul3A_191 = arith.mulf %get3A_181, %mul3A_190 : vector<8x50x64xf32>
    %mul3A_192 = arith.mulf %mul3A_191, %mul3A_7 : vector<8x50x64xf32>
    %reduce_sum3A_193 = arith.constant dense<0.000000e+00> : vector<8x50xf32>
    %reduce_sum3A_194 = vector.multi_reduction <add>, %mul3A_192, %reduce_sum3A_193 [2] : vector<8x50x64xf32> to vector<8x50xf32>
    %get3A_195 = arith.constant 0 : index
    %get3A_196 = arith.constant 550 : index
    %get3A_197 = arith.constant 0 : index
    %get3A_198 = vector.load %arg1[%get3A_195, %get3A_196, %get3A_197] : memref<8x856x128xf32, #tpu.memory_space<vmem>>, vector<8x50x64xf32>
    %mul3A_199 = arith.mulf %get3A_198, %get3A_198 : vector<8x50x64xf32>
    %reduce_sum3A_200 = arith.constant dense<0.000000e+00> : vector<8x64xf32>
    %reduce_sum3A_201 = vector.multi_reduction <add>, %mul3A_199, %reduce_sum3A_200 [1] : vector<8x50x64xf32> to vector<8x64xf32>
    %broadcast_in_dim3A_202 = vector.shape_cast %reduce_sum3A_201 : vector<8x64xf32> to vector<8x1x64xf32>
    %rsqrt3A_203 = math.rsqrt %broadcast_in_dim3A_202 : vector<8x1x64xf32>
    %min3A_204 = arith.constant 9.99999995E+11 : f32
    %min3A_205 = vector.broadcast %min3A_204 : f32 to vector<8x1x64xf32>
    %min3A_206 = arith.minimumf %rsqrt3A_203, %min3A_205 : vector<8x1x64xf32>
    %mul3A_207 = vector.broadcast %min3A_206 : vector<8x1x64xf32> to vector<8x50x64xf32>
    %mul3A_208 = arith.mulf %get3A_198, %mul3A_207 : vector<8x50x64xf32>
    %mul3A_209 = arith.mulf %mul3A_208, %mul3A_7 : vector<8x50x64xf32>
    %reduce_sum3A_210 = arith.constant dense<0.000000e+00> : vector<8x50xf32>
    %reduce_sum3A_211 = vector.multi_reduction <add>, %mul3A_209, %reduce_sum3A_210 [2] : vector<8x50x64xf32> to vector<8x50xf32>
    %get3A_212 = arith.constant 0 : index
    %get3A_213 = arith.constant 600 : index
    %get3A_214 = arith.constant 0 : index
    %get3A_215 = vector.load %arg1[%get3A_212, %get3A_213, %get3A_214] : memref<8x856x128xf32, #tpu.memory_space<vmem>>, vector<8x50x64xf32>
    %mul3A_216 = arith.mulf %get3A_215, %get3A_215 : vector<8x50x64xf32>
    %reduce_sum3A_217 = arith.constant dense<0.000000e+00> : vector<8x64xf32>
    %reduce_sum3A_218 = vector.multi_reduction <add>, %mul3A_216, %reduce_sum3A_217 [1] : vector<8x50x64xf32> to vector<8x64xf32>
    %broadcast_in_dim3A_219 = vector.shape_cast %reduce_sum3A_218 : vector<8x64xf32> to vector<8x1x64xf32>
    %rsqrt3A_220 = math.rsqrt %broadcast_in_dim3A_219 : vector<8x1x64xf32>
    %min3A_221 = arith.constant 9.99999995E+11 : f32
    %min3A_222 = vector.broadcast %min3A_221 : f32 to vector<8x1x64xf32>
    %min3A_223 = arith.minimumf %rsqrt3A_220, %min3A_222 : vector<8x1x64xf32>
    %mul3A_224 = vector.broadcast %min3A_223 : vector<8x1x64xf32> to vector<8x50x64xf32>
    %mul3A_225 = arith.mulf %get3A_215, %mul3A_224 : vector<8x50x64xf32>
    %mul3A_226 = arith.mulf %mul3A_225, %mul3A_7 : vector<8x50x64xf32>
    %reduce_sum3A_227 = arith.constant dense<0.000000e+00> : vector<8x50xf32>
    %reduce_sum3A_228 = vector.multi_reduction <add>, %mul3A_226, %reduce_sum3A_227 [2] : vector<8x50x64xf32> to vector<8x50xf32>
    %get3A_229 = arith.constant 0 : index
    %get3A_230 = arith.constant 650 : index
    %get3A_231 = arith.constant 0 : index
    %get3A_232 = vector.load %arg1[%get3A_229, %get3A_230, %get3A_231] : memref<8x856x128xf32, #tpu.memory_space<vmem>>, vector<8x50x64xf32>
    %mul3A_233 = arith.mulf %get3A_232, %get3A_232 : vector<8x50x64xf32>
    %reduce_sum3A_234 = arith.constant dense<0.000000e+00> : vector<8x64xf32>
    %reduce_sum3A_235 = vector.multi_reduction <add>, %mul3A_233, %reduce_sum3A_234 [1] : vector<8x50x64xf32> to vector<8x64xf32>
    %broadcast_in_dim3A_236 = vector.shape_cast %reduce_sum3A_235 : vector<8x64xf32> to vector<8x1x64xf32>
    %rsqrt3A_237 = math.rsqrt %broadcast_in_dim3A_236 : vector<8x1x64xf32>
    %min3A_238 = arith.constant 9.99999995E+11 : f32
    %min3A_239 = vector.broadcast %min3A_238 : f32 to vector<8x1x64xf32>
    %min3A_240 = arith.minimumf %rsqrt3A_237, %min3A_239 : vector<8x1x64xf32>
    %mul3A_241 = vector.broadcast %min3A_240 : vector<8x1x64xf32> to vector<8x50x64xf32>
    %mul3A_242 = arith.mulf %get3A_232, %mul3A_241 : vector<8x50x64xf32>
    %mul3A_243 = arith.mulf %mul3A_242, %mul3A_7 : vector<8x50x64xf32>
    %reduce_sum3A_244 = arith.constant dense<0.000000e+00> : vector<8x50xf32>
    %reduce_sum3A_245 = vector.multi_reduction <add>, %mul3A_243, %reduce_sum3A_244 [2] : vector<8x50x64xf32> to vector<8x50xf32>
    %get3A_246 = arith.constant 0 : index
    %get3A_247 = arith.constant 700 : index
    %get3A_248 = arith.constant 0 : index
    %get3A_249 = vector.load %arg1[%get3A_246, %get3A_247, %get3A_248] : memref<8x856x128xf32, #tpu.memory_space<vmem>>, vector<8x50x64xf32>
    %mul3A_250 = arith.mulf %get3A_249, %get3A_249 : vector<8x50x64xf32>
    %reduce_sum3A_251 = arith.constant dense<0.000000e+00> : vector<8x64xf32>
    %reduce_sum3A_252 = vector.multi_reduction <add>, %mul3A_250, %reduce_sum3A_251 [1] : vector<8x50x64xf32> to vector<8x64xf32>
    %broadcast_in_dim3A_253 = vector.shape_cast %reduce_sum3A_252 : vector<8x64xf32> to vector<8x1x64xf32>
    %rsqrt3A_254 = math.rsqrt %broadcast_in_dim3A_253 : vector<8x1x64xf32>
    %min3A_255 = arith.constant 9.99999995E+11 : f32
    %min3A_256 = vector.broadcast %min3A_255 : f32 to vector<8x1x64xf32>
    %min3A_257 = arith.minimumf %rsqrt3A_254, %min3A_256 : vector<8x1x64xf32>
    %mul3A_258 = vector.broadcast %min3A_257 : vector<8x1x64xf32> to vector<8x50x64xf32>
    %mul3A_259 = arith.mulf %get3A_249, %mul3A_258 : vector<8x50x64xf32>
    %mul3A_260 = arith.mulf %mul3A_259, %mul3A_7 : vector<8x50x64xf32>
    %reduce_sum3A_261 = arith.constant dense<0.000000e+00> : vector<8x50xf32>
    %reduce_sum3A_262 = vector.multi_reduction <add>, %mul3A_260, %reduce_sum3A_261 [2] : vector<8x50x64xf32> to vector<8x50xf32>
    %get3A_263 = arith.constant 0 : index
    %get3A_264 = arith.constant 750 : index
    %get3A_265 = arith.constant 0 : index
    %get3A_266 = vector.load %arg1[%get3A_263, %get3A_264, %get3A_265] : memref<8x856x128xf32, #tpu.memory_space<vmem>>, vector<8x50x64xf32>
    %mul3A_267 = arith.mulf %get3A_266, %get3A_266 : vector<8x50x64xf32>
    %reduce_sum3A_268 = arith.constant dense<0.000000e+00> : vector<8x64xf32>
    %reduce_sum3A_269 = vector.multi_reduction <add>, %mul3A_267, %reduce_sum3A_268 [1] : vector<8x50x64xf32> to vector<8x64xf32>
    %broadcast_in_dim3A_270 = vector.shape_cast %reduce_sum3A_269 : vector<8x64xf32> to vector<8x1x64xf32>
    %rsqrt3A_271 = math.rsqrt %broadcast_in_dim3A_270 : vector<8x1x64xf32>
    %min3A_272 = arith.constant 9.99999995E+11 : f32
    %min3A_273 = vector.broadcast %min3A_272 : f32 to vector<8x1x64xf32>
    %min3A_274 = arith.minimumf %rsqrt3A_271, %min3A_273 : vector<8x1x64xf32>
    %mul3A_275 = vector.broadcast %min3A_274 : vector<8x1x64xf32> to vector<8x50x64xf32>
    %mul3A_276 = arith.mulf %get3A_266, %mul3A_275 : vector<8x50x64xf32>
    %mul3A_277 = arith.mulf %mul3A_276, %mul3A_7 : vector<8x50x64xf32>
    %reduce_sum3A_278 = arith.constant dense<0.000000e+00> : vector<8x50xf32>
    %reduce_sum3A_279 = vector.multi_reduction <add>, %mul3A_277, %reduce_sum3A_278 [2] : vector<8x50x64xf32> to vector<8x50xf32>
    %get3A_280 = arith.constant 0 : index
    %get3A_281 = arith.constant 800 : index
    %get3A_282 = arith.constant 0 : index
    %get3A_283 = vector.load %arg1[%get3A_280, %get3A_281, %get3A_282] : memref<8x856x128xf32, #tpu.memory_space<vmem>>, vector<8x50x64xf32>
    %mul3A_284 = arith.mulf %get3A_283, %get3A_283 : vector<8x50x64xf32>
    %reduce_sum3A_285 = arith.constant dense<0.000000e+00> : vector<8x64xf32>
    %reduce_sum3A_286 = vector.multi_reduction <add>, %mul3A_284, %reduce_sum3A_285 [1] : vector<8x50x64xf32> to vector<8x64xf32>
    %broadcast_in_dim3A_287 = vector.shape_cast %reduce_sum3A_286 : vector<8x64xf32> to vector<8x1x64xf32>
    %rsqrt3A_288 = math.rsqrt %broadcast_in_dim3A_287 : vector<8x1x64xf32>
    %min3A_289 = arith.constant 9.99999995E+11 : f32
    %min3A_290 = vector.broadcast %min3A_289 : f32 to vector<8x1x64xf32>
    %min3A_291 = arith.minimumf %rsqrt3A_288, %min3A_290 : vector<8x1x64xf32>
    %mul3A_292 = vector.broadcast %min3A_291 : vector<8x1x64xf32> to vector<8x50x64xf32>
    %mul3A_293 = arith.mulf %get3A_283, %mul3A_292 : vector<8x50x64xf32>
    %mul3A_294 = arith.mulf %mul3A_293, %mul3A_7 : vector<8x50x64xf32>
    %reduce_sum3A_295 = arith.constant dense<0.000000e+00> : vector<8x50xf32>
    %reduce_sum3A_296 = vector.multi_reduction <add>, %mul3A_294, %reduce_sum3A_295 [2] : vector<8x50x64xf32> to vector<8x50xf32>
    %max3A = arith.maximumf %reduce_sum3A_24, %reduce_sum3A_41 : vector<8x50xf32>
    %max3A_297 = arith.maximumf %max3A, %reduce_sum3A_58 : vector<8x50xf32>
    %max3A_298 = arith.maximumf %max3A_297, %reduce_sum3A_75 : vector<8x50xf32>
    %max3A_299 = arith.maximumf %max3A_298, %reduce_sum3A_92 : vector<8x50xf32>
    %max3A_300 = arith.maximumf %max3A_299, %reduce_sum3A_109 : vector<8x50xf32>
    %max3A_301 = arith.maximumf %max3A_300, %reduce_sum3A_126 : vector<8x50xf32>
    %max3A_302 = arith.maximumf %max3A_301, %reduce_sum3A_143 : vector<8x50xf32>
    %max3A_303 = arith.maximumf %max3A_302, %reduce_sum3A_160 : vector<8x50xf32>
    %max3A_304 = arith.maximumf %max3A_303, %reduce_sum3A_177 : vector<8x50xf32>
    %max3A_305 = arith.maximumf %max3A_304, %reduce_sum3A_194 : vector<8x50xf32>
    %max3A_306 = arith.maximumf %max3A_305, %reduce_sum3A_211 : vector<8x50xf32>
    %max3A_307 = arith.maximumf %max3A_306, %reduce_sum3A_228 : vector<8x50xf32>
    %max3A_308 = arith.maximumf %max3A_307, %reduce_sum3A_245 : vector<8x50xf32>
    %max3A_309 = arith.maximumf %max3A_308, %reduce_sum3A_262 : vector<8x50xf32>
    %max3A_310 = arith.maximumf %max3A_309, %reduce_sum3A_279 : vector<8x50xf32>
    %max3A_311 = arith.maximumf %max3A_310, %reduce_sum3A_296 : vector<8x50xf32>
    %sub3A = arith.subf %reduce_sum3A_24, %max3A_311 : vector<8x50xf32>
    %exp3A = math.exp %sub3A : vector<8x50xf32>
    %sub3A_312 = arith.subf %reduce_sum3A_41, %max3A_311 : vector<8x50xf32>
    %exp3A_313 = math.exp %sub3A_312 : vector<8x50xf32>
    %add3A = arith.addf %exp3A, %exp3A_313 : vector<8x50xf32>
    %sub3A_314 = arith.subf %reduce_sum3A_58, %max3A_311 : vector<8x50xf32>
    %exp3A_315 = math.exp %sub3A_314 : vector<8x50xf32>
    %add3A_316 = arith.addf %add3A, %exp3A_315 : vector<8x50xf32>
    %sub3A_317 = arith.subf %reduce_sum3A_75, %max3A_311 : vector<8x50xf32>
    %exp3A_318 = math.exp %sub3A_317 : vector<8x50xf32>
    %add3A_319 = arith.addf %add3A_316, %exp3A_318 : vector<8x50xf32>
    %sub3A_320 = arith.subf %reduce_sum3A_92, %max3A_311 : vector<8x50xf32>
    %exp3A_321 = math.exp %sub3A_320 : vector<8x50xf32>
    %add3A_322 = arith.addf %add3A_319, %exp3A_321 : vector<8x50xf32>
    %sub3A_323 = arith.subf %reduce_sum3A_109, %max3A_311 : vector<8x50xf32>
    %exp3A_324 = math.exp %sub3A_323 : vector<8x50xf32>
    %add3A_325 = arith.addf %add3A_322, %exp3A_324 : vector<8x50xf32>
    %sub3A_326 = arith.subf %reduce_sum3A_126, %max3A_311 : vector<8x50xf32>
    %exp3A_327 = math.exp %sub3A_326 : vector<8x50xf32>
    %add3A_328 = arith.addf %add3A_325, %exp3A_327 : vector<8x50xf32>
    %sub3A_329 = arith.subf %reduce_sum3A_143, %max3A_311 : vector<8x50xf32>
    %exp3A_330 = math.exp %sub3A_329 : vector<8x50xf32>
    %add3A_331 = arith.addf %add3A_328, %exp3A_330 : vector<8x50xf32>
    %sub3A_332 = arith.subf %reduce_sum3A_160, %max3A_311 : vector<8x50xf32>
    %exp3A_333 = math.exp %sub3A_332 : vector<8x50xf32>
    %add3A_334 = arith.addf %add3A_331, %exp3A_333 : vector<8x50xf32>
    %sub3A_335 = arith.subf %reduce_sum3A_177, %max3A_311 : vector<8x50xf32>
    %exp3A_336 = math.exp %sub3A_335 : vector<8x50xf32>
    %add3A_337 = arith.addf %add3A_334, %exp3A_336 : vector<8x50xf32>
    %sub3A_338 = arith.subf %reduce_sum3A_194, %max3A_311 : vector<8x50xf32>
    %exp3A_339 = math.exp %sub3A_338 : vector<8x50xf32>
    %add3A_340 = arith.addf %add3A_337, %exp3A_339 : vector<8x50xf32>
    %sub3A_341 = arith.subf %reduce_sum3A_211, %max3A_311 : vector<8x50xf32>
    %exp3A_342 = math.exp %sub3A_341 : vector<8x50xf32>
    %add3A_343 = arith.addf %add3A_340, %exp3A_342 : vector<8x50xf32>
    %sub3A_344 = arith.subf %reduce_sum3A_228, %max3A_311 : vector<8x50xf32>
    %exp3A_345 = math.exp %sub3A_344 : vector<8x50xf32>
    %add3A_346 = arith.addf %add3A_343, %exp3A_345 : vector<8x50xf32>
    %sub3A_347 = arith.subf %reduce_sum3A_245, %max3A_311 : vector<8x50xf32>
    %exp3A_348 = math.exp %sub3A_347 : vector<8x50xf32>
    %add3A_349 = arith.addf %add3A_346, %exp3A_348 : vector<8x50xf32>
    %sub3A_350 = arith.subf %reduce_sum3A_262, %max3A_311 : vector<8x50xf32>
    %exp3A_351 = math.exp %sub3A_350 : vector<8x50xf32>
    %add3A_352 = arith.addf %add3A_349, %exp3A_351 : vector<8x50xf32>
    %sub3A_353 = arith.subf %reduce_sum3A_279, %max3A_311 : vector<8x50xf32>
    %exp3A_354 = math.exp %sub3A_353 : vector<8x50xf32>
    %add3A_355 = arith.addf %add3A_352, %exp3A_354 : vector<8x50xf32>
    %sub3A_356 = arith.subf %reduce_sum3A_296, %max3A_311 : vector<8x50xf32>
    %exp3A_357 = math.exp %sub3A_356 : vector<8x50xf32>
    %add3A_358 = arith.addf %add3A_355, %exp3A_357 : vector<8x50xf32>
    %log3A = math.log %add3A_358 : vector<8x50xf32>
    %add3A_359 = arith.addf %max3A_311, %log3A : vector<8x50xf32>
    %sub3A_360 = arith.subf %add3A_359, %reduce_sum3A_24 : vector<8x50xf32>
    %swap3A = arith.constant 0 : index
    %swap3A_361 = arith.constant 0 : index
    %swap3A_362 = vector.load %arg3[%swap3A, %swap3A_361] : memref<8x50xf32, #tpu.memory_space<vmem>>, vector<8x50xf32>
    tpu.vector_store %arg3[%swap3A, %swap3A_361], %sub3A_360 {strides = array<i32>} : memref<8x50xf32, #tpu.memory_space<vmem>>, vector<8x50xf32>,
    return
  }
  func.func @transform_0(%arg0: i32) -> (i32, i32, i32) {
    %c0_i32 = arith.constant 0 : i32
    %c0_i32_0 = arith.constant 0 : i32
    %c0_i32_1 = arith.constant 0 : i32
    return %arg0, %c0_i32, %c0_i32_0 : i32, i32, i32
  }
  func.func @transform_1(%arg0: i32) -> (i32, i32, i32) {
    %add3A = arith.constant 64 : i32
    %add3A_0 = arith.addi %arg0, %add3A : i32
    %c0_i32 = arith.constant 0 : i32
    %c0_i32_1 = arith.constant 0 : i32
    %c0_i32_2 = arith.constant 0 : i32
    return %add3A_0, %c0_i32, %c0_i32_1 : i32, i32, i32
  }
  func.func @transform_2(%arg0: i32) -> (i32, i32) {
    %c0_i32 = arith.constant 0 : i32
    %c0_i32_0 = arith.constant 0 : i32
    return %arg0, %c0_i32 : i32, i32
  }
}

module attributes {stable_mosaic.version = 14 : i64} {
  func.func @body(%arg0: i32, %arg1: memref<8x856x128xf32, #tpu.memory_space<vmem>>, %arg2: memref<8x50x64xf32, #tpu.memory_space<vmem>>, %arg3: memref<8x50xf32, #tpu.memory_space<vmem>>) attributes {dimension_semantics = [#tpu.dimension_semantics<arbitrary>], iteration_bounds = array<i64: 32>, scalar_prefetch = 0 : i64, scratch_operands = 0 : i64, tpu.core_type = #tpu.core_type<tc>, window_params = [{transform_indices = @transform_0, window_bounds = array<i64: 8, 856, 128>}, {transform_indices = @transform_1, window_bounds = array<i64: 8, 50, 64>}, {transform_indices = @transform_2, window_bounds = array<i64: 8, 50>}]} {
    %get3A = arith.constant 0 : index
    %get3A_0 = arith.constant 0 : index
    %get3A_1 = arith.constant 0 : index
    %get3A_2 = vector.load %arg2[%get3A, %get3A_0, %get3A_1] : memref<8x50x64xf32, #tpu.memory_space<vmem>>, vector<8x50x64xf32>
    %mul3A = arith.mulf %get3A_2, %get3A_2 : vector<8x50x64xf32>
    %reduce_sum3A = arith.constant dense<0.000000e+00> : vector<8x64xf32>
    %reduce_sum3A_3 = vector.multi_reduction <add>, %mul3A, %reduce_sum3A [1] : vector<8x50x64xf32> to vector<8x64xf32>
    %broadcast_in_dim3A = vector.shape_cast %reduce_sum3A_3 : vector<8x64xf32> to vector<8x1x64xf32>
    %rsqrt3A = math.rsqrt %broadcast_in_dim3A : vector<8x1x64xf32>
    %min3A = arith.constant 9.99999995E+11 : f32
    %min3A_4 = vector.broadcast %min3A : f32 to vector<8x1x64xf32>
    %min3A_5 = arith.minimumf %rsqrt3A, %min3A_4 : vector<8x1x64xf32>
    %mul3A_6 = vector.broadcast %min3A_5 : vector<8x1x64xf32> to vector<8x50x64xf32>
    %mul3A_7 = arith.mulf %get3A_2, %mul3A_6 : vector<8x50x64xf32>
    %get3A_8 = arith.constant 0 : index
    %get3A_9 = arith.constant 0 : index
    %get3A_10 = arith.constant 0 : index
    %get3A_11 = vector.load %arg1[%get3A_8, %get3A_9, %get3A_10] : memref<8x856x128xf32, #tpu.memory_space<vmem>>, vector<8x50x64xf32>
    %mul3A_12 = arith.mulf %get3A_11, %get3A_11 : vector<8x50x64xf32>
    %reduce_sum3A_13 = arith.constant dense<0.000000e+00> : vector<8x64xf32>
    %reduce_sum3A_14 = vector.multi_reduction <add>, %mul3A_12, %reduce_sum3A_13 [1] : vector<8x50x64xf32> to vector<8x64xf32>
    %broadcast_in_dim3A_15 = vector.shape_cast %reduce_sum3A_14 : vector<8x64xf32> to vector<8x1x64xf32>
    %rsqrt3A_16 = math.rsqrt %broadcast_in_dim3A_15 : vector<8x1x64xf32>
    %min3A_17 = arith.constant 9.99999995E+11 : f32
    %min3A_18 = vector.broadcast %min3A_17 : f32 to vector<8x1x64xf32>
    %min3A_19 = arith.minimumf %rsqrt3A_16, %min3A_18 : vector<8x1x64xf32>
    %mul3A_20 = vector.broadcast %min3A_19 : vector<8x1x64xf32> to vector<8x50x64xf32>
    %mul3A_21 = arith.mulf %get3A_11, %mul3A_20 : vector<8x50x64xf32>
    %mul3A_22 = arith.mulf %mul3A_21, %mul3A_7 : vector<8x50x64xf32>
    %reduce_sum3A_23 = arith.constant dense<0.000000e+00> : vector<8x50xf32>
    %reduce_sum3A_24 = vector.multi_reduction <add>, %mul3A_22, %reduce_sum3A_23 [2] : vector<8x50x64xf32> to vector<8x50xf32>
    %get3A_25 = arith.constant 0 : index
    %get3A_26 = arith.constant 50 : index
    %get3A_27 = arith.constant 0 : index
    %get3A_28 = vector.load %arg1[%get3A_25, %get3A_26, %get3A_27] : memref<8x856x128xf32, #tpu.memory_space<vmem>>, vector<8x50x64xf32>
    %mul3A_29 = arith.mulf %get3A_28, %get3A_28 : vector<8x50x64xf32>
    %reduce_sum3A_30 = arith.constant dense<0.000000e+00> : vector<8x64xf32>
    %reduce_sum3A_31 = vector.multi_reduction <add>, %mul3A_29, %reduce_sum3A_30 [1] : vector<8x50x64xf32> to vector<8x64xf32>
    %broadcast_in_dim3A_32 = vector.shape_cast %reduce_sum3A_31 : vector<8x64xf32> to vector<8x1x64xf32>
    %rsqrt3A_33 = math.rsqrt %broadcast_in_dim3A_32 : vector<8x1x64xf32>
    %min3A_34 = arith.constant 9.99999995E+11 : f32
    %min3A_35 = vector.broadcast %min3A_34 : f32 to vector<8x1x64xf32>
    %min3A_36 = arith.minimumf %rsqrt3A_33, %min3A_35 : vector<8x1x64xf32>
    %mul3A_37 = vector.broadcast %min3A_36 : vector<8x1x64xf32> to vector<8x50x64xf32>
    %mul3A_38 = arith.mulf %get3A_28, %mul3A_37 : vector<8x50x64xf32>
    %mul3A_39 = arith.mulf %mul3A_38, %mul3A_7 : vector<8x50x64xf32>
    %reduce_sum3A_40 = arith.constant dense<0.000000e+00> : vector<8x50xf32>
    %reduce_sum3A_41 = vector.multi_reduction <add>, %mul3A_39, %reduce_sum3A_40 [2] : vector<8x50x64xf32> to vector<8x50xf32>
    %get3A_42 = arith.constant 0 : index
    %get3A_43 = arith.constant 100 : index
    %get3A_44 = arith.constant 0 : index
    %get3A_45 = vector.load %arg1[%get3A_42, %get3A_43, %get3A_44] : memref<8x856x128xf32, #tpu.memory_space<vmem>>, vector<8x50x64xf32>
    %mul3A_46 = arith.mulf %get3A_45, %get3A_45 : vector<8x50x64xf32>
    %reduce_sum3A_47 = arith.constant dense<0.000000e+00> : vector<8x64xf32>
    %reduce_sum3A_48 = vector.multi_reduction <add>, %mul3A_46, %reduce_sum3A_47 [1] : vector<8x50x64xf32> to vector<8x64xf32>
    %broadcast_in_dim3A_49 = vector.shape_cast %reduce_sum3A_48 : vector<8x64xf32> to vector<8x1x64xf32>
    %rsqrt3A_50 = math.rsqrt %broadcast_in_dim3A_49 : vector<8x1x64xf32>
    %min3A_51 = arith.constant 9.99999995E+11 : f32
    %min3A_52 = vector.broadcast %min3A_51 : f32 to vector<8x1x64xf32>
    %min3A_53 = arith.minimumf %rsqrt3A_50, %min3A_52 : vector<8x1x64xf32>
    %mul3A_54 = vector.broadcast %min3A_53 : vector<8x1x64xf32> to vector<8x50x64xf32>
    %mul3A_55 = arith.mulf %get3A_45, %mul3A_54 : vector<8x50x64xf32>
    %mul3A_56 = arith.mulf %mul3A_55, %mul3A_7 : vector<8x50x64xf32>
    %reduce_sum3A_57 = arith.constant dense<0.000000e+00> : vector<8x50xf32>
    %reduce_sum3A_58 = vector.multi_reduction <add>, %mul3A_56, %reduce_sum3A_57 [2] : vector<8x50x64xf32> to vector<8x50xf32>
    %get3A_59 = arith.constant 0 : index
    %get3A_60 = arith.constant 150 : index
    %get3A_61 = arith.constant 0 : index
    %get3A_62 = vector.load %arg1[%get3A_59, %get3A_60, %get3A_61] : memref<8x856x128xf32, #tpu.memory_space<vmem>>, vector<8x50x64xf32>
    %mul3A_63 = arith.mulf %get3A_62, %get3A_62 : vector<8x50x64xf32>
    %reduce_sum3A_64 = arith.constant dense<0.000000e+00> : vector<8x64xf32>
    %reduce_sum3A_65 = vector.multi_reduction <add>, %mul3A_63, %reduce_sum3A_64 [1] : vector<8x50x64xf32> to vector<8x64xf32>
    %broadcast_in_dim3A_66 = vector.shape_cast %reduce_sum3A_65 : vector<8x64xf32> to vector<8x1x64xf32>
    %rsqrt3A_67 = math.rsqrt %broadcast_in_dim3A_66 : vector<8x1x64xf32>
    %min3A_68 = arith.constant 9.99999995E+11 : f32
    %min3A_69 = vector.broadcast %min3A_68 : f32 to vector<8x1x64xf32>
    %min3A_70 = arith.minimumf %rsqrt3A_67, %min3A_69 : vector<8x1x64xf32>
    %mul3A_71 = vector.broadcast %min3A_70 : vector<8x1x64xf32> to vector<8x50x64xf32>
    %mul3A_72 = arith.mulf %get3A_62, %mul3A_71 : vector<8x50x64xf32>
    %mul3A_73 = arith.mulf %mul3A_72, %mul3A_7 : vector<8x50x64xf32>
    %reduce_sum3A_74 = arith.constant dense<0.000000e+00> : vector<8x50xf32>
    %reduce_sum3A_75 = vector.multi_reduction <add>, %mul3A_73, %reduce_sum3A_74 [2] : vector<8x50x64xf32> to vector<8x50xf32>
    %get3A_76 = arith.constant 0 : index
    %get3A_77 = arith.constant 200 : index
    %get3A_78 = arith.constant 0 : index
    %get3A_79 = vector.load %arg1[%get3A_76, %get3A_77, %get3A_78] : memref<8x856x128xf32, #tpu.memory_space<vmem>>, vector<8x50x64xf32>
    %mul3A_80 = arith.mulf %get3A_79, %get3A_79 : vector<8x50x64xf32>
    %reduce_sum3A_81 = arith.constant dense<0.000000e+00> : vector<8x64xf32>
    %reduce_sum3A_82 = vector.multi_reduction <add>, %mul3A_80, %reduce_sum3A_81 [1] : vector<8x50x64xf32> to vector<8x64xf32>
    %broadcast_in_dim3A_83 = vector.shape_cast %reduce_sum3A_82 : vector<8x64xf32> to vector<8x1x64xf32>
    %rsqrt3A_84 = math.rsqrt %broadcast_in_dim3A_83 : vector<8x1x64xf32>
    %min3A_85 = arith.constant 9.99999995E+11 : f32
    %min3A_86 = vector.broadcast %min3A_85 : f32 to vector<8x1x64xf32>
    %min3A_87 = arith.minimumf %rsqrt3A_84, %min3A_86 : vector<8x1x64xf32>
    %mul3A_88 = vector.broadcast %min3A_87 : vector<8x1x64xf32> to vector<8x50x64xf32>
    %mul3A_89 = arith.mulf %get3A_79, %mul3A_88 : vector<8x50x64xf32>
    %mul3A_90 = arith.mulf %mul3A_89, %mul3A_7 : vector<8x50x64xf32>
    %reduce_sum3A_91 = arith.constant dense<0.000000e+00> : vector<8x50xf32>
    %reduce_sum3A_92 = vector.multi_reduction <add>, %mul3A_90, %reduce_sum3A_91 [2] : vector<8x50x64xf32> to vector<8x50xf32>
    %get3A_93 = arith.constant 0 : index
    %get3A_94 = arith.constant 250 : index
    %get3A_95 = arith.constant 0 : index
    %get3A_96 = vector.load %arg1[%get3A_93, %get3A_94, %get3A_95] : memref<8x856x128xf32, #tpu.memory_space<vmem>>, vector<8x50x64xf32>
    %mul3A_97 = arith.mulf %get3A_96, %get3A_96 : vector<8x50x64xf32>
    %reduce_sum3A_98 = arith.constant dense<0.000000e+00> : vector<8x64xf32>
    %reduce_sum3A_99 = vector.multi_reduction <add>, %mul3A_97, %reduce_sum3A_98 [1] : vector<8x50x64xf32> to vector<8x64xf32>
    %broadcast_in_dim3A_100 = vector.shape_cast %reduce_sum3A_99 : vector<8x64xf32> to vector<8x1x64xf32>
    %rsqrt3A_101 = math.rsqrt %broadcast_in_dim3A_100 : vector<8x1x64xf32>
    %min3A_102 = arith.constant 9.99999995E+11 : f32
    %min3A_103 = vector.broadcast %min3A_102 : f32 to vector<8x1x64xf32>
    %min3A_104 = arith.minimumf %rsqrt3A_101, %min3A_103 : vector<8x1x64xf32>
    %mul3A_105 = vector.broadcast %min3A_104 : vector<8x1x64xf32> to vector<8x50x64xf32>
    %mul3A_106 = arith.mulf %get3A_96, %mul3A_105 : vector<8x50x64xf32>
    %mul3A_107 = arith.mulf %mul3A_106, %mul3A_7 : vector<8x50x64xf32>
    %reduce_sum3A_108 = arith.constant dense<0.000000e+00> : vector<8x50xf32>
    %reduce_sum3A_109 = vector.multi_reduction <add>, %mul3A_107, %reduce_sum3A_108 [2] : vector<8x50x64xf32> to vector<8x50xf32>
    %get3A_110 = arith.constant 0 : index
    %get3A_111 = arith.constant 300 : index
    %get3A_112 = arith.constant 0 : index
    %get3A_113 = vector.load %arg1[%get3A_110, %get3A_111, %get3A_112] : memref<8x856x128xf32, #tpu.memory_space<vmem>>, vector<8x50x64xf32>
    %mul3A_114 = arith.mulf %get3A_113, %get3A_113 : vector<8x50x64xf32>
    %reduce_sum3A_115 = arith.constant dense<0.000000e+00> : vector<8x64xf32>
    %reduce_sum3A_116 = vector.multi_reduction <add>, %mul3A_114, %reduce_sum3A_115 [1] : vector<8x50x64xf32> to vector<8x64xf32>
    %broadcast_in_dim3A_117 = vector.shape_cast %reduce_sum3A_116 : vector<8x64xf32> to vector<8x1x64xf32>
    %rsqrt3A_118 = math.rsqrt %broadcast_in_dim3A_117 : vector<8x1x64xf32>
    %min3A_119 = arith.constant 9.99999995E+11 : f32
    %min3A_120 = vector.broadcast %min3A_119 : f32 to vector<8x1x64xf32>
    %min3A_121 = arith.minimumf %rsqrt3A_118, %min3A_120 : vector<8x1x64xf32>
    %mul3A_122 = vector.broadcast %min3A_121 : vector<8x1x64xf32> to vector<8x50x64xf32>
    %mul3A_123 = arith.mulf %get3A_113, %mul3A_122 : vector<8x50x64xf32>
    %mul3A_124 = arith.mulf %mul3A_123, %mul3A_7 : vector<8x50x64xf32>
    %reduce_sum3A_125 = arith.constant dense<0.000000e+00> : vector<8x50xf32>
    %reduce_sum3A_126 = vector.multi_reduction <add>, %mul3A_124, %reduce_sum3A_125 [2] : vector<8x50x64xf32> to vector<8x50xf32>
    %get3A_127 = arith.constant 0 : index
    %get3A_128 = arith.constant 350 : index
    %get3A_129 = arith.constant 0 : index
    %get3A_130 = vector.load %arg1[%get3A_127, %get3A_128, %get3A_129] : memref<8x856x128xf32, #tpu.memory_space<vmem>>, vector<8x50x64xf32>
    %mul3A_131 = arith.mulf %get3A_130, %get3A_130 : vector<8x50x64xf32>
    %reduce_sum3A_132 = arith.constant dense<0.000000e+00> : vector<8x64xf32>
    %reduce_sum3A_133 = vector.multi_reduction <add>, %mul3A_131, %reduce_sum3A_132 [1] : vector<8x50x64xf32> to vector<8x64xf32>
    %broadcast_in_dim3A_134 = vector.shape_cast %reduce_sum3A_133 : vector<8x64xf32> to vector<8x1x64xf32>
    %rsqrt3A_135 = math.rsqrt %broadcast_in_dim3A_134 : vector<8x1x64xf32>
    %min3A_136 = arith.constant 9.99999995E+11 : f32
    %min3A_137 = vector.broadcast %min3A_136 : f32 to vector<8x1x64xf32>
    %min3A_138 = arith.minimumf %rsqrt3A_135, %min3A_137 : vector<8x1x64xf32>
    %mul3A_139 = vector.broadcast %min3A_138 : vector<8x1x64xf32> to vector<8x50x64xf32>
    %mul3A_140 = arith.mulf %get3A_130, %mul3A_139 : vector<8x50x64xf32>
    %mul3A_141 = arith.mulf %mul3A_140, %mul3A_7 : vector<8x50x64xf32>
    %reduce_sum3A_142 = arith.constant dense<0.000000e+00> : vector<8x50xf32>
    %reduce_sum3A_143 = vector.multi_reduction <add>, %mul3A_141, %reduce_sum3A_142 [2] : vector<8x50x64xf32> to vector<8x50xf32>
    %get3A_144 = arith.constant 0 : index
    %get3A_145 = arith.constant 400 : index
    %get3A_146 = arith.constant 0 : index
    %get3A_147 = vector.load %arg1[%get3A_144, %get3A_145, %get3A_146] : memref<8x856x128xf32, #tpu.memory_space<vmem>>, vector<8x50x64xf32>
    %mul3A_148 = arith.mulf %get3A_147, %get3A_147 : vector<8x50x64xf32>
    %reduce_sum3A_149 = arith.constant dense<0.000000e+00> : vector<8x64xf32>
    %reduce_sum3A_150 = vector.multi_reduction <add>, %mul3A_148, %reduce_sum3A_149 [1] : vector<8x50x64xf32> to vector<8x64xf32>
    %broadcast_in_dim3A_151 = vector.shape_cast %reduce_sum3A_150 : vector<8x64xf32> to vector<8x1x64xf32>
    %rsqrt3A_152 = math.rsqrt %broadcast_in_dim3A_151 : vector<8x1x64xf32>
    %min3A_153 = arith.constant 9.99999995E+11 : f32
    %min3A_154 = vector.broadcast %min3A_153 : f32 to vector<8x1x64xf32>
    %min3A_155 = arith.minimumf %rsqrt3A_152, %min3A_154 : vector<8x1x64xf32>
    %mul3A_156 = vector.broadcast %min3A_155 : vector<8x1x64xf32> to vector<8x50x64xf32>
    %mul3A_157 = arith.mulf %get3A_147, %mul3A_156 : vector<8x50x64xf32>
    %mul3A_158 = arith.mulf %mul3A_157, %mul3A_7 : vector<8x50x64xf32>
    %reduce_sum3A_159 = arith.constant dense<0.000000e+00> : vector<8x50xf32>
    %reduce_sum3A_160 = vector.multi_reduction <add>, %mul3A_158, %reduce_sum3A_159 [2] : vector<8x50x64xf32> to vector<8x50xf32>
    %get3A_161 = arith.constant 0 : index
    %get3A_162 = arith.constant 450 : index
    %get3A_163 = arith.constant 0 : index
    %get3A_164 = vector.load %arg1[%get3A_161, %get3A_162, %get3A_163] : memref<8x856x128xf32, #tpu.memory_space<vmem>>, vector<8x50x64xf32>
    %mul3A_165 = arith.mulf %get3A_164, %get3A_164 : vector<8x50x64xf32>
    %reduce_sum3A_166 = arith.constant dense<0.000000e+00> : vector<8x64xf32>
    %reduce_sum3A_167 = vector.multi_reduction <add>, %mul3A_165, %reduce_sum3A_166 [1] : vector<8x50x64xf32> to vector<8x64xf32>
    %broadcast_in_dim3A_168 = vector.shape_cast %reduce_sum3A_167 : vector<8x64xf32> to vector<8x1x64xf32>
    %rsqrt3A_169 = math.rsqrt %broadcast_in_dim3A_168 : vector<8x1x64xf32>
    %min3A_170 = arith.constant 9.99999995E+11 : f32
    %min3A_171 = vector.broadcast %min3A_170 : f32 to vector<8x1x64xf32>
    %min3A_172 = arith.minimumf %rsqrt3A_169, %min3A_171 : vector<8x1x64xf32>
    %mul3A_173 = vector.broadcast %min3A_172 : vector<8x1x64xf32> to vector<8x50x64xf32>
    %mul3A_174 = arith.mulf %get3A_164, %mul3A_173 : vector<8x50x64xf32>
    %mul3A_175 = arith.mulf %mul3A_174, %mul3A_7 : vector<8x50x64xf32>
    %reduce_sum3A_176 = arith.constant dense<0.000000e+00> : vector<8x50xf32>
    %reduce_sum3A_177 = vector.multi_reduction <add>, %mul3A_175, %reduce_sum3A_176 [2] : vector<8x50x64xf32> to vector<8x50xf32>
    %get3A_178 = arith.constant 0 : index
    %get3A_179 = arith.constant 500 : index
    %get3A_180 = arith.constant 0 : index
    %get3A_181 = vector.load %arg1[%get3A_178, %get3A_179, %get3A_180] : memref<8x856x128xf32, #tpu.memory_space<vmem>>, vector<8x50x64xf32>
    %mul3A_182 = arith.mulf %get3A_181, %get3A_181 : vector<8x50x64xf32>
    %reduce_sum3A_183 = arith.constant dense<0.000000e+00> : vector<8x64xf32>
    %reduce_sum3A_184 = vector.multi_reduction <add>, %mul3A_182, %reduce_sum3A_183 [1] : vector<8x50x64xf32> to vector<8x64xf32>
    %broadcast_in_dim3A_185 = vector.shape_cast %reduce_sum3A_184 : vector<8x64xf32> to vector<8x1x64xf32>
    %rsqrt3A_186 = math.rsqrt %broadcast_in_dim3A_185 : vector<8x1x64xf32>
    %min3A_187 = arith.constant 9.99999995E+11 : f32
    %min3A_188 = vector.broadcast %min3A_187 : f32 to vector<8x1x64xf32>
    %min3A_189 = arith.minimumf %rsqrt3A_186, %min3A_188 : vector<8x1x64xf32>
    %mul3A_190 = vector.broadcast %min3A_189 : vector<8x1x64xf32> to vector<8x50x64xf32>
    %mul3A_191 = arith.mulf %get3A_181, %mul3A_190 : vector<8x50x64xf32>
    %mul3A_192 = arith.mulf %mul3A_191, %mul3A_7 : vector<8x50x64xf32>
    %reduce_sum3A_193 = arith.constant dense<0.000000e+00> : vector<8x50xf32>
    %reduce_sum3A_194 = vector.multi_reduction <add>, %mul3A_192, %reduce_sum3A_193 [2] : vector<8x50x64xf32> to vector<8x50xf32>
    %get3A_195 = arith.constant 0 : index
    %get3A_196 = arith.constant 550 : index
    %get3A_197 = arith.constant 0 : index
    %get3A_198 = vector.load %arg1[%get3A_195, %get3A_196, %get3A_197] : memref<8x856x128xf32, #tpu.memory_space<vmem>>, vector<8x50x64xf32>
    %mul3A_199 = arith.mulf %get3A_198, %get3A_198 : vector<8x50x64xf32>
    %reduce_sum3A_200 = arith.constant dense<0.000000e+00> : vector<8x64xf32>
    %reduce_sum3A_201 = vector.multi_reduction <add>, %mul3A_199, %reduce_sum3A_200 [1] : vector<8x50x64xf32> to vector<8x64xf32>
    %broadcast_in_dim3A_202 = vector.shape_cast %reduce_sum3A_201 : vector<8x64xf32> to vector<8x1x64xf32>
    %rsqrt3A_203 = math.rsqrt %broadcast_in_dim3A_202 : vector<8x1x64xf32>
    %min3A_204 = arith.constant 9.99999995E+11 : f32
    %min3A_205 = vector.broadcast %min3A_204 : f32 to vector<8x1x64xf32>
    %min3A_206 = arith.minimumf %rsqrt3A_203, %min3A_205 : vector<8x1x64xf32>
    %mul3A_207 = vector.broadcast %min3A_206 : vector<8x1x64xf32> to vector<8x50x64xf32>
    %mul3A_208 = arith.mulf %get3A_198, %mul3A_207 : vector<8x50x64xf32>
    %mul3A_209 = arith.mulf %mul3A_208, %mul3A_7 : vector<8x50x64xf32>
    %reduce_sum3A_210 = arith.constant dense<0.000000e+00> : vector<8x50xf32>
    %reduce_sum3A_211 = vector.multi_reduction <add>, %mul3A_209, %reduce_sum3A_210 [2] : vector<8x50x64xf32> to vector<8x50xf32>
    %get3A_212 = arith.constant 0 : index
    %get3A_213 = arith.constant 600 : index
    %get3A_214 = arith.constant 0 : index
    %get3A_215 = vector.load %arg1[%get3A_212, %get3A_213, %get3A_214] : memref<8x856x128xf32, #tpu.memory_space<vmem>>, vector<8x50x64xf32>
    %mul3A_216 = arith.mulf %get3A_215, %get3A_215 : vector<8x50x64xf32>
    %reduce_sum3A_217 = arith.constant dense<0.000000e+00> : vector<8x64xf32>
    %reduce_sum3A_218 = vector.multi_reduction <add>, %mul3A_216, %reduce_sum3A_217 [1] : vector<8x50x64xf32> to vector<8x64xf32>
    %broadcast_in_dim3A_219 = vector.shape_cast %reduce_sum3A_218 : vector<8x64xf32> to vector<8x1x64xf32>
    %rsqrt3A_220 = math.rsqrt %broadcast_in_dim3A_219 : vector<8x1x64xf32>
    %min3A_221 = arith.constant 9.99999995E+11 : f32
    %min3A_222 = vector.broadcast %min3A_221 : f32 to vector<8x1x64xf32>
    %min3A_223 = arith.minimumf %rsqrt3A_220, %min3A_222 : vector<8x1x64xf32>
    %mul3A_224 = vector.broadcast %min3A_223 : vector<8x1x64xf32> to vector<8x50x64xf32>
    %mul3A_225 = arith.mulf %get3A_215, %mul3A_224 : vector<8x50x64xf32>
    %mul3A_226 = arith.mulf %mul3A_225, %mul3A_7 : vector<8x50x64xf32>
    %reduce_sum3A_227 = arith.constant dense<0.000000e+00> : vector<8x50xf32>
    %reduce_sum3A_228 = vector.multi_reduction <add>, %mul3A_226, %reduce_sum3A_227 [2] : vector<8x50x64xf32> to vector<8x50xf32>
    %get3A_229 = arith.constant 0 : index
    %get3A_230 = arith.constant 650 : index
    %get3A_231 = arith.constant 0 : index
    %get3A_232 = vector.load %arg1[%get3A_229, %get3A_230, %get3A_231] : memref<8x856x128xf32, #tpu.memory_space<vmem>>, vector<8x50x64xf32>
    %mul3A_233 = arith.mulf %get3A_232, %get3A_232 : vector<8x50x64xf32>
    %reduce_sum3A_234 = arith.constant dense<0.000000e+00> : vector<8x64xf32>
    %reduce_sum3A_235 = vector.multi_reduction <add>, %mul3A_233, %reduce_sum3A_234 [1] : vector<8x50x64xf32> to vector<8x64xf32>
    %broadcast_in_dim3A_236 = vector.shape_cast %reduce_sum3A_235 : vector<8x64xf32> to vector<8x1x64xf32>
    %rsqrt3A_237 = math.rsqrt %broadcast_in_dim3A_236 : vector<8x1x64xf32>
    %min3A_238 = arith.constant 9.99999995E+11 : f32
    %min3A_239 = vector.broadcast %min3A_238 : f32 to vector<8x1x64xf32>
    %min3A_240 = arith.minimumf %rsqrt3A_237, %min3A_239 : vector<8x1x64xf32>
    %mul3A_241 = vector.broadcast %min3A_240 : vector<8x1x64xf32> to vector<8x50x64xf32>
    %mul3A_242 = arith.mulf %get3A_232, %mul3A_241 : vector<8x50x64xf32>
    %mul3A_243 = arith.mulf %mul3A_242, %mul3A_7 : vector<8x50x64xf32>
    %reduce_sum3A_244 = arith.constant dense<0.000000e+00> : vector<8x50xf32>
    %reduce_sum3A_245 = vector.multi_reduction <add>, %mul3A_243, %reduce_sum3A_244 [2] : vector<8x50x64xf32> to vector<8x50xf32>
    %get3A_246 = arith.constant 0 : index
    %get3A_247 = arith.constant 700 : index
    %get3A_248 = arith.constant 0 : index
    %get3A_249 = vector.load %arg1[%get3A_246, %get3A_247, %get3A_248] : memref<8x856x128xf32, #tpu.memory_space<vmem>>, vector<8x50x64xf32>
    %mul3A_250 = arith.mulf %get3A_249, %get3A_249 : vector<8x50x64xf32>
    %reduce_sum3A_251 = arith.constant dense<0.000000e+00> : vector<8x64xf32>
    %reduce_sum3A_252 = vector.multi_reduction <add>, %mul3A_250, %reduce_sum3A_251 [1] : vector<8x50x64xf32> to vector<8x64xf32>
    %broadcast_in_dim3A_253 = vector.shape_cast %reduce_sum3A_252 : vector<8x64xf32> to vector<8x1x64xf32>
    %rsqrt3A_254 = math.rsqrt %broadcast_in_dim3A_253 : vector<8x1x64xf32>
    %min3A_255 = arith.constant 9.99999995E+11 : f32
    %min3A_256 = vector.broadcast %min3A_255 : f32 to vector<8x1x64xf32>
    %min3A_257 = arith.minimumf %rsqrt3A_254, %min3A_256 : vector<8x1x64xf32>
    %mul3A_258 = vector.broadcast %min3A_257 : vector<8x1x64xf32> to vector<8x50x64xf32>
    %mul3A_259 = arith.mulf %get3A_249, %mul3A_258 : vector<8x50x64xf32>
    %mul3A_260 = arith.mulf %mul3A_259, %mul3A_7 : vector<8x50x64xf32>
    %reduce_sum3A_261 = arith.constant dense<0.000000e+00> : vector<8x50xf32>
    %reduce_sum3A_262 = vector.multi_reduction <add>, %mul3A_260, %reduce_sum3A_261 [2] : vector<8x50x64xf32> to vector<8x50xf32>
    %get3A_263 = arith.constant 0 : index
    %get3A_264 = arith.constant 750 : index
    %get3A_265 = arith.constant 0 : index
    %get3A_266 = vector.load %arg1[%get3A_263, %get3A_264, %get3A_265] : memref<8x856x128xf32, #tpu.memory_space<vmem>>, vector<8x50x64xf32>
    %mul3A_267 = arith.mulf %get3A_266, %get3A_266 : vector<8x50x64xf32>
    %reduce_sum3A_268 = arith.constant dense<0.000000e+00> : vector<8x64xf32>
    %reduce_sum3A_269 = vector.multi_reduction <add>, %mul3A_267, %reduce_sum3A_268 [1] : vector<8x50x64xf32> to vector<8x64xf32>
    %broadcast_in_dim3A_270 = vector.shape_cast %reduce_sum3A_269 : vector<8x64xf32> to vector<8x1x64xf32>
    %rsqrt3A_271 = math.rsqrt %broadcast_in_dim3A_270 : vector<8x1x64xf32>
    %min3A_272 = arith.constant 9.99999995E+11 : f32
    %min3A_273 = vector.broadcast %min3A_272 : f32 to vector<8x1x64xf32>
    %min3A_274 = arith.minimumf %rsqrt3A_271, %min3A_273 : vector<8x1x64xf32>
    %mul3A_275 = vector.broadcast %min3A_274 : vector<8x1x64xf32> to vector<8x50x64xf32>
    %mul3A_276 = arith.mulf %get3A_266, %mul3A_275 : vector<8x50x64xf32>
    %mul3A_277 = arith.mulf %mul3A_276, %mul3A_7 : vector<8x50x64xf32>
    %reduce_sum3A_278 = arith.constant dense<0.000000e+00> : vector<8x50xf32>
    %reduce_sum3A_279 = vector.multi_reduction <add>, %mul3A_277, %reduce_sum3A_278 [2] : vector<8x50x64xf32> to vector<8x50xf32>
    %get3A_280 = arith.constant 0 : index
    %get3A_281 = arith.constant 800 : index
    %get3A_282 = arith.constant 0 : index
    %get3A_283 = vector.load %arg1[%get3A_280, %get3A_281, %get3A_282] : memref<8x856x128xf32, #tpu.memory_space<vmem>>, vector<8x50x64xf32>
    %mul3A_284 = arith.mulf %get3A_283, %get3A_283 : vector<8x50x64xf32>
    %reduce_sum3A_285 = arith.constant dense<0.000000e+00> : vector<8x64xf32>
    %reduce_sum3A_286 = vector.multi_reduction <add>, %mul3A_284, %reduce_sum3A_285 [1] : vector<8x50x64xf32> to vector<8x64xf32>
    %broadcast_in_dim3A_287 = vector.shape_cast %reduce_sum3A_286 : vector<8x64xf32> to vector<8x1x64xf32>
    %rsqrt3A_288 = math.rsqrt %broadcast_in_dim3A_287 : vector<8x1x64xf32>
    %min3A_289 = arith.constant 9.99999995E+11 : f32
    %min3A_290 = vector.broadcast %min3A_289 : f32 to vector<8x1x64xf32>
    %min3A_291 = arith.minimumf %rsqrt3A_288, %min3A_290 : vector<8x1x64xf32>
    %mul3A_292 = vector.broadcast %min3A_291 : vector<8x1x64xf32> to vector<8x50x64xf32>
    %mul3A_293 = arith.mulf %get3A_283, %mul3A_292 : vector<8x50x64xf32>
    %mul3A_294 = arith.mulf %mul3A_293, %mul3A_7 : vector<8x50x64xf32>
    %reduce_sum3A_295 = arith.constant dense<0.000000e+00> : vector<8x50xf32>
    %reduce_sum3A_296 = vector.multi_reduction <add>, %mul3A_294, %reduce_sum3A_295 [2] : vector<8x50x64xf32> to vector<8x50xf32>
    %max3A = arith.maximumf %reduce_sum3A_24, %reduce_sum3A_41 : vector<8x50xf32>
    %max3A_297 = arith.maximumf %max3A, %reduce_sum3A_58 : vector<8x50xf32>
    %max3A_298 = arith.maximumf %max3A_297, %reduce_sum3A_75 : vector<8x50xf32>
    %max3A_299 = arith.maximumf %max3A_298, %reduce_sum3A_92 : vector<8x50xf32>
    %max3A_300 = arith.maximumf %max3A_299, %reduce_sum3A_109 : vector<8x50xf32>
    %max3A_301 = arith.maximumf %max3A_300, %reduce_sum3A_126 : vector<8x50xf32>
    %max3A_302 = arith.maximumf %max3A_301, %reduce_sum3A_143 : vector<8x50xf32>
    %max3A_303 = arith.maximumf %max3A_302, %reduce_sum3A_160 : vector<8x50xf32>
    %max3A_304 = arith.maximumf %max3A_303, %reduce_sum3A_177 : vector<8x50xf32>
    %max3A_305 = arith.maximumf %max3A_304, %reduce_sum3A_194 : vector<8x50xf32>
    %max3A_306 = arith.maximumf %max3A_305, %reduce_sum3A_211 : vector<8x50xf32>
    %max3A_307 = arith.maximumf %max3A_306, %reduce_sum3A_228 : vector<8x50xf32>
    %max3A_308 = arith.maximumf %max3A_307, %reduce_sum3A_245 : vector<8x50xf32>
    %max3A_309 = arith.maximumf %max3A_308, %reduce_sum3A_262 : vector<8x50xf32>
    %max3A_310 = arith.maximumf %max3A_309, %reduce_sum3A_279 : vector<8x50xf32>
    %max3A_311 = arith.maximumf %max3A_310, %reduce_sum3A_296 : vector<8x50xf32>
    %sub3A = arith.subf %reduce_sum3A_24, %max3A_311 : vector<8x50xf32>
    %exp3A = math.exp %sub3A : vector<8x50xf32>
    %sub3A_312 = arith.subf %reduce_sum3A_41, %max3A_311 : vector<8x50xf32>
    %exp3A_313 = math.exp %sub3A_312 : vector<8x50xf32>
    %add3A = arith.addf %exp3A, %exp3A_313 : vector<8x50xf32>
    %sub3A_314 = arith.subf %reduce_sum3A_58, %max3A_311 : vector<8x50xf32>
    %exp3A_315 = math.exp %sub3A_314 : vector<8x50xf32>
    %add3A_316 = arith.addf %add3A, %exp3A_315 : vector<8x50xf32>
    %sub3A_317 = arith.subf %reduce_sum3A_75, %max3A_311 : vector<8x50xf32>
    %exp3A_318 = math.exp %sub3A_317 : vector<8x50xf32>
    %add3A_319 = arith.addf %add3A_316, %exp3A_318 : vector<8x50xf32>
    %sub3A_320 = arith.subf %reduce_sum3A_92, %max3A_311 : vector<8x50xf32>
    %exp3A_321 = math.exp %sub3A_320 : vector<8x50xf32>
    %add3A_322 = arith.addf %add3A_319, %exp3A_321 : vector<8x50xf32>
    %sub3A_323 = arith.subf %reduce_sum3A_109, %max3A_311 : vector<8x50xf32>
    %exp3A_324 = math.exp %sub3A_323 : vector<8x50xf32>
    %add3A_325 = arith.addf %add3A_322, %exp3A_324 : vector<8x50xf32>
    %sub3A_326 = arith.subf %reduce_sum3A_126, %max3A_311 : vector<8x50xf32>
    %exp3A_327 = math.exp %sub3A_326 : vector<8x50xf32>
    %add3A_328 = arith.addf %add3A_325, %exp3A_327 : vector<8x50xf32>
    %sub3A_329 = arith.subf %reduce_sum3A_143, %max3A_311 : vector<8x50xf32>
    %exp3A_330 = math.exp %sub3A_329 : vector<8x50xf32>
    %add3A_331 = arith.addf %add3A_328, %exp3A_330 : vector<8x50xf32>
    %sub3A_332 = arith.subf %reduce_sum3A_160, %max3A_311 : vector<8x50xf32>
    %exp3A_333 = math.exp %sub3A_332 : vector<8x50xf32>
    %add3A_334 = arith.addf %add3A_331, %exp3A_333 : vector<8x50xf32>
    %sub3A_335 = arith.subf %reduce_sum3A_177, %max3A_311 : vector<8x50xf32>
    %exp3A_336 = math.exp %sub3A_335 : vector<8x50xf32>
    %add3A_337 = arith.addf %add3A_334, %exp3A_336 : vector<8x50xf32>
    %sub3A_338 = arith.subf %reduce_sum3A_194, %max3A_311 : vector<8x50xf32>
    %exp3A_339 = math.exp %sub3A_338 : vector<8x50xf32>
    %add3A_340 = arith.addf %add3A_337, %exp3A_339 : vector<8x50xf32>
    %sub3A_341 = arith.subf %reduce_sum3A_211, %max3A_311 : vector<8x50xf32>
    %exp3A_342 = math.exp %sub3A_341 : vector<8x50xf32>
    %add3A_343 = arith.addf %add3A_340, %exp3A_342 : vector<8x50xf32>
    %sub3A_344 = arith.subf %reduce_sum3A_228, %max3A_311 : vector<8x50xf32>
    %exp3A_345 = math.exp %sub3A_344 : vector<8x50xf32>
    %add3A_346 = arith.addf %add3A_343, %exp3A_345 : vector<8x50xf32>
    %sub3A_347 = arith.subf %reduce_sum3A_245, %max3A_311 : vector<8x50xf32>
    %exp3A_348 = math.exp %sub3A_347 : vector<8x50xf32>
    %add3A_349 = arith.addf %add3A_346, %exp3A_348 : vector<8x50xf32>
    %sub3A_350 = arith.subf %reduce_sum3A_262, %max3A_311 : vector<8x50xf32>
    %exp3A_351 = math.exp %sub3A_350 : vector<8x50xf32>
    %add3A_352 = arith.addf %add3A_349, %exp3A_351 : vector<8x50xf32>
    %sub3A_353 = arith.subf %reduce_sum3A_279, %max3A_311 : vector<8x50xf32>
    %exp3A_354 = math.exp %sub3A_353 : vector<8x50xf32>
    %add3A_355 = arith.addf %add3A_352, %exp3A_354 : vector<8x50xf32>
    %sub3A_356 = arith.subf %reduce_sum3A_296, %max3A_311 : vector<8x50xf32>
    %exp3A_357 = math.exp %sub3A_356 : vector<8x50xf32>
    %add3A_358 = arith.addf %add3A_355, %exp3A_357 : vector<8x50xf32>
    %log3A = math.log %add3A_358 : vector<8x50xf32>
    %add3A_359 = arith.addf %max3A_311, %log3A : vector<8x50xf32>
    %sub3A_360 = arith.subf %add3A_359, %reduce_sum3A_24 : vector<8x50xf32>
    %swap3A = arith.constant 0 : index
    %swap3A_361 = arith.constant 0 : index
    %swap3A_362 = vector.load %arg3[%swap3A, %swap3A_361] : memref<8x50xf32, #tpu.memory_space<vmem>>, vector<8x50xf32>
    tpu.vector_store %arg3[%swap3A, %swap3A_361], %sub3A_360 {strides = array<i32>} : memref<8x50xf32, #tpu.memory_space<vmem>>, vector<8x50xf32>,
    return
  }
  func.func @transform_0(%arg0: i32) -> (i32, i32, i32) {
    %c0_i32 = arith.constant 0 : i32
    %c0_i32_0 = arith.constant 0 : i32
    %c0_i32_1 = arith.constant 0 : i32
    return %arg0, %c0_i32, %c0_i32_0 : i32, i32, i32
  }
  func.func @transform_1(%arg0: i32) -> (i32, i32, i32) {
    %add3A = arith.constant 32 : i32
    %add3A_0 = arith.addi %arg0, %add3A : i32
    %c0_i32 = arith.constant 0 : i32
    %c0_i32_1 = arith.constant 0 : i32
    %c0_i32_2 = arith.constant 0 : i32
    return %add3A_0, %c0_i32, %c0_i32_1 : i32, i32, i32
  }
  func.func @transform_2(%arg0: i32) -> (i32, i32) {
    %c0_i32 = arith.constant 0 : i32
    %c0_i32_0 = arith.constant 0 : i32
    return %arg0, %c0_i32 : i32, i32
  }
}

module attributes {stable_mosaic.version = 14 : i64} {
  func.func @body(%arg0: i32, %arg1: memref<8x856x128xf32, #tpu.memory_space<vmem>>, %arg2: memref<8x50x64xf32, #tpu.memory_space<vmem>>, %arg3: memref<8x50xf32, #tpu.memory_space<vmem>>) attributes {dimension_semantics = [#tpu.dimension_semantics<arbitrary>], iteration_bounds = array<i64: 32>, scalar_prefetch = 0 : i64, scratch_operands = 0 : i64, tpu.core_type = #tpu.core_type<tc>, window_params = [{transform_indices = @transform_0, window_bounds = array<i64: 8, 856, 128>}, {transform_indices = @transform_1, window_bounds = array<i64: 8, 50, 64>}, {transform_indices = @transform_2, window_bounds = array<i64: 8, 50>}]} {
    %get3A = arith.constant 0 : index
    %get3A_0 = arith.constant 0 : index
    %get3A_1 = arith.constant 0 : index
    %get3A_2 = vector.load %arg2[%get3A, %get3A_0, %get3A_1] : memref<8x50x64xf32, #tpu.memory_space<vmem>>, vector<8x50x64xf32>
    %mul3A = arith.mulf %get3A_2, %get3A_2 : vector<8x50x64xf32>
    %reduce_sum3A = arith.constant dense<0.000000e+00> : vector<8x64xf32>
    %reduce_sum3A_3 = vector.multi_reduction <add>, %mul3A, %reduce_sum3A [1] : vector<8x50x64xf32> to vector<8x64xf32>
    %broadcast_in_dim3A = vector.shape_cast %reduce_sum3A_3 : vector<8x64xf32> to vector<8x1x64xf32>
    %rsqrt3A = math.rsqrt %broadcast_in_dim3A : vector<8x1x64xf32>
    %min3A = arith.constant 9.99999995E+11 : f32
    %min3A_4 = vector.broadcast %min3A : f32 to vector<8x1x64xf32>
    %min3A_5 = arith.minimumf %rsqrt3A, %min3A_4 : vector<8x1x64xf32>
    %mul3A_6 = vector.broadcast %min3A_5 : vector<8x1x64xf32> to vector<8x50x64xf32>
    %mul3A_7 = arith.mulf %get3A_2, %mul3A_6 : vector<8x50x64xf32>
    %get3A_8 = arith.constant 0 : index
    %get3A_9 = arith.constant 0 : index
    %get3A_10 = arith.constant 0 : index
    %get3A_11 = vector.load %arg1[%get3A_8, %get3A_9, %get3A_10] : memref<8x856x128xf32, #tpu.memory_space<vmem>>, vector<8x50x64xf32>
    %mul3A_12 = arith.mulf %get3A_11, %get3A_11 : vector<8x50x64xf32>
    %reduce_sum3A_13 = arith.constant dense<0.000000e+00> : vector<8x64xf32>
    %reduce_sum3A_14 = vector.multi_reduction <add>, %mul3A_12, %reduce_sum3A_13 [1] : vector<8x50x64xf32> to vector<8x64xf32>
    %broadcast_in_dim3A_15 = vector.shape_cast %reduce_sum3A_14 : vector<8x64xf32> to vector<8x1x64xf32>
    %rsqrt3A_16 = math.rsqrt %broadcast_in_dim3A_15 : vector<8x1x64xf32>
    %min3A_17 = arith.constant 9.99999995E+11 : f32
    %min3A_18 = vector.broadcast %min3A_17 : f32 to vector<8x1x64xf32>
    %min3A_19 = arith.minimumf %rsqrt3A_16, %min3A_18 : vector<8x1x64xf32>
    %mul3A_20 = vector.broadcast %min3A_19 : vector<8x1x64xf32> to vector<8x50x64xf32>
    %mul3A_21 = arith.mulf %get3A_11, %mul3A_20 : vector<8x50x64xf32>
    %mul3A_22 = arith.mulf %mul3A_21, %mul3A_7 : vector<8x50x64xf32>
    %reduce_sum3A_23 = arith.constant dense<0.000000e+00> : vector<8x50xf32>
    %reduce_sum3A_24 = vector.multi_reduction <add>, %mul3A_22, %reduce_sum3A_23 [2] : vector<8x50x64xf32> to vector<8x50xf32>
    %get3A_25 = arith.constant 0 : index
    %get3A_26 = arith.constant 50 : index
    %get3A_27 = arith.constant 0 : index
    %get3A_28 = vector.load %arg1[%get3A_25, %get3A_26, %get3A_27] : memref<8x856x128xf32, #tpu.memory_space<vmem>>, vector<8x50x64xf32>
    %mul3A_29 = arith.mulf %get3A_28, %get3A_28 : vector<8x50x64xf32>
    %reduce_sum3A_30 = arith.constant dense<0.000000e+00> : vector<8x64xf32>
    %reduce_sum3A_31 = vector.multi_reduction <add>, %mul3A_29, %reduce_sum3A_30 [1] : vector<8x50x64xf32> to vector<8x64xf32>
    %broadcast_in_dim3A_32 = vector.shape_cast %reduce_sum3A_31 : vector<8x64xf32> to vector<8x1x64xf32>
    %rsqrt3A_33 = math.rsqrt %broadcast_in_dim3A_32 : vector<8x1x64xf32>
    %min3A_34 = arith.constant 9.99999995E+11 : f32
    %min3A_35 = vector.broadcast %min3A_34 : f32 to vector<8x1x64xf32>
    %min3A_36 = arith.minimumf %rsqrt3A_33, %min3A_35 : vector<8x1x64xf32>
    %mul3A_37 = vector.broadcast %min3A_36 : vector<8x1x64xf32> to vector<8x50x64xf32>
    %mul3A_38 = arith.mulf %get3A_28, %mul3A_37 : vector<8x50x64xf32>
    %mul3A_39 = arith.mulf %mul3A_38, %mul3A_7 : vector<8x50x64xf32>
    %reduce_sum3A_40 = arith.constant dense<0.000000e+00> : vector<8x50xf32>
    %reduce_sum3A_41 = vector.multi_reduction <add>, %mul3A_39, %reduce_sum3A_40 [2] : vector<8x50x64xf32> to vector<8x50xf32>
    %get3A_42 = arith.constant 0 : index
    %get3A_43 = arith.constant 100 : index
    %get3A_44 = arith.constant 0 : index
    %get3A_45 = vector.load %arg1[%get3A_42, %get3A_43, %get3A_44] : memref<8x856x128xf32, #tpu.memory_space<vmem>>, vector<8x50x64xf32>
    %mul3A_46 = arith.mulf %get3A_45, %get3A_45 : vector<8x50x64xf32>
    %reduce_sum3A_47 = arith.constant dense<0.000000e+00> : vector<8x64xf32>
    %reduce_sum3A_48 = vector.multi_reduction <add>, %mul3A_46, %reduce_sum3A_47 [1] : vector<8x50x64xf32> to vector<8x64xf32>
    %broadcast_in_dim3A_49 = vector.shape_cast %reduce_sum3A_48 : vector<8x64xf32> to vector<8x1x64xf32>
    %rsqrt3A_50 = math.rsqrt %broadcast_in_dim3A_49 : vector<8x1x64xf32>
    %min3A_51 = arith.constant 9.99999995E+11 : f32
    %min3A_52 = vector.broadcast %min3A_51 : f32 to vector<8x1x64xf32>
    %min3A_53 = arith.minimumf %rsqrt3A_50, %min3A_52 : vector<8x1x64xf32>
    %mul3A_54 = vector.broadcast %min3A_53 : vector<8x1x64xf32> to vector<8x50x64xf32>
    %mul3A_55 = arith.mulf %get3A_45, %mul3A_54 : vector<8x50x64xf32>
    %mul3A_56 = arith.mulf %mul3A_55, %mul3A_7 : vector<8x50x64xf32>
    %reduce_sum3A_57 = arith.constant dense<0.000000e+00> : vector<8x50xf32>
    %reduce_sum3A_58 = vector.multi_reduction <add>, %mul3A_56, %reduce_sum3A_57 [2] : vector<8x50x64xf32> to vector<8x50xf32>
    %get3A_59 = arith.constant 0 : index
    %get3A_60 = arith.constant 150 : index
    %get3A_61 = arith.constant 0 : index
    %get3A_62 = vector.load %arg1[%get3A_59, %get3A_60, %get3A_61] : memref<8x856x128xf32, #tpu.memory_space<vmem>>, vector<8x50x64xf32>
    %mul3A_63 = arith.mulf %get3A_62, %get3A_62 : vector<8x50x64xf32>
    %reduce_sum3A_64 = arith.constant dense<0.000000e+00> : vector<8x64xf32>
    %reduce_sum3A_65 = vector.multi_reduction <add>, %mul3A_63, %reduce_sum3A_64 [1] : vector<8x50x64xf32> to vector<8x64xf32>
    %broadcast_in_dim3A_66 = vector.shape_cast %reduce_sum3A_65 : vector<8x64xf32> to vector<8x1x64xf32>
    %rsqrt3A_67 = math.rsqrt %broadcast_in_dim3A_66 : vector<8x1x64xf32>
    %min3A_68 = arith.constant 9.99999995E+11 : f32
    %min3A_69 = vector.broadcast %min3A_68 : f32 to vector<8x1x64xf32>
    %min3A_70 = arith.minimumf %rsqrt3A_67, %min3A_69 : vector<8x1x64xf32>
    %mul3A_71 = vector.broadcast %min3A_70 : vector<8x1x64xf32> to vector<8x50x64xf32>
    %mul3A_72 = arith.mulf %get3A_62, %mul3A_71 : vector<8x50x64xf32>
    %mul3A_73 = arith.mulf %mul3A_72, %mul3A_7 : vector<8x50x64xf32>
    %reduce_sum3A_74 = arith.constant dense<0.000000e+00> : vector<8x50xf32>
    %reduce_sum3A_75 = vector.multi_reduction <add>, %mul3A_73, %reduce_sum3A_74 [2] : vector<8x50x64xf32> to vector<8x50xf32>
    %get3A_76 = arith.constant 0 : index
    %get3A_77 = arith.constant 200 : index
    %get3A_78 = arith.constant 0 : index
    %get3A_79 = vector.load %arg1[%get3A_76, %get3A_77, %get3A_78] : memref<8x856x128xf32, #tpu.memory_space<vmem>>, vector<8x50x64xf32>
    %mul3A_80 = arith.mulf %get3A_79, %get3A_79 : vector<8x50x64xf32>
    %reduce_sum3A_81 = arith.constant dense<0.000000e+00> : vector<8x64xf32>
    %reduce_sum3A_82 = vector.multi_reduction <add>, %mul3A_80, %reduce_sum3A_81 [1] : vector<8x50x64xf32> to vector<8x64xf32>
    %broadcast_in_dim3A_83 = vector.shape_cast %reduce_sum3A_82 : vector<8x64xf32> to vector<8x1x64xf32>
    %rsqrt3A_84 = math.rsqrt %broadcast_in_dim3A_83 : vector<8x1x64xf32>
    %min3A_85 = arith.constant 9.99999995E+11 : f32
    %min3A_86 = vector.broadcast %min3A_85 : f32 to vector<8x1x64xf32>
    %min3A_87 = arith.minimumf %rsqrt3A_84, %min3A_86 : vector<8x1x64xf32>
    %mul3A_88 = vector.broadcast %min3A_87 : vector<8x1x64xf32> to vector<8x50x64xf32>
    %mul3A_89 = arith.mulf %get3A_79, %mul3A_88 : vector<8x50x64xf32>
    %mul3A_90 = arith.mulf %mul3A_89, %mul3A_7 : vector<8x50x64xf32>
    %reduce_sum3A_91 = arith.constant dense<0.000000e+00> : vector<8x50xf32>
    %reduce_sum3A_92 = vector.multi_reduction <add>, %mul3A_90, %reduce_sum3A_91 [2] : vector<8x50x64xf32> to vector<8x50xf32>
    %get3A_93 = arith.constant 0 : index
    %get3A_94 = arith.constant 250 : index
    %get3A_95 = arith.constant 0 : index
    %get3A_96 = vector.load %arg1[%get3A_93, %get3A_94, %get3A_95] : memref<8x856x128xf32, #tpu.memory_space<vmem>>, vector<8x50x64xf32>
    %mul3A_97 = arith.mulf %get3A_96, %get3A_96 : vector<8x50x64xf32>
    %reduce_sum3A_98 = arith.constant dense<0.000000e+00> : vector<8x64xf32>
    %reduce_sum3A_99 = vector.multi_reduction <add>, %mul3A_97, %reduce_sum3A_98 [1] : vector<8x50x64xf32> to vector<8x64xf32>
    %broadcast_in_dim3A_100 = vector.shape_cast %reduce_sum3A_99 : vector<8x64xf32> to vector<8x1x64xf32>
    %rsqrt3A_101 = math.rsqrt %broadcast_in_dim3A_100 : vector<8x1x64xf32>
    %min3A_102 = arith.constant 9.99999995E+11 : f32
    %min3A_103 = vector.broadcast %min3A_102 : f32 to vector<8x1x64xf32>
    %min3A_104 = arith.minimumf %rsqrt3A_101, %min3A_103 : vector<8x1x64xf32>
    %mul3A_105 = vector.broadcast %min3A_104 : vector<8x1x64xf32> to vector<8x50x64xf32>
    %mul3A_106 = arith.mulf %get3A_96, %mul3A_105 : vector<8x50x64xf32>
    %mul3A_107 = arith.mulf %mul3A_106, %mul3A_7 : vector<8x50x64xf32>
    %reduce_sum3A_108 = arith.constant dense<0.000000e+00> : vector<8x50xf32>
    %reduce_sum3A_109 = vector.multi_reduction <add>, %mul3A_107, %reduce_sum3A_108 [2] : vector<8x50x64xf32> to vector<8x50xf32>
    %get3A_110 = arith.constant 0 : index
    %get3A_111 = arith.constant 300 : index
    %get3A_112 = arith.constant 0 : index
    %get3A_113 = vector.load %arg1[%get3A_110, %get3A_111, %get3A_112] : memref<8x856x128xf32, #tpu.memory_space<vmem>>, vector<8x50x64xf32>
    %mul3A_114 = arith.mulf %get3A_113, %get3A_113 : vector<8x50x64xf32>
    %reduce_sum3A_115 = arith.constant dense<0.000000e+00> : vector<8x64xf32>
    %reduce_sum3A_116 = vector.multi_reduction <add>, %mul3A_114, %reduce_sum3A_115 [1] : vector<8x50x64xf32> to vector<8x64xf32>
    %broadcast_in_dim3A_117 = vector.shape_cast %reduce_sum3A_116 : vector<8x64xf32> to vector<8x1x64xf32>
    %rsqrt3A_118 = math.rsqrt %broadcast_in_dim3A_117 : vector<8x1x64xf32>
    %min3A_119 = arith.constant 9.99999995E+11 : f32
    %min3A_120 = vector.broadcast %min3A_119 : f32 to vector<8x1x64xf32>
    %min3A_121 = arith.minimumf %rsqrt3A_118, %min3A_120 : vector<8x1x64xf32>
    %mul3A_122 = vector.broadcast %min3A_121 : vector<8x1x64xf32> to vector<8x50x64xf32>
    %mul3A_123 = arith.mulf %get3A_113, %mul3A_122 : vector<8x50x64xf32>
    %mul3A_124 = arith.mulf %mul3A_123, %mul3A_7 : vector<8x50x64xf32>
    %reduce_sum3A_125 = arith.constant dense<0.000000e+00> : vector<8x50xf32>
    %reduce_sum3A_126 = vector.multi_reduction <add>, %mul3A_124, %reduce_sum3A_125 [2] : vector<8x50x64xf32> to vector<8x50xf32>
    %get3A_127 = arith.constant 0 : index
    %get3A_128 = arith.constant 350 : index
    %get3A_129 = arith.constant 0 : index
    %get3A_130 = vector.load %arg1[%get3A_127, %get3A_128, %get3A_129] : memref<8x856x128xf32, #tpu.memory_space<vmem>>, vector<8x50x64xf32>
    %mul3A_131 = arith.mulf %get3A_130, %get3A_130 : vector<8x50x64xf32>
    %reduce_sum3A_132 = arith.constant dense<0.000000e+00> : vector<8x64xf32>
    %reduce_sum3A_133 = vector.multi_reduction <add>, %mul3A_131, %reduce_sum3A_132 [1] : vector<8x50x64xf32> to vector<8x64xf32>
    %broadcast_in_dim3A_134 = vector.shape_cast %reduce_sum3A_133 : vector<8x64xf32> to vector<8x1x64xf32>
    %rsqrt3A_135 = math.rsqrt %broadcast_in_dim3A_134 : vector<8x1x64xf32>
    %min3A_136 = arith.constant 9.99999995E+11 : f32
    %min3A_137 = vector.broadcast %min3A_136 : f32 to vector<8x1x64xf32>
    %min3A_138 = arith.minimumf %rsqrt3A_135, %min3A_137 : vector<8x1x64xf32>
    %mul3A_139 = vector.broadcast %min3A_138 : vector<8x1x64xf32> to vector<8x50x64xf32>
    %mul3A_140 = arith.mulf %get3A_130, %mul3A_139 : vector<8x50x64xf32>
    %mul3A_141 = arith.mulf %mul3A_140, %mul3A_7 : vector<8x50x64xf32>
    %reduce_sum3A_142 = arith.constant dense<0.000000e+00> : vector<8x50xf32>
    %reduce_sum3A_143 = vector.multi_reduction <add>, %mul3A_141, %reduce_sum3A_142 [2] : vector<8x50x64xf32> to vector<8x50xf32>
    %get3A_144 = arith.constant 0 : index
    %get3A_145 = arith.constant 400 : index
    %get3A_146 = arith.constant 0 : index
    %get3A_147 = vector.load %arg1[%get3A_144, %get3A_145, %get3A_146] : memref<8x856x128xf32, #tpu.memory_space<vmem>>, vector<8x50x64xf32>
    %mul3A_148 = arith.mulf %get3A_147, %get3A_147 : vector<8x50x64xf32>
    %reduce_sum3A_149 = arith.constant dense<0.000000e+00> : vector<8x64xf32>
    %reduce_sum3A_150 = vector.multi_reduction <add>, %mul3A_148, %reduce_sum3A_149 [1] : vector<8x50x64xf32> to vector<8x64xf32>
    %broadcast_in_dim3A_151 = vector.shape_cast %reduce_sum3A_150 : vector<8x64xf32> to vector<8x1x64xf32>
    %rsqrt3A_152 = math.rsqrt %broadcast_in_dim3A_151 : vector<8x1x64xf32>
    %min3A_153 = arith.constant 9.99999995E+11 : f32
    %min3A_154 = vector.broadcast %min3A_153 : f32 to vector<8x1x64xf32>
    %min3A_155 = arith.minimumf %rsqrt3A_152, %min3A_154 : vector<8x1x64xf32>
    %mul3A_156 = vector.broadcast %min3A_155 : vector<8x1x64xf32> to vector<8x50x64xf32>
    %mul3A_157 = arith.mulf %get3A_147, %mul3A_156 : vector<8x50x64xf32>
    %mul3A_158 = arith.mulf %mul3A_157, %mul3A_7 : vector<8x50x64xf32>
    %reduce_sum3A_159 = arith.constant dense<0.000000e+00> : vector<8x50xf32>
    %reduce_sum3A_160 = vector.multi_reduction <add>, %mul3A_158, %reduce_sum3A_159 [2] : vector<8x50x64xf32> to vector<8x50xf32>
    %get3A_161 = arith.constant 0 : index
    %get3A_162 = arith.constant 450 : index
    %get3A_163 = arith.constant 0 : index
    %get3A_164 = vector.load %arg1[%get3A_161, %get3A_162, %get3A_163] : memref<8x856x128xf32, #tpu.memory_space<vmem>>, vector<8x50x64xf32>
    %mul3A_165 = arith.mulf %get3A_164, %get3A_164 : vector<8x50x64xf32>
    %reduce_sum3A_166 = arith.constant dense<0.000000e+00> : vector<8x64xf32>
    %reduce_sum3A_167 = vector.multi_reduction <add>, %mul3A_165, %reduce_sum3A_166 [1] : vector<8x50x64xf32> to vector<8x64xf32>
    %broadcast_in_dim3A_168 = vector.shape_cast %reduce_sum3A_167 : vector<8x64xf32> to vector<8x1x64xf32>
    %rsqrt3A_169 = math.rsqrt %broadcast_in_dim3A_168 : vector<8x1x64xf32>
    %min3A_170 = arith.constant 9.99999995E+11 : f32
    %min3A_171 = vector.broadcast %min3A_170 : f32 to vector<8x1x64xf32>
    %min3A_172 = arith.minimumf %rsqrt3A_169, %min3A_171 : vector<8x1x64xf32>
    %mul3A_173 = vector.broadcast %min3A_172 : vector<8x1x64xf32> to vector<8x50x64xf32>
    %mul3A_174 = arith.mulf %get3A_164, %mul3A_173 : vector<8x50x64xf32>
    %mul3A_175 = arith.mulf %mul3A_174, %mul3A_7 : vector<8x50x64xf32>
    %reduce_sum3A_176 = arith.constant dense<0.000000e+00> : vector<8x50xf32>
    %reduce_sum3A_177 = vector.multi_reduction <add>, %mul3A_175, %reduce_sum3A_176 [2] : vector<8x50x64xf32> to vector<8x50xf32>
    %get3A_178 = arith.constant 0 : index
    %get3A_179 = arith.constant 500 : index
    %get3A_180 = arith.constant 0 : index
    %get3A_181 = vector.load %arg1[%get3A_178, %get3A_179, %get3A_180] : memref<8x856x128xf32, #tpu.memory_space<vmem>>, vector<8x50x64xf32>
    %mul3A_182 = arith.mulf %get3A_181, %get3A_181 : vector<8x50x64xf32>
    %reduce_sum3A_183 = arith.constant dense<0.000000e+00> : vector<8x64xf32>
    %reduce_sum3A_184 = vector.multi_reduction <add>, %mul3A_182, %reduce_sum3A_183 [1] : vector<8x50x64xf32> to vector<8x64xf32>
    %broadcast_in_dim3A_185 = vector.shape_cast %reduce_sum3A_184 : vector<8x64xf32> to vector<8x1x64xf32>
    %rsqrt3A_186 = math.rsqrt %broadcast_in_dim3A_185 : vector<8x1x64xf32>
    %min3A_187 = arith.constant 9.99999995E+11 : f32
    %min3A_188 = vector.broadcast %min3A_187 : f32 to vector<8x1x64xf32>
    %min3A_189 = arith.minimumf %rsqrt3A_186, %min3A_188 : vector<8x1x64xf32>
    %mul3A_190 = vector.broadcast %min3A_189 : vector<8x1x64xf32> to vector<8x50x64xf32>
    %mul3A_191 = arith.mulf %get3A_181, %mul3A_190 : vector<8x50x64xf32>
    %mul3A_192 = arith.mulf %mul3A_191, %mul3A_7 : vector<8x50x64xf32>
    %reduce_sum3A_193 = arith.constant dense<0.000000e+00> : vector<8x50xf32>
    %reduce_sum3A_194 = vector.multi_reduction <add>, %mul3A_192, %reduce_sum3A_193 [2] : vector<8x50x64xf32> to vector<8x50xf32>
    %get3A_195 = arith.constant 0 : index
    %get3A_196 = arith.constant 550 : index
    %get3A_197 = arith.constant 0 : index
    %get3A_198 = vector.load %arg1[%get3A_195, %get3A_196, %get3A_197] : memref<8x856x128xf32, #tpu.memory_space<vmem>>, vector<8x50x64xf32>
    %mul3A_199 = arith.mulf %get3A_198, %get3A_198 : vector<8x50x64xf32>
    %reduce_sum3A_200 = arith.constant dense<0.000000e+00> : vector<8x64xf32>
    %reduce_sum3A_201 = vector.multi_reduction <add>, %mul3A_199, %reduce_sum3A_200 [1] : vector<8x50x64xf32> to vector<8x64xf32>
    %broadcast_in_dim3A_202 = vector.shape_cast %reduce_sum3A_201 : vector<8x64xf32> to vector<8x1x64xf32>
    %rsqrt3A_203 = math.rsqrt %broadcast_in_dim3A_202 : vector<8x1x64xf32>
    %min3A_204 = arith.constant 9.99999995E+11 : f32
    %min3A_205 = vector.broadcast %min3A_204 : f32 to vector<8x1x64xf32>
    %min3A_206 = arith.minimumf %rsqrt3A_203, %min3A_205 : vector<8x1x64xf32>
    %mul3A_207 = vector.broadcast %min3A_206 : vector<8x1x64xf32> to vector<8x50x64xf32>
    %mul3A_208 = arith.mulf %get3A_198, %mul3A_207 : vector<8x50x64xf32>
    %mul3A_209 = arith.mulf %mul3A_208, %mul3A_7 : vector<8x50x64xf32>
    %reduce_sum3A_210 = arith.constant dense<0.000000e+00> : vector<8x50xf32>
    %reduce_sum3A_211 = vector.multi_reduction <add>, %mul3A_209, %reduce_sum3A_210 [2] : vector<8x50x64xf32> to vector<8x50xf32>
    %get3A_212 = arith.constant 0 : index
    %get3A_213 = arith.constant 600 : index
    %get3A_214 = arith.constant 0 : index
    %get3A_215 = vector.load %arg1[%get3A_212, %get3A_213, %get3A_214] : memref<8x856x128xf32, #tpu.memory_space<vmem>>, vector<8x50x64xf32>
    %mul3A_216 = arith.mulf %get3A_215, %get3A_215 : vector<8x50x64xf32>
    %reduce_sum3A_217 = arith.constant dense<0.000000e+00> : vector<8x64xf32>
    %reduce_sum3A_218 = vector.multi_reduction <add>, %mul3A_216, %reduce_sum3A_217 [1] : vector<8x50x64xf32> to vector<8x64xf32>
    %broadcast_in_dim3A_219 = vector.shape_cast %reduce_sum3A_218 : vector<8x64xf32> to vector<8x1x64xf32>
    %rsqrt3A_220 = math.rsqrt %broadcast_in_dim3A_219 : vector<8x1x64xf32>
    %min3A_221 = arith.constant 9.99999995E+11 : f32
    %min3A_222 = vector.broadcast %min3A_221 : f32 to vector<8x1x64xf32>
    %min3A_223 = arith.minimumf %rsqrt3A_220, %min3A_222 : vector<8x1x64xf32>
    %mul3A_224 = vector.broadcast %min3A_223 : vector<8x1x64xf32> to vector<8x50x64xf32>
    %mul3A_225 = arith.mulf %get3A_215, %mul3A_224 : vector<8x50x64xf32>
    %mul3A_226 = arith.mulf %mul3A_225, %mul3A_7 : vector<8x50x64xf32>
    %reduce_sum3A_227 = arith.constant dense<0.000000e+00> : vector<8x50xf32>
    %reduce_sum3A_228 = vector.multi_reduction <add>, %mul3A_226, %reduce_sum3A_227 [2] : vector<8x50x64xf32> to vector<8x50xf32>
    %get3A_229 = arith.constant 0 : index
    %get3A_230 = arith.constant 650 : index
    %get3A_231 = arith.constant 0 : index
    %get3A_232 = vector.load %arg1[%get3A_229, %get3A_230, %get3A_231] : memref<8x856x128xf32, #tpu.memory_space<vmem>>, vector<8x50x64xf32>
    %mul3A_233 = arith.mulf %get3A_232, %get3A_232 : vector<8x50x64xf32>
    %reduce_sum3A_234 = arith.constant dense<0.000000e+00> : vector<8x64xf32>
    %reduce_sum3A_235 = vector.multi_reduction <add>, %mul3A_233, %reduce_sum3A_234 [1] : vector<8x50x64xf32> to vector<8x64xf32>
    %broadcast_in_dim3A_236 = vector.shape_cast %reduce_sum3A_235 : vector<8x64xf32> to vector<8x1x64xf32>
    %rsqrt3A_237 = math.rsqrt %broadcast_in_dim3A_236 : vector<8x1x64xf32>
    %min3A_238 = arith.constant 9.99999995E+11 : f32
    %min3A_239 = vector.broadcast %min3A_238 : f32 to vector<8x1x64xf32>
    %min3A_240 = arith.minimumf %rsqrt3A_237, %min3A_239 : vector<8x1x64xf32>
    %mul3A_241 = vector.broadcast %min3A_240 : vector<8x1x64xf32> to vector<8x50x64xf32>
    %mul3A_242 = arith.mulf %get3A_232, %mul3A_241 : vector<8x50x64xf32>
    %mul3A_243 = arith.mulf %mul3A_242, %mul3A_7 : vector<8x50x64xf32>
    %reduce_sum3A_244 = arith.constant dense<0.000000e+00> : vector<8x50xf32>
    %reduce_sum3A_245 = vector.multi_reduction <add>, %mul3A_243, %reduce_sum3A_244 [2] : vector<8x50x64xf32> to vector<8x50xf32>
    %get3A_246 = arith.constant 0 : index
    %get3A_247 = arith.constant 700 : index
    %get3A_248 = arith.constant 0 : index
    %get3A_249 = vector.load %arg1[%get3A_246, %get3A_247, %get3A_248] : memref<8x856x128xf32, #tpu.memory_space<vmem>>, vector<8x50x64xf32>
    %mul3A_250 = arith.mulf %get3A_249, %get3A_249 : vector<8x50x64xf32>
    %reduce_sum3A_251 = arith.constant dense<0.000000e+00> : vector<8x64xf32>
    %reduce_sum3A_252 = vector.multi_reduction <add>, %mul3A_250, %reduce_sum3A_251 [1] : vector<8x50x64xf32> to vector<8x64xf32>
    %broadcast_in_dim3A_253 = vector.shape_cast %reduce_sum3A_252 : vector<8x64xf32> to vector<8x1x64xf32>
    %rsqrt3A_254 = math.rsqrt %broadcast_in_dim3A_253 : vector<8x1x64xf32>
    %min3A_255 = arith.constant 9.99999995E+11 : f32
    %min3A_256 = vector.broadcast %min3A_255 : f32 to vector<8x1x64xf32>
    %min3A_257 = arith.minimumf %rsqrt3A_254, %min3A_256 : vector<8x1x64xf32>
    %mul3A_258 = vector.broadcast %min3A_257 : vector<8x1x64xf32> to vector<8x50x64xf32>
    %mul3A_259 = arith.mulf %get3A_249, %mul3A_258 : vector<8x50x64xf32>
    %mul3A_260 = arith.mulf %mul3A_259, %mul3A_7 : vector<8x50x64xf32>
    %reduce_sum3A_261 = arith.constant dense<0.000000e+00> : vector<8x50xf32>
    %reduce_sum3A_262 = vector.multi_reduction <add>, %mul3A_260, %reduce_sum3A_261 [2] : vector<8x50x64xf32> to vector<8x50xf32>
    %get3A_263 = arith.constant 0 : index
    %get3A_264 = arith.constant 750 : index
    %get3A_265 = arith.constant 0 : index
    %get3A_266 = vector.load %arg1[%get3A_263, %get3A_264, %get3A_265] : memref<8x856x128xf32, #tpu.memory_space<vmem>>, vector<8x50x64xf32>
    %mul3A_267 = arith.mulf %get3A_266, %get3A_266 : vector<8x50x64xf32>
    %reduce_sum3A_268 = arith.constant dense<0.000000e+00> : vector<8x64xf32>
    %reduce_sum3A_269 = vector.multi_reduction <add>, %mul3A_267, %reduce_sum3A_268 [1] : vector<8x50x64xf32> to vector<8x64xf32>
    %broadcast_in_dim3A_270 = vector.shape_cast %reduce_sum3A_269 : vector<8x64xf32> to vector<8x1x64xf32>
    %rsqrt3A_271 = math.rsqrt %broadcast_in_dim3A_270 : vector<8x1x64xf32>
    %min3A_272 = arith.constant 9.99999995E+11 : f32
    %min3A_273 = vector.broadcast %min3A_272 : f32 to vector<8x1x64xf32>
    %min3A_274 = arith.minimumf %rsqrt3A_271, %min3A_273 : vector<8x1x64xf32>
    %mul3A_275 = vector.broadcast %min3A_274 : vector<8x1x64xf32> to vector<8x50x64xf32>
    %mul3A_276 = arith.mulf %get3A_266, %mul3A_275 : vector<8x50x64xf32>
    %mul3A_277 = arith.mulf %mul3A_276, %mul3A_7 : vector<8x50x64xf32>
    %reduce_sum3A_278 = arith.constant dense<0.000000e+00> : vector<8x50xf32>
    %reduce_sum3A_279 = vector.multi_reduction <add>, %mul3A_277, %reduce_sum3A_278 [2] : vector<8x50x64xf32> to vector<8x50xf32>
    %get3A_280 = arith.constant 0 : index
    %get3A_281 = arith.constant 800 : index
    %get3A_282 = arith.constant 0 : index
    %get3A_283 = vector.load %arg1[%get3A_280, %get3A_281, %get3A_282] : memref<8x856x128xf32, #tpu.memory_space<vmem>>, vector<8x50x64xf32>
    %mul3A_284 = arith.mulf %get3A_283, %get3A_283 : vector<8x50x64xf32>
    %reduce_sum3A_285 = arith.constant dense<0.000000e+00> : vector<8x64xf32>
    %reduce_sum3A_286 = vector.multi_reduction <add>, %mul3A_284, %reduce_sum3A_285 [1] : vector<8x50x64xf32> to vector<8x64xf32>
    %broadcast_in_dim3A_287 = vector.shape_cast %reduce_sum3A_286 : vector<8x64xf32> to vector<8x1x64xf32>
    %rsqrt3A_288 = math.rsqrt %broadcast_in_dim3A_287 : vector<8x1x64xf32>
    %min3A_289 = arith.constant 9.99999995E+11 : f32
    %min3A_290 = vector.broadcast %min3A_289 : f32 to vector<8x1x64xf32>
    %min3A_291 = arith.minimumf %rsqrt3A_288, %min3A_290 : vector<8x1x64xf32>
    %mul3A_292 = vector.broadcast %min3A_291 : vector<8x1x64xf32> to vector<8x50x64xf32>
    %mul3A_293 = arith.mulf %get3A_283, %mul3A_292 : vector<8x50x64xf32>
    %mul3A_294 = arith.mulf %mul3A_293, %mul3A_7 : vector<8x50x64xf32>
    %reduce_sum3A_295 = arith.constant dense<0.000000e+00> : vector<8x50xf32>
    %reduce_sum3A_296 = vector.multi_reduction <add>, %mul3A_294, %reduce_sum3A_295 [2] : vector<8x50x64xf32> to vector<8x50xf32>
    %max3A = arith.maximumf %reduce_sum3A_24, %reduce_sum3A_41 : vector<8x50xf32>
    %max3A_297 = arith.maximumf %max3A, %reduce_sum3A_58 : vector<8x50xf32>
    %max3A_298 = arith.maximumf %max3A_297, %reduce_sum3A_75 : vector<8x50xf32>
    %max3A_299 = arith.maximumf %max3A_298, %reduce_sum3A_92 : vector<8x50xf32>
    %max3A_300 = arith.maximumf %max3A_299, %reduce_sum3A_109 : vector<8x50xf32>
    %max3A_301 = arith.maximumf %max3A_300, %reduce_sum3A_126 : vector<8x50xf32>
    %max3A_302 = arith.maximumf %max3A_301, %reduce_sum3A_143 : vector<8x50xf32>
    %max3A_303 = arith.maximumf %max3A_302, %reduce_sum3A_160 : vector<8x50xf32>
    %max3A_304 = arith.maximumf %max3A_303, %reduce_sum3A_177 : vector<8x50xf32>
    %max3A_305 = arith.maximumf %max3A_304, %reduce_sum3A_194 : vector<8x50xf32>
    %max3A_306 = arith.maximumf %max3A_305, %reduce_sum3A_211 : vector<8x50xf32>
    %max3A_307 = arith.maximumf %max3A_306, %reduce_sum3A_228 : vector<8x50xf32>
    %max3A_308 = arith.maximumf %max3A_307, %reduce_sum3A_245 : vector<8x50xf32>
    %max3A_309 = arith.maximumf %max3A_308, %reduce_sum3A_262 : vector<8x50xf32>
    %max3A_310 = arith.maximumf %max3A_309, %reduce_sum3A_279 : vector<8x50xf32>
    %max3A_311 = arith.maximumf %max3A_310, %reduce_sum3A_296 : vector<8x50xf32>
    %sub3A = arith.subf %reduce_sum3A_24, %max3A_311 : vector<8x50xf32>
    %exp3A = math.exp %sub3A : vector<8x50xf32>
    %sub3A_312 = arith.subf %reduce_sum3A_41, %max3A_311 : vector<8x50xf32>
    %exp3A_313 = math.exp %sub3A_312 : vector<8x50xf32>
    %add3A = arith.addf %exp3A, %exp3A_313 : vector<8x50xf32>
    %sub3A_314 = arith.subf %reduce_sum3A_58, %max3A_311 : vector<8x50xf32>
    %exp3A_315 = math.exp %sub3A_314 : vector<8x50xf32>
    %add3A_316 = arith.addf %add3A, %exp3A_315 : vector<8x50xf32>
    %sub3A_317 = arith.subf %reduce_sum3A_75, %max3A_311 : vector<8x50xf32>
    %exp3A_318 = math.exp %sub3A_317 : vector<8x50xf32>
    %add3A_319 = arith.addf %add3A_316, %exp3A_318 : vector<8x50xf32>
    %sub3A_320 = arith.subf %reduce_sum3A_92, %max3A_311 : vector<8x50xf32>
    %exp3A_321 = math.exp %sub3A_320 : vector<8x50xf32>
    %add3A_322 = arith.addf %add3A_319, %exp3A_321 : vector<8x50xf32>
    %sub3A_323 = arith.subf %reduce_sum3A_109, %max3A_311 : vector<8x50xf32>
    %exp3A_324 = math.exp %sub3A_323 : vector<8x50xf32>
    %add3A_325 = arith.addf %add3A_322, %exp3A_324 : vector<8x50xf32>
    %sub3A_326 = arith.subf %reduce_sum3A_126, %max3A_311 : vector<8x50xf32>
    %exp3A_327 = math.exp %sub3A_326 : vector<8x50xf32>
    %add3A_328 = arith.addf %add3A_325, %exp3A_327 : vector<8x50xf32>
    %sub3A_329 = arith.subf %reduce_sum3A_143, %max3A_311 : vector<8x50xf32>
    %exp3A_330 = math.exp %sub3A_329 : vector<8x50xf32>
    %add3A_331 = arith.addf %add3A_328, %exp3A_330 : vector<8x50xf32>
    %sub3A_332 = arith.subf %reduce_sum3A_160, %max3A_311 : vector<8x50xf32>
    %exp3A_333 = math.exp %sub3A_332 : vector<8x50xf32>
    %add3A_334 = arith.addf %add3A_331, %exp3A_333 : vector<8x50xf32>
    %sub3A_335 = arith.subf %reduce_sum3A_177, %max3A_311 : vector<8x50xf32>
    %exp3A_336 = math.exp %sub3A_335 : vector<8x50xf32>
    %add3A_337 = arith.addf %add3A_334, %exp3A_336 : vector<8x50xf32>
    %sub3A_338 = arith.subf %reduce_sum3A_194, %max3A_311 : vector<8x50xf32>
    %exp3A_339 = math.exp %sub3A_338 : vector<8x50xf32>
    %add3A_340 = arith.addf %add3A_337, %exp3A_339 : vector<8x50xf32>
    %sub3A_341 = arith.subf %reduce_sum3A_211, %max3A_311 : vector<8x50xf32>
    %exp3A_342 = math.exp %sub3A_341 : vector<8x50xf32>
    %add3A_343 = arith.addf %add3A_340, %exp3A_342 : vector<8x50xf32>
    %sub3A_344 = arith.subf %reduce_sum3A_228, %max3A_311 : vector<8x50xf32>
    %exp3A_345 = math.exp %sub3A_344 : vector<8x50xf32>
    %add3A_346 = arith.addf %add3A_343, %exp3A_345 : vector<8x50xf32>
    %sub3A_347 = arith.subf %reduce_sum3A_245, %max3A_311 : vector<8x50xf32>
    %exp3A_348 = math.exp %sub3A_347 : vector<8x50xf32>
    %add3A_349 = arith.addf %add3A_346, %exp3A_348 : vector<8x50xf32>
    %sub3A_350 = arith.subf %reduce_sum3A_262, %max3A_311 : vector<8x50xf32>
    %exp3A_351 = math.exp %sub3A_350 : vector<8x50xf32>
    %add3A_352 = arith.addf %add3A_349, %exp3A_351 : vector<8x50xf32>
    %sub3A_353 = arith.subf %reduce_sum3A_279, %max3A_311 : vector<8x50xf32>
    %exp3A_354 = math.exp %sub3A_353 : vector<8x50xf32>
    %add3A_355 = arith.addf %add3A_352, %exp3A_354 : vector<8x50xf32>
    %sub3A_356 = arith.subf %reduce_sum3A_296, %max3A_311 : vector<8x50xf32>
    %exp3A_357 = math.exp %sub3A_356 : vector<8x50xf32>
    %add3A_358 = arith.addf %add3A_355, %exp3A_357 : vector<8x50xf32>
    %log3A = math.log %add3A_358 : vector<8x50xf32>
    %add3A_359 = arith.addf %max3A_311, %log3A : vector<8x50xf32>
    %sub3A_360 = arith.subf %add3A_359, %reduce_sum3A_24 : vector<8x50xf32>
    %swap3A = arith.constant 0 : index
    %swap3A_361 = arith.constant 0 : index
    %swap3A_362 = vector.load %arg3[%swap3A, %swap3A_361] : memref<8x50xf32, #tpu.memory_space<vmem>>, vector<8x50xf32>
    tpu.vector_store %arg3[%swap3A, %swap3A_361], %sub3A_360 {strides = array<i32>} : memref<8x50xf32, #tpu.memory_space<vmem>>, vector<8x50xf32>,
    return
  }
  func.func @transform_0(%arg0: i32) -> (i32, i32, i32) {
    %c0_i32 = arith.constant 0 : i32
    %c0_i32_0 = arith.constant 0 : i32
    %c0_i32_1 = arith.constant 0 : i32
    return %arg0, %c0_i32, %c0_i32_0 : i32, i32, i32
  }
  func.func @transform_1(%arg0: i32) -> (i32, i32, i32) {
    %add3A = arith.constant 0 : i32
    %add3A_0 = arith.addi %arg0, %add3A : i32
    %c0_i32 = arith.constant 0 : i32
    %c0_i32_1 = arith.constant 0 : i32
    %c0_i32_2 = arith.constant 0 : i32
    return %add3A_0, %c0_i32, %c0_i32_1 : i32, i32, i32
  }
  func.func @transform_2(%arg0: i32) -> (i32, i32) {
    %c0_i32 = arith.constant 0 : i32
    %c0_i32_0 = arith.constant 0 : i32
    return %arg0, %c0_i32 : i32, i32
  }
}

</mosaic_0001>

<sc_bundles>
// kernel: kernel.10.cloned.1.call-start
scs
__scs_entry_jumppad:
0x0: {  	(pc) =	sbr.rel $0x88, $3  }
0x1: {  	(tag) =	ssettag $0x0;
	lr =	simm.s32 $0x1  }
0x2: {  	[smem:$0x3F9E] =	sst lr;
	_ =	strace $0xD0000000  }
0x3: {  	_ = 	snop  }
0x4: {  	_ = 	snop  }
0x5: {  	_ = 	snop  }
0x6: {  	_ = 	snop  }
0x7: {  	_ = 	snop  }
__scs_overlays_trampoline_lowered:
0x8: {  	[smem:$0x3FAD] =	sst s0  }
0x9: {  	[smem:$0x3FAE] =	sst s1  }
0xa: {  	[smem:$0x3FAF] =	sst s2  }
0xb: {  	[smem:$0x3FB0] =	sst s3  }
0xc: {  	[smem:$0x3FB1] =	sst s4  }
0xd: {  	[smem:$0x3FB2] =	sst s5  }
0xe: {  	[smem:$0x3FB3] =	sst s6  }
0xf: {  	[smem:$0x3FB4] =	sst s7  }
0x10: {  	[smem:$0x3FB5] =	sst s8  }
0x11: {  	[smem:$0x3FB6] =	sst s9;
	s0 =	simm.s32 @!p0 $0x0  }
0x12: {  	s1 =	sld [smem:$0x3F9C];
	s0 =	simm.s32 @p0 $0x1  }
0x13: {  	[smem:$0x3FB7] =	sst s0;
	s0 =	simm.s32 @!p1 $0x0  }
0x14: {  	s2 =	sld [smem:$0x3F9B];
	s0 =	simm.s32 @p1 $0x1  }
0x15: {  	[smem:$0x3FB8] =	sst s0;
	s0 =	simm.s32 @!p2 $0x0  }
0x16: {  	s3 =	sld [smem:$0x3FDB];
	s0 =	simm.s32 @p2 $0x1  }
0x17: {  	s4 =	simm.s32 $0x1BF5;
	[smem:$0x3FBA] =	sst s0  }
0x18: {  	s0 =	sld [smem:$0x3F9D];
	_ =	swait.ge [sflag:s4], $0x0  }
0x19: {  	s7 =	sld [smem:$0x3F9E]  }
0x1a: {  	s8 =	sadd.s32 $0xFFFFE003, lr  }
0x1b: {  	s9 =	sadd.s32 $0xFFFFFEF7, lr;
	s5 =	simm.s32 $0xFFFFFFFF;
	p2 =	slt.u32 s8, $0xFFFFF086  }
0x1c: {  	p1 =	slt.u32 s9, $0xF7A;
	s5 =	simm.s32 @!p2 $0x0  }
0x1d: {  	s5 =	simm.s32 @p1 $0x1;
	p0 =	seq.s32 s7, s2  }
0x1e: {  	s7 =	smul.u32 @!p0 $0xF7A, s2;
	p2 =	seq.s32 @!p0 s5, $0x0  }
0x1f: {  	s9 =	smul.u32 $0xF7A, s1;
	s8 =	simm.s32 @!p0 $0x1BF5;
	p2 =	por !p2, p0  }
0x20: {  	[sflag:s8] =	ssyncset.s32 @!p0 $0xFFFFF086;
	s6 =	sadd.s32 @!p0 s3, s7;
	s7 =	simm.s32 @!p0 $0x108  }
0x21: {  	s3 =	sadd.s32 s3, s9;
	s6 =	sadd.s32 @!p0 $0x88, s6;
	s7 =	simm.s32 @p2 $0x1082  }
0x22: {  	[simem:s7], [sflag:s8] =	dma.local @!p0 [hbm:s6], $0xF7A  }
0x23: {  	s9 =	sor.u32 $0xD0000000, s2;
	s6 =	simm.s32 $0x108;
	_ =	swait.ge @!p0 [sflag:s8], $0x0  }
0x24: {  	s3 =	sadd.s32 $0x88, s3;
	s6 =	simm.s32 @!p1 $0x1082;
	[sflag:s4] =	ssyncset.s32 $0xFFFFF086  }
0x25: {  	[simem:s6], [sflag:s4] =	dma.local [hbm:s3], $0xF7A  }
0x26: {  	[smem:$0x3F9E] =	sst s1;
	(tag) =	ssettag s2;
	_ =	strace s9  }
0x27: {  	s1 =	sld [smem:$0x3FAE]  }
0x28: {  	s2 =	sld [smem:$0x3FAF]  }
0x29: {  	s4 =	sld [smem:$0x3FB1]  }
0x2a: {  	p0 =	seq.s32 s5, $0x0;
	s5 =	sld [smem:$0x3FB2]  }
0x2b: {  	s6 =	sld [smem:$0x3FB3]  }
0x2c: {  	s7 =	sld [smem:$0x3FB4]  }
0x2d: {  	s3 =	simm.s32 $0x108;
	s8 =	sld [smem:$0x3FB5]  }
0x2e: {  	s3 =	simm.s32 @!p0 $0x1082;
	s9 =	sld [smem:$0x3FB6]  }
0x2f: {  	lr =	sadd.s32 s0, s3;
	s0 =	sld [smem:$0x3FAD]  }
0x30: {  	s3 =	sld [smem:$0x3FB0]  }
0x31: {  	[smem:$0x3FB9] =	sst s10  }
0x32: {  	s10 =	sld [smem:$0x3FB7];
	_ =	sdelay $0x3  }
0x33: {  	p0 =	seq.s32 s10, $0x1;
	s10 =	sld [smem:$0x3FB9];
	_ =	sdelay $0x3  }
0x34: {  	[smem:$0x3FB9] =	sst s10  }
0x35: {  	s10 =	sld [smem:$0x3FB8];
	_ =	sdelay $0x3  }
0x36: {  	p1 =	seq.s32 s10, $0x1;
	s10 =	sld [smem:$0x3FB9];
	_ =	sdelay $0x3  }
0x37: {  	[smem:$0x3FB9] =	sst s10  }
0x38: {  	s10 =	sld [smem:$0x3FBA]  }
0x39: {  	_ = 	snop;
	(pc) =	sbr.ind lr, $3  }
0x3a: {  	_ = 	snop  }
0x3b: {  	_ = 	snop  }
0x3c: {  	p2 =	seq.s32 s10, $0x1;
	s10 =	sld [smem:$0x3FB9]  }
0x3d: {  	_ =	shalt  }
0x3e: {  	_ =	shalt  }
0x3f: {  	_ =	shalt  }
0x40: {  	_ =	shalt  }
0x41: {  	_ =	shalt  }
0x42: {  	_ =	shalt  }
0x43: {  	_ =	shalt  }
0x44: {  	_ =	shalt  }
0x45: {  	_ =	shalt  }
0x46: {  	_ =	shalt  }
0x47: {  	_ =	shalt  }
0x48: {  	_ =	shalt  }
0x49: {  	_ =	shalt  }
0x4a: {  	_ =	shalt  }
0x4b: {  	_ =	shalt  }
0x4c: {  	_ =	shalt  }
0x4d: {  	_ =	shalt  }
0x4e: {  	_ =	shalt  }
0x4f: {  	_ =	shalt  }
0x50: {  	_ =	shalt  }
0x51: {  	_ =	shalt  }
0x52: {  	_ =	shalt  }
0x53: {  	_ =	shalt  }
0x54: {  	_ =	shalt  }
0x55: {  	_ =	shalt  }
0x56: {  	_ =	shalt  }
0x57: {  	_ =	shalt  }
0x58: {  	_ =	shalt  }
0x59: {  	_ =	shalt  }
0x5a: {  	_ =	shalt  }
0x5b: {  	_ =	shalt  }
0x5c: {  	_ =	shalt  }
0x5d: {  	_ =	shalt  }
0x5e: {  	_ =	shalt  }
0x5f: {  	_ =	shalt  }
0x60: {  	_ =	shalt  }
0x61: {  	_ =	shalt  }
0x62: {  	_ =	shalt  }
0x63: {  	_ =	shalt  }
0x64: {  	_ =	shalt  }
0x65: {  	_ =	shalt  }
0x66: {  	_ =	shalt  }
0x67: {  	_ =	shalt  }
0x68: {  	_ =	shalt  }
0x69: {  	_ =	shalt  }
0x6a: {  	_ =	shalt  }
0x6b: {  	_ =	shalt  }
0x6c: {  	_ =	shalt  }
0x6d: {  	_ =	shalt  }
0x6e: {  	_ =	shalt  }
0x6f: {  	_ =	shalt  }
0x70: {  	_ =	shalt  }
0x71: {  	_ =	shalt  }
0x72: {  	_ =	shalt  }
0x73: {  	_ =	shalt  }
0x74: {  	_ =	shalt  }
0x75: {  	_ =	shalt  }
0x76: {  	_ =	shalt  }
0x77: {  	_ =	shalt  }
0x78: {  	_ =	shalt  }
0x79: {  	_ =	shalt  }
0x7a: {  	_ =	shalt  }
0x7b: {  	_ =	shalt  }
0x7c: {  	_ =	shalt  }
0x7d: {  	_ =	shalt  }
0x7e: {  	_ =	shalt  }
0x7f: {  	_ =	shalt  }
0x80: {  	_ =	shalt  }
0x81: {  	_ =	shalt  }
0x82: {  	_ =	shalt  }
0x83: {  	_ =	shalt  }
0x84: {  	_ =	shalt  }
0x85: {  	_ =	shalt  }
0x86: {  	_ =	shalt  }
0x87: {  	_ =	shalt  }
.Lfunc_end0:
.L_simem_size_0:
called_computation_lowered:
.L_overlay_start_0:
0x88: {  	s2 =	sld [smem:$0x3FD9]  }
0x89: {  	s3 =	sld [smem:$0x3FFE];
	_ =	sdelay $0x1  }
0x8a: {  	s1 =	srdreg.scid  }
0x8b: {  	s0 =	sand.u32 $0x1, s1  }
0x8c: {  	s17 =	sshll.u32 s0, $0xA;
	s2 =	sadd.s32 s3, s2  }
0x8d: {  	s2 =	sadd.s32 s2, s17  }
0x8e: {  	[smem:$0x3FC5] =	sst s2  }
0x8f: {  	_ = 	snop  }
0x90: {  	(tm) =	ssettm $0x1  }
0x91: {  	s18 =	sld [smem:$0x3FFB];
	_ =	sdelay $0x3  }
0x92: {  	_ =	strace s18  }
0x93: {  	s2 =	sld [smem:$0x3FFC];
	_ =	sdelay $0x3  }
0x94: {  	_ =	strace s2  }
0x95: {  	s2 =	sld [smem:$0x3FFD];
	_ =	sdelay $0x3  }
0x96: {  	_ =	strace s2  }
0x97: {  	_ =	strace $0x8FFFFFFF  }
0x98: {  	s19 =	sld [smem:$0x3FDB];
	_ =	sdelay $0x1  }
0x99: {  	s20 =	simm.s32 $_scs_section_size  }
0x9a: {  	s4 =	simm.s32 $_size__tile_overlayer_lowered;
	s5 =	simm.s32 $_tile_overlayer_lowered  }
0x9b: {  	s6 =	simm.s32 $0x1BFF;
	s21 =	sshll.u32 s5, $0x1;
	s3 =	sadd.s32 s20, s19  }
0x9c: {  	s22 =	simm.s32 $0x0;
	s4 =	sshll.u32 s4, $0x1;
	s5 =	sadd.s32 s21, s3  }
0x9d: {  	[timem:s22], [sflag:s6] =	dma.local [hbm:s5], s4  }
0x9e: {  	_ =	swait.ge [sflag:s6], s4  }
0x9f: {  	s4 =	ssub.s32 $0x0, s4;
	[sflag:s6] =	ssyncset.done $0x0  }
0xa0: {  	[sflag:s6] =	ssyncadd.s32 s4;
	_ =	sdelay $0x1  }
0xa1: {  	s23 =	simm.s32 $0x1B8B  }
0xa2: {  	_ =	swait.ge [sflag:s23], $0x1  }
0xa3: {  	[sflag:s23] =	ssyncset.done $0x0  }
0xa4: {  	[sflag:s23] =	ssyncadd.s32 $0xFFFFFFFF  }
0xa5: {  	s4 =	sld [smem:$0x0]  }
0xa6: {  	s5 =	sand.u32 $0xFFFFFFFE, s1  }
0xa7: {  	p0 =	sne.s32 s1, s5  }
0xa8: {  	s5 =	sshll.u32 @p0 s5, $0xE  }
0xa9: {  	s5 =	sadd.s32 @p0 $0x11B8D, s5;
	s6 =	sshll.u32 @p0 s4, $0x11  }
0xaa: {  	s5 =	sor.u32 @p0 s6, s5  }
0xab: {  	[sflag:s5] =	ssyncadd.remote.s32 @p0 $0x1;
	_ =	sdelay $0x1  }
0xac: {  	s5 =	simm.s32 @p0 $0x1B8D  }
0xad: {  	_ =	swait.eq @p0 [sflag:s5], $0x1  }
0xae: {  	[sflag:s5] =	ssyncadd.s32 @p0 $0xFFFFFFFF  }
0xaf: {  	s6 =	sshll.u32 @!p0 s1, $0xE  }
0xb0: {  	s6 =	sor.u32 @!p0 $0x4000, s6;
	s5 =	simm.s32 @!p0 $0x1B8D  }
0xb1: {  	s4 =	sshll.u32 @!p0 s4, $0x11;
	s6 =	sadd.s32 @!p0 $0x11B8D, s6;
	_ =	swait.eq @!p0 [sflag:s5], $0x1  }
0xb2: {  	s4 =	sor.u32 @!p0 s4, s6;
	[sflag:s5] =	ssyncadd.s32 @!p0 $0xFFFFFFFF  }
0xb3: {  	s25 =	simm.s32 $0x1B8E;
	s24 =	sld [smem:$0x3FFE];
	[sflag:s4] =	ssyncadd.remote.s32 @!p0 $0x1  }
0xb4: {  	s26 =	simm.s32 $execute0_lowered;
	[smem:$0x3FD2] =	sst s25  }
0xb5: {  	s5 =	sshll.u32 s26, $0x1;
	_ =	strace $0x8000004F;
	[dreg:$0x1] =	wrdreg $0xFFFFFFFF  }
0xb6: {  	s28 =	simm.s32 $_size_execute0_lowered;
	s3 =	sadd.s32 s3, s5;
	[dreg:$0x0] =	wrdreg $0x0  }
0xb7: {  	s5 =	sshll.u32 s28, $0x1;
	[dreg:$0x2] =	wrdreg s3  }
0xb8: {  	[dreg:$0x3] =	wrdreg s5  }
0xb9: {  	[dreg:$0x4] =	wrdreg $0xC0  }
0xba: {  	_ =	task [dreg:s22], $0x5FFFF  }
0xbb: {  	[dreg:$0x1] =	wrdreg $0xFFFFFFFF  }
0xbc: {  	[dreg:$0x0] =	wrdreg $0x60  }
0xbd: {  	[dreg:$0x2] =	wrdreg s24  }
0xbe: {  	[dreg:$0x3] =	wrdreg $0x9  }
0xbf: {  	_ =	task.clear_ibuf [dreg:s22], $0x4FFFF;
	_ =	strace $0x9000004F  }
0xc0: {  	s29 =	simm.s32 $0x9;
	_ =	strace $0x80000051  }
0xc1: {  	_ =	swait.ge [sflag:s29], $0x1  }
0xc2: {  	[sflag:s29] =	ssyncadd.s32 $0xFFFFFFFF  }
0xc3: {  	_ =	strace $0x90000051  }
0xc4: {  	_ =	sfence  }
0xc5: {  	s30 =	sld [smem:$0x0];
	_ =	sdelay $0x2  }
0xc6: {  	s31 =	sshll.u32 s1, $0xD;
	s1 =	sshrl.u32 s1, $0x2  }
0xc7: {  	s4 =	sand.u32 $0x4000, s31;
	s1 =	sadd.s32 s1, s30  }
0xc8: {  	s0 =	sor.u32 s4, s0;
	s1 =	sshll.u32 s1, $0x11  }
0xc9: {  	s0 =	sor.u32 s1, s0  }
0xca: {  	s0 =	sadd.s32 $0x8F2B, s0  }
0xcb: {  	[sflag:s0] =	ssyncadd.remote.s32 $0x1  }
0xcc: {  	_ =	sfence.sel $0xFFFF  }
0xcd: {  	[dreg:$0x0] =	wrdreg $0xFFFFFFFF;
	(pc) =	sbr.abs _section_cstart, $3  }
0xce: {  	[dreg:$0x1] =	wrdreg $0xFFFFFFFF  }
0xcf: {  	_ =	task.clear_ibuf [dreg:s22], $0x2FFFF;
	_ =	strace $0x9FFFFFFF  }
0xd0: {  	(tm) =	ssettm $0x7FFFFFFF  }
0xd1: {  	_ =	shalt  }
tec
execute0_lowered:
.L_overlay_start_1:
0x0: {  	(tag) =	ssettag $0x1  }
0x1: {  	s1 =	srdreg.scid;
	s0 =	stileid.u32  }
0x2: {  	s26 =	sand.u32 $0x1, s1;
	s31 =	sshll.u32 s0, $0x1  }
0x3: {  	s8 =	sor.u32 s26, s31  }
0x4: {  	s10 =	rddreg [dreg:$0x0];
	s3 =	smul.u32 $0x358, s8  }
0x5: {  	s2 =	simm.s32 $0x0;
	s1 =	rddreg [dreg:$0x1]  }
0x6: {  	[smem:$0x7FF] =	sst s2;
	s3 =	sadd.s32 s3, s10  }
0x7: {  	_ =	strace $0x80000050;
	s4 =	sadd.s32 $0x1C00, s3;
	s3 =	simm.s32 $0x3  }
0x8: {  	[tilespmem:s2], [sflag:$0x3] =	stream.linear.gather [hbm4b:s4+s2], $0x1AC0, $0x38;
	[tilespmem:$0x1C6C0] =	vst v63  }
0x9: {  	_ =	swait.ge [sflag:s3], $0x1AC0  }
0xa: {  	s6 =	simm.s32 $0x358;
	[sflag:s3] =	ssyncset.done $0x0  }
0xb: {  	s7 =	simm.s32 $0x1AC0;
	s5 =	sadd.s32 $0x1A3200, s10;
	[sflag:s3] =	ssyncadd.s32 $0xFFFFE540  }
0xc: {  	[tilespmem:s7], [sflag:$0x1] =	stream.indirect.gather [hbm4b:s5+s6], $0x40, s2, s6, $0xb8;
	[tilespmem:$0x1C6C0] =	vst v63  }
0xd: {  	s9 =	simm.s32 $0x1;
	s11 =	smul.u32 $0x1AC00, s8;
	s8 =	simm.s32 $0xF0C0  }
0xe: {  	[tilespmem:s8], [sflag:$0x2] =	stream.indirect.gather [hbm4b:s5+s6], $0x40, s6, s6, $0xb8;
	[tilespmem:$0x1C6C0] =	vst v63  }
0xf: {  	_ =	swait.ge [sflag:s9], $0xD600  }
0x10: {  	s12 =	simm.s32 $0x80;
	s28 =	sadd.s32 s11, s10;
	[sflag:s9] =	ssyncset.done $0x0  }
0x11: {  	s11 =	simm.s32 $0x40;
	s10 =	sadd.s32 $0xC6E800, s28;
	[sflag:s9] =	ssyncadd.s32 $0xFFFF2A00  }
0x12: {  	[hbm4b:s10+s11] =	stream.strided.scatter [tilespmem:s7], [sflag:$0x3], $0xD600, s12, s11, $0x38;
	[tilespmem:$0x1C6C0] =	vst v63  }
0x13: {  	_ =	swait.ge [sflag:s3], $0xD600  }
0x14: {  	[sflag:s3] =	ssyncset.done $0x0  }
0x15: {  	s13 =	simm.s32 $0x6B0;
	s14 =	simm.s32 $0x2;
	[sflag:s3] =	ssyncadd.s32 $0xFFFF2A00  }
0x16: {  	[tilespmem:s7], [sflag:$0x1] =	stream.indirect.gather [hbm4b:s5+s6], $0x40, s13, s6, $0xb8;
	[tilespmem:$0x1C6C0] =	vst v63  }
0x17: {  	_ =	swait.ge [sflag:s14], $0xD600  }
0x18: {  	[sflag:s14] =	ssyncset.done $0x0  }
0x19: {  	s15 =	sadd.s32 $0xC71D80, s28;
	[sflag:s14] =	ssyncadd.s32 $0xFFFF2A00  }
0x1a: {  	[hbm4b:s15+s11] =	stream.strided.scatter [tilespmem:s8], [sflag:$0x3], $0xD600, s12, s11, $0x38;
	[tilespmem:$0x1C6C0] =	vst v63  }
0x1b: {  	_ =	swait.ge [sflag:s3], $0xD600  }
0x1c: {  	[sflag:s3] =	ssyncset.done $0x0  }
0x1d: {  	s16 =	simm.s32 $0xA08;
	[sflag:s3] =	ssyncadd.s32 $0xFFFF2A00  }
0x1e: {  	[tilespmem:s8], [sflag:$0x2] =	stream.indirect.gather [hbm4b:s5+s6], $0x40, s16, s6, $0xb8;
	[tilespmem:$0x1C6C0] =	vst v63  }
0x1f: {  	_ =	swait.ge [sflag:s9], $0xD600  }
0x20: {  	[sflag:s9] =	ssyncset.done $0x0  }
0x21: {  	s17 =	sadd.s32 $0xC75300, s28;
	[sflag:s9] =	ssyncadd.s32 $0xFFFF2A00  }
0x22: {  	[hbm4b:s17+s11] =	stream.strided.scatter [tilespmem:s7], [sflag:$0x3], $0xD600, s12, s11, $0x38;
	[tilespmem:$0x1C6C0] =	vst v63  }
0x23: {  	_ =	swait.ge [sflag:s3], $0xD600  }
0x24: {  	[sflag:s3] =	ssyncset.done $0x0  }
0x25: {  	s18 =	simm.s32 $0xD60;
	[sflag:s3] =	ssyncadd.s32 $0xFFFF2A00  }
0x26: {  	[tilespmem:s7], [sflag:$0x1] =	stream.indirect.gather [hbm4b:s5+s6], $0x40, s18, s6, $0xb8;
	[tilespmem:$0x1C6C0] =	vst v63  }
0x27: {  	_ =	swait.ge [sflag:s14], $0xD600  }
0x28: {  	[sflag:s14] =	ssyncset.done $0x0  }
0x29: {  	s19 =	sadd.s32 $0xC78880, s28;
	[sflag:s14] =	ssyncadd.s32 $0xFFFF2A00  }
0x2a: {  	[hbm4b:s19+s11] =	stream.strided.scatter [tilespmem:s8], [sflag:$0x3], $0xD600, s12, s11, $0x38;
	[tilespmem:$0x1C6C0] =	vst v63  }
0x2b: {  	_ =	swait.ge [sflag:s3], $0xD600  }
0x2c: {  	[sflag:s3] =	ssyncset.done $0x0  }
0x2d: {  	s20 =	simm.s32 $0x10B8;
	[sflag:s3] =	ssyncadd.s32 $0xFFFF2A00  }
0x2e: {  	[tilespmem:s8], [sflag:$0x2] =	stream.indirect.gather [hbm4b:s5+s6], $0x40, s20, s6, $0xb8;
	[tilespmem:$0x1C6C0] =	vst v63  }
0x2f: {  	_ =	swait.ge [sflag:s9], $0xD600  }
0x30: {  	[sflag:s9] =	ssyncset.done $0x0  }
0x31: {  	s21 =	sadd.s32 $0xC7BE00, s28;
	[sflag:s9] =	ssyncadd.s32 $0xFFFF2A00  }
0x32: {  	[hbm4b:s21+s11] =	stream.strided.scatter [tilespmem:s7], [sflag:$0x3], $0xD600, s12, s11, $0x38;
	[tilespmem:$0x1C6C0] =	vst v63  }
0x33: {  	_ =	swait.ge [sflag:s3], $0xD600  }
0x34: {  	[sflag:s3] =	ssyncset.done $0x0  }
0x35: {  	s22 =	simm.s32 $0x1410;
	[sflag:s3] =	ssyncadd.s32 $0xFFFF2A00  }
0x36: {  	[tilespmem:s7], [sflag:$0x1] =	stream.indirect.gather [hbm4b:s5+s6], $0x40, s22, s6, $0xb8;
	[tilespmem:$0x1C6C0] =	vst v63  }
0x37: {  	_ =	swait.ge [sflag:s14], $0xD600  }
0x38: {  	[sflag:s14] =	ssyncset.done $0x0  }
0x39: {  	s23 =	sadd.s32 $0xC7F380, s28;
	[sflag:s14] =	ssyncadd.s32 $0xFFFF2A00  }
0x3a: {  	[hbm4b:s23+s11] =	stream.strided.scatter [tilespmem:s8], [sflag:$0x3], $0xD600, s12, s11, $0x38;
	[tilespmem:$0x1C6C0] =	vst v63  }
0x3b: {  	_ =	swait.ge [sflag:s3], $0xD600  }
0x3c: {  	[sflag:s3] =	ssyncset.done $0x0  }
0x3d: {  	s24 =	simm.s32 $0x1768;
	[sflag:s3] =	ssyncadd.s32 $0xFFFF2A00  }
0x3e: {  	[tilespmem:s8], [sflag:$0x2] =	stream.indirect.gather [hbm4b:s5+s6], $0x40, s24, s6, $0xb8;
	[tilespmem:$0x1C6C0] =	vst v63  }
0x3f: {  	_ =	swait.ge [sflag:s9], $0xD600  }
0x40: {  	[sflag:s9] =	ssyncset.done $0x0  }
0x41: {  	s26 =	ssub.s32 $0x2, s26;
	s25 =	sadd.s32 $0xC82900, s28;
	[sflag:s9] =	ssyncadd.s32 $0xFFFF2A00  }
0x42: {  	[hbm4b:s25+s11] =	stream.strided.scatter [tilespmem:s7], [sflag:$0x3], $0xD600, s12, s11, $0x38;
	[tilespmem:$0x1C6C0] =	vst v63  }
0x43: {  	s29 =	sshrl.u32 s26, $0x1;
	_ =	swait.ge [sflag:s3], $0xD600  }
0x44: {  	s26 =	ssub.s32 s26, s29;
	[sflag:s3] =	ssyncset.done $0x0  }
0x45: {  	s29 =	smax.u32 s26, $0x1;
	[sflag:s3] =	ssyncadd.s32 $0xFFFF2A00  }
0x46: {  	p0 =	sne.s32 s29, $0x1;
	_ =	swait.ge [sflag:s14], $0xD600  }
.Ltmp0:
0x47: {  	[sflag:s14] =	ssyncset.done $0x0;
	(pc) =	sbr.rel @!p0 .LBB2_2-.Ltmp0, $4  }
0x48: {  	s26 =	sadd.s32 $0xC85E80, s28;
	[sflag:s14] =	ssyncadd.s32 $0xFFFF2A00  }
0x49: {  	[hbm4b:s26+s11] =	stream.strided.scatter [tilespmem:s8], [sflag:$0x3], $0xD600, s12, s11, $0x38;
	[tilespmem:$0x1C6C0] =	vst v63  }
0x4a: {  	_ =	swait.ge [sflag:s3], $0xD600  }
0x4b: {  	s28 =	sadd.s32 $0xFFFFFFFF, s29;
	[sflag:s3] =	ssyncset.done $0x0  }
.LBB2_1:
0x4c: {  	p0 =	sne.s32 s28, $0x1;
	s28 =	sadd.s32 $0xFFFFFFFF, s28;
	[sflag:s3] =	ssyncadd.s32 $0xFFFF2A00  }
0x4d: {  	[tilespmem:s2], [sflag:$0x3] =	stream.linear.gather [hbm4b:s4+s2], $0x1AC0, $0x38;
	[tilespmem:$0x1C6C0] =	vst v63  }
0x4e: {  	_ =	swait.ge [sflag:s3], $0x1AC0  }
0x4f: {  	[sflag:s3] =	ssyncset.done $0x0  }
0x50: {  	[sflag:s3] =	ssyncadd.s32 $0xFFFFE540  }
0x51: {  	[tilespmem:s7], [sflag:$0x1] =	stream.indirect.gather [hbm4b:s5+s6], $0x40, s2, s6, $0xb8;
	[tilespmem:$0x1C6C0] =	vst v63  }
0x52: {  	_ = 	snop  }
0x53: {  	[tilespmem:s8], [sflag:$0x2] =	stream.indirect.gather [hbm4b:s5+s6], $0x40, s6, s6, $0xb8;
	[tilespmem:$0x1C6C0] =	vst v63  }
0x54: {  	_ =	swait.ge [sflag:s9], $0xD600  }
0x55: {  	[sflag:s9] =	ssyncset.done $0x0  }
0x56: {  	[sflag:s9] =	ssyncadd.s32 $0xFFFF2A00  }
0x57: {  	[hbm4b:s10+s11] =	stream.strided.scatter [tilespmem:s7], [sflag:$0x3], $0xD600, s12, s11, $0x38;
	[tilespmem:$0x1C6C0] =	vst v63  }
0x58: {  	_ =	swait.ge [sflag:s3], $0xD600  }
0x59: {  	[sflag:s3] =	ssyncset.done $0x0  }
0x5a: {  	[sflag:s3] =	ssyncadd.s32 $0xFFFF2A00  }
0x5b: {  	[tilespmem:s7], [sflag:$0x1] =	stream.indirect.gather [hbm4b:s5+s6], $0x40, s13, s6, $0xb8;
	[tilespmem:$0x1C6C0] =	vst v63  }
0x5c: {  	_ =	swait.ge [sflag:s14], $0xD600  }
0x5d: {  	[sflag:s14] =	ssyncset.done $0x0  }
0x5e: {  	[sflag:s14] =	ssyncadd.s32 $0xFFFF2A00  }
0x5f: {  	[hbm4b:s15+s11] =	stream.strided.scatter [tilespmem:s8], [sflag:$0x3], $0xD600, s12, s11, $0x38;
	[tilespmem:$0x1C6C0] =	vst v63  }
0x60: {  	_ =	swait.ge [sflag:s3], $0xD600  }
0x61: {  	[sflag:s3] =	ssyncset.done $0x0  }
0x62: {  	[sflag:s3] =	ssyncadd.s32 $0xFFFF2A00  }
0x63: {  	[tilespmem:s8], [sflag:$0x2] =	stream.indirect.gather [hbm4b:s5+s6], $0x40, s16, s6, $0xb8;
	[tilespmem:$0x1C6C0] =	vst v63  }
0x64: {  	_ =	swait.ge [sflag:s9], $0xD600  }
0x65: {  	[sflag:s9] =	ssyncset.done $0x0  }
0x66: {  	[sflag:s9] =	ssyncadd.s32 $0xFFFF2A00  }
0x67: {  	[hbm4b:s17+s11] =	stream.strided.scatter [tilespmem:s7], [sflag:$0x3], $0xD600, s12, s11, $0x38;
	[tilespmem:$0x1C6C0] =	vst v63  }
0x68: {  	_ =	swait.ge [sflag:s3], $0xD600  }
0x69: {  	[sflag:s3] =	ssyncset.done $0x0  }
0x6a: {  	[sflag:s3] =	ssyncadd.s32 $0xFFFF2A00  }
0x6b: {  	[tilespmem:s7], [sflag:$0x1] =	stream.indirect.gather [hbm4b:s5+s6], $0x40, s18, s6, $0xb8;
	[tilespmem:$0x1C6C0] =	vst v63  }
0x6c: {  	_ =	swait.ge [sflag:s14], $0xD600  }
0x6d: {  	[sflag:s14] =	ssyncset.done $0x0  }
0x6e: {  	[sflag:s14] =	ssyncadd.s32 $0xFFFF2A00  }
0x6f: {  	[hbm4b:s19+s11] =	stream.strided.scatter [tilespmem:s8], [sflag:$0x3], $0xD600, s12, s11, $0x38;
	[tilespmem:$0x1C6C0] =	vst v63  }
0x70: {  	_ =	swait.ge [sflag:s3], $0xD600  }
0x71: {  	[sflag:s3] =	ssyncset.done $0x0  }
0x72: {  	[sflag:s3] =	ssyncadd.s32 $0xFFFF2A00  }
0x73: {  	[tilespmem:s8], [sflag:$0x2] =	stream.indirect.gather [hbm4b:s5+s6], $0x40, s20, s6, $0xb8;
	[tilespmem:$0x1C6C0] =	vst v63  }
0x74: {  	_ =	swait.ge [sflag:s9], $0xD600  }
0x75: {  	[sflag:s9] =	ssyncset.done $0x0  }
0x76: {  	[sflag:s9] =	ssyncadd.s32 $0xFFFF2A00  }
0x77: {  	[hbm4b:s21+s11] =	stream.strided.scatter [tilespmem:s7], [sflag:$0x3], $0xD600, s12, s11, $0x38;
	[tilespmem:$0x1C6C0] =	vst v63  }
0x78: {  	_ =	swait.ge [sflag:s3], $0xD600  }
0x79: {  	[sflag:s3] =	ssyncset.done $0x0  }
0x7a: {  	[sflag:s3] =	ssyncadd.s32 $0xFFFF2A00  }
0x7b: {  	[tilespmem:s7], [sflag:$0x1] =	stream.indirect.gather [hbm4b:s5+s6], $0x40, s22, s6, $0xb8;
	[tilespmem:$0x1C6C0] =	vst v63  }
0x7c: {  	_ =	swait.ge [sflag:s14], $0xD600  }
0x7d: {  	[sflag:s14] =	ssyncset.done $0x0  }
0x7e: {  	[sflag:s14] =	ssyncadd.s32 $0xFFFF2A00  }
0x7f: {  	[hbm4b:s23+s11] =	stream.strided.scatter [tilespmem:s8], [sflag:$0x3], $0xD600, s12, s11, $0x38;
	[tilespmem:$0x1C6C0] =	vst v63  }
0x80: {  	_ =	swait.ge [sflag:s3], $0xD600  }
0x81: {  	[sflag:s3] =	ssyncset.done $0x0  }
0x82: {  	[sflag:s3] =	ssyncadd.s32 $0xFFFF2A00  }
0x83: {  	[tilespmem:s8], [sflag:$0x2] =	stream.indirect.gather [hbm4b:s5+s6], $0x40, s24, s6, $0xb8;
	[tilespmem:$0x1C6C0] =	vst v63  }
0x84: {  	_ =	swait.ge [sflag:s9], $0xD600  }
0x85: {  	[sflag:s9] =	ssyncset.done $0x0  }
0x86: {  	[sflag:s9] =	ssyncadd.s32 $0xFFFF2A00  }
0x87: {  	[hbm4b:s25+s11] =	stream.strided.scatter [tilespmem:s7], [sflag:$0x3], $0xD600, s12, s11, $0x38;
	[tilespmem:$0x1C6C0] =	vst v63  }
0x88: {  	_ =	swait.ge [sflag:s3], $0xD600  }
0x89: {  	[sflag:s3] =	ssyncset.done $0x0  }
0x8a: {  	[sflag:s3] =	ssyncadd.s32 $0xFFFF2A00  }
0x8b: {  	_ =	swait.ge [sflag:s14], $0xD600  }
.Ltmp1:
0x8c: {  	[sflag:s14] =	ssyncset.done $0x0;
	(pc) =	sbr.rel @p0 .LBB2_1-.Ltmp1, $4  }
0x8d: {  	[sflag:s14] =	ssyncadd.s32 $0xFFFF2A00  }
0x8e: {  	[hbm4b:s26+s11] =	stream.strided.scatter [tilespmem:s8], [sflag:$0x3], $0xD600, s12, s11, $0x38;
	[tilespmem:$0x1C6C0] =	vst v63  }
0x8f: {  	_ =	swait.ge [sflag:s3], $0xD600  }
0x90: {  	[sflag:s3] =	ssyncset.done $0x0  }
.LBB2_2:
0x91: {  	[sflag:s3] =	ssyncadd.s32 $0xFFFF2A00  }
0x92: {  	_ =	sfence.sel $0x180000  }
0x93: {  	[bflag:$0x0] =	sbarrier.arrive $0xFFFF  }
0x94: {  	p0 =	sne.s32 s0, $0x0;
	_ =	strace $0x90000050  }
0x95: {  	s0 =	sadd.s32 @!p0 $0x100000, s1;
	[bflag:$0x2] =	sbarrier.arrive $0xFFFF  }
0x96: {  	[sflag:s0] =	ssyncadd.tile.s32 @!p0 $0x1;
	_ =	shalt  }
.Lfunc_end2:
_tile_overlayer_lowered:
.L_overlay_start_2:
0x97: {  	(tag) =	ssettag $0x2  }
0x98: {  	s0 =	rddreg [dreg:$0x0];
	s2 =	stileid.u32  }
0x99: {  	s1 =	rddreg [dreg:$0x1];
	p0 =	sne.s32 s2, $0x0  }
0x9a: {  	s3 =	rddreg [dreg:$0x2];
	[bflag:$0x3] =	sbarrier.arrive $0xFFFF;
	s2 =	simm.s32 @!p0 $0x1C03  }
0x9b: {  	[timem:s3], [sflag:s2] =	dma.local @!p0 [hbm:s0], s1  }
0x9c: {  	s0 =	simm.s32 @!p0 $0x3  }
0x9d: {  	_ =	swait.ge @!p0 [sflag:s0], s1  }
0x9e: {  	s1 =	ssub.s32 @!p0 $0x0, s1;
	[sflag:s0] =	ssyncset.done @!p0 $0x0  }
0x9f: {  	[sflag:s0] =	ssyncadd.s32 @!p0 s1  }
0xa0: {  	[bflag:$0x3] =	sbarrier.arrive $0xFFFF  }
0xa1: {  	_ =	shalt  }

// kernel: kernel.13.cloned.1.call-start
scs
__scs_entry_jumppad:
0x0: {  	(pc) =	sbr.rel $0x88, $3  }
0x1: {  	(tag) =	ssettag $0x0;
	lr =	simm.s32 $0x1  }
0x2: {  	[smem:$0x3F9E] =	sst lr;
	_ =	strace $0xD0000000  }
0x3: {  	_ = 	snop  }
0x4: {  	_ = 	snop  }
0x5: {  	_ = 	snop  }
0x6: {  	_ = 	snop  }
0x7: {  	_ = 	snop  }
__scs_overlays_trampoline_lowered:
0x8: {  	[smem:$0x3FAD] =	sst s0  }
0x9: {  	[smem:$0x3FAE] =	sst s1  }
0xa: {  	[smem:$0x3FAF] =	sst s2  }
0xb: {  	[smem:$0x3FB0] =	sst s3  }
0xc: {  	[smem:$0x3FB1] =	sst s4  }
0xd: {  	[smem:$0x3FB2] =	sst s5  }
0xe: {  	[smem:$0x3FB3] =	sst s6  }
0xf: {  	[smem:$0x3FB4] =	sst s7  }
0x10: {  	[smem:$0x3FB5] =	sst s8  }
0x11: {  	[smem:$0x3FB6] =	sst s9;
	s0 =	simm.s32 @!p0 $0x0  }
0x12: {  	s1 =	sld [smem:$0x3F9C];
	s0 =	simm.s32 @p0 $0x1  }
0x13: {  	[smem:$0x3FB7] =	sst s0;
	s0 =	simm.s32 @!p1 $0x0  }
0x14: {  	s2 =	sld [smem:$0x3F9B];
	s0 =	simm.s32 @p1 $0x1  }
0x15: {  	[smem:$0x3FB8] =	sst s0;
	s0 =	simm.s32 @!p2 $0x0  }
0x16: {  	s3 =	sld [smem:$0x3FDB];
	s0 =	simm.s32 @p2 $0x1  }
0x17: {  	s4 =	simm.s32 $0x1BF5;
	[smem:$0x3FBA] =	sst s0  }
0x18: {  	s0 =	sld [smem:$0x3F9D];
	_ =	swait.ge [sflag:s4], $0x0  }
0x19: {  	s7 =	sld [smem:$0x3F9E]  }
0x1a: {  	s8 =	sadd.s32 $0xFFFFE003, lr  }
0x1b: {  	s9 =	sadd.s32 $0xFFFFFEF7, lr;
	s5 =	simm.s32 $0xFFFFFFFF;
	p2 =	slt.u32 s8, $0xFFFFF086  }
0x1c: {  	p1 =	slt.u32 s9, $0xF7A;
	s5 =	simm.s32 @!p2 $0x0  }
0x1d: {  	s5 =	simm.s32 @p1 $0x1;
	p0 =	seq.s32 s7, s2  }
0x1e: {  	s7 =	smul.u32 @!p0 $0xF7A, s2;
	p2 =	seq.s32 @!p0 s5, $0x0  }
0x1f: {  	s9 =	smul.u32 $0xF7A, s1;
	s8 =	simm.s32 @!p0 $0x1BF5;
	p2 =	por !p2, p0  }
0x20: {  	[sflag:s8] =	ssyncset.s32 @!p0 $0xFFFFF086;
	s6 =	sadd.s32 @!p0 s3, s7;
	s7 =	simm.s32 @!p0 $0x108  }
0x21: {  	s3 =	sadd.s32 s3, s9;
	s6 =	sadd.s32 @!p0 $0x88, s6;
	s7 =	simm.s32 @p2 $0x1082  }
0x22: {  	[simem:s7], [sflag:s8] =	dma.local @!p0 [hbm:s6], $0xF7A  }
0x23: {  	s9 =	sor.u32 $0xD0000000, s2;
	s6 =	simm.s32 $0x108;
	_ =	swait.ge @!p0 [sflag:s8], $0x0  }
0x24: {  	s3 =	sadd.s32 $0x88, s3;
	s6 =	simm.s32 @!p1 $0x1082;
	[sflag:s4] =	ssyncset.s32 $0xFFFFF086  }
0x25: {  	[simem:s6], [sflag:s4] =	dma.local [hbm:s3], $0xF7A  }
0x26: {  	[smem:$0x3F9E] =	sst s1;
	(tag) =	ssettag s2;
	_ =	strace s9  }
0x27: {  	s1 =	sld [smem:$0x3FAE]  }
0x28: {  	s2 =	sld [smem:$0x3FAF]  }
0x29: {  	s4 =	sld [smem:$0x3FB1]  }
0x2a: {  	p0 =	seq.s32 s5, $0x0;
	s5 =	sld [smem:$0x3FB2]  }
0x2b: {  	s6 =	sld [smem:$0x3FB3]  }
0x2c: {  	s7 =	sld [smem:$0x3FB4]  }
0x2d: {  	s3 =	simm.s32 $0x108;
	s8 =	sld [smem:$0x3FB5]  }
0x2e: {  	s3 =	simm.s32 @!p0 $0x1082;
	s9 =	sld [smem:$0x3FB6]  }
0x2f: {  	lr =	sadd.s32 s0, s3;
	s0 =	sld [smem:$0x3FAD]  }
0x30: {  	s3 =	sld [smem:$0x3FB0]  }
0x31: {  	[smem:$0x3FB9] =	sst s10  }
0x32: {  	s10 =	sld [smem:$0x3FB7];
	_ =	sdelay $0x3  }
0x33: {  	p0 =	seq.s32 s10, $0x1;
	s10 =	sld [smem:$0x3FB9];
	_ =	sdelay $0x3  }
0x34: {  	[smem:$0x3FB9] =	sst s10  }
0x35: {  	s10 =	sld [smem:$0x3FB8];
	_ =	sdelay $0x3  }
0x36: {  	p1 =	seq.s32 s10, $0x1;
	s10 =	sld [smem:$0x3FB9];
	_ =	sdelay $0x3  }
0x37: {  	[smem:$0x3FB9] =	sst s10  }
0x38: {  	s10 =	sld [smem:$0x3FBA]  }
0x39: {  	_ = 	snop;
	(pc) =	sbr.ind lr, $3  }
0x3a: {  	_ = 	snop  }
0x3b: {  	_ = 	snop  }
0x3c: {  	p2 =	seq.s32 s10, $0x1;
	s10 =	sld [smem:$0x3FB9]  }
0x3d: {  	_ =	shalt  }
0x3e: {  	_ =	shalt  }
0x3f: {  	_ =	shalt  }
0x40: {  	_ =	shalt  }
0x41: {  	_ =	shalt  }
0x42: {  	_ =	shalt  }
0x43: {  	_ =	shalt  }
0x44: {  	_ =	shalt  }
0x45: {  	_ =	shalt  }
0x46: {  	_ =	shalt  }
0x47: {  	_ =	shalt  }
0x48: {  	_ =	shalt  }
0x49: {  	_ =	shalt  }
0x4a: {  	_ =	shalt  }
0x4b: {  	_ =	shalt  }
0x4c: {  	_ =	shalt  }
0x4d: {  	_ =	shalt  }
0x4e: {  	_ =	shalt  }
0x4f: {  	_ =	shalt  }
0x50: {  	_ =	shalt  }
0x51: {  	_ =	shalt  }
0x52: {  	_ =	shalt  }
0x53: {  	_ =	shalt  }
0x54: {  	_ =	shalt  }
0x55: {  	_ =	shalt  }
0x56: {  	_ =	shalt  }
0x57: {  	_ =	shalt  }
0x58: {  	_ =	shalt  }
0x59: {  	_ =	shalt  }
0x5a: {  	_ =	shalt  }
0x5b: {  	_ =	shalt  }
0x5c: {  	_ =	shalt  }
0x5d: {  	_ =	shalt  }
0x5e: {  	_ =	shalt  }
0x5f: {  	_ =	shalt  }
0x60: {  	_ =	shalt  }
0x61: {  	_ =	shalt  }
0x62: {  	_ =	shalt  }
0x63: {  	_ =	shalt  }
0x64: {  	_ =	shalt  }
0x65: {  	_ =	shalt  }
0x66: {  	_ =	shalt  }
0x67: {  	_ =	shalt  }
0x68: {  	_ =	shalt  }
0x69: {  	_ =	shalt  }
0x6a: {  	_ =	shalt  }
0x6b: {  	_ =	shalt  }
0x6c: {  	_ =	shalt  }
0x6d: {  	_ =	shalt  }
0x6e: {  	_ =	shalt  }
0x6f: {  	_ =	shalt  }
0x70: {  	_ =	shalt  }
0x71: {  	_ =	shalt  }
0x72: {  	_ =	shalt  }
0x73: {  	_ =	shalt  }
0x74: {  	_ =	shalt  }
0x75: {  	_ =	shalt  }
0x76: {  	_ =	shalt  }
0x77: {  	_ =	shalt  }
0x78: {  	_ =	shalt  }
0x79: {  	_ =	shalt  }
0x7a: {  	_ =	shalt  }
0x7b: {  	_ =	shalt  }
0x7c: {  	_ =	shalt  }
0x7d: {  	_ =	shalt  }
0x7e: {  	_ =	shalt  }
0x7f: {  	_ =	shalt  }
0x80: {  	_ =	shalt  }
0x81: {  	_ =	shalt  }
0x82: {  	_ =	shalt  }
0x83: {  	_ =	shalt  }
0x84: {  	_ =	shalt  }
0x85: {  	_ =	shalt  }
0x86: {  	_ =	shalt  }
0x87: {  	_ =	shalt  }
.Lfunc_end0:
.L_simem_size_0:
called_computation.1_lowered:
.L_overlay_start_0:
0x88: {  	s2 =	sld [smem:$0x3FD9]  }
0x89: {  	s3 =	sld [smem:$0x3FFE];
	_ =	sdelay $0x1  }
0x8a: {  	s1 =	srdreg.scid  }
0x8b: {  	s0 =	sand.u32 $0x1, s1  }
0x8c: {  	s17 =	sshll.u32 s0, $0xA;
	s2 =	sadd.s32 s3, s2  }
0x8d: {  	s2 =	sadd.s32 s2, s17  }
0x8e: {  	[smem:$0x3FC5] =	sst s2  }
0x8f: {  	_ = 	snop  }
0x90: {  	(tm) =	ssettm $0x1  }
0x91: {  	s18 =	sld [smem:$0x3FFB];
	_ =	sdelay $0x3  }
0x92: {  	_ =	strace s18  }
0x93: {  	s2 =	sld [smem:$0x3FFC];
	_ =	sdelay $0x3  }
0x94: {  	_ =	strace s2  }
0x95: {  	s2 =	sld [smem:$0x3FFD];
	_ =	sdelay $0x3  }
0x96: {  	_ =	strace s2  }
0x97: {  	_ =	strace $0x8FFFFFFF  }
0x98: {  	s19 =	sld [smem:$0x3FDB];
	_ =	sdelay $0x1  }
0x99: {  	s20 =	simm.s32 $_scs_section_size  }
0x9a: {  	s4 =	simm.s32 $_size__tile_overlayer_lowered;
	s5 =	simm.s32 $_tile_overlayer_lowered  }
0x9b: {  	s6 =	simm.s32 $0x1BFF;
	s21 =	sshll.u32 s5, $0x1;
	s3 =	sadd.s32 s20, s19  }
0x9c: {  	s22 =	simm.s32 $0x0;
	s4 =	sshll.u32 s4, $0x1;
	s5 =	sadd.s32 s21, s3  }
0x9d: {  	[timem:s22], [sflag:s6] =	dma.local [hbm:s5], s4  }
0x9e: {  	_ =	swait.ge [sflag:s6], s4  }
0x9f: {  	s4 =	ssub.s32 $0x0, s4;
	[sflag:s6] =	ssyncset.done $0x0  }
0xa0: {  	[sflag:s6] =	ssyncadd.s32 s4;
	_ =	sdelay $0x1  }
0xa1: {  	s23 =	simm.s32 $0x1B8B  }
0xa2: {  	_ =	swait.ge [sflag:s23], $0x1  }
0xa3: {  	[sflag:s23] =	ssyncset.done $0x0  }
0xa4: {  	[sflag:s23] =	ssyncadd.s32 $0xFFFFFFFF  }
0xa5: {  	s4 =	sld [smem:$0x0]  }
0xa6: {  	s5 =	sand.u32 $0xFFFFFFFE, s1  }
0xa7: {  	p0 =	sne.s32 s1, s5  }
0xa8: {  	s5 =	sshll.u32 @p0 s5, $0xE  }
0xa9: {  	s5 =	sadd.s32 @p0 $0x11B8D, s5;
	s6 =	sshll.u32 @p0 s4, $0x11  }
0xaa: {  	s5 =	sor.u32 @p0 s6, s5  }
0xab: {  	[sflag:s5] =	ssyncadd.remote.s32 @p0 $0x1;
	_ =	sdelay $0x1  }
0xac: {  	s5 =	simm.s32 @p0 $0x1B8D  }
0xad: {  	_ =	swait.eq @p0 [sflag:s5], $0x1  }
0xae: {  	[sflag:s5] =	ssyncadd.s32 @p0 $0xFFFFFFFF  }
0xaf: {  	s6 =	sshll.u32 @!p0 s1, $0xE  }
0xb0: {  	s6 =	sor.u32 @!p0 $0x4000, s6;
	s5 =	simm.s32 @!p0 $0x1B8D  }
0xb1: {  	s4 =	sshll.u32 @!p0 s4, $0x11;
	s6 =	sadd.s32 @!p0 $0x11B8D, s6;
	_ =	swait.eq @!p0 [sflag:s5], $0x1  }
0xb2: {  	s4 =	sor.u32 @!p0 s4, s6;
	[sflag:s5] =	ssyncadd.s32 @!p0 $0xFFFFFFFF  }
0xb3: {  	s25 =	simm.s32 $0x1B8E;
	s24 =	sld [smem:$0x3FFE];
	[sflag:s4] =	ssyncadd.remote.s32 @!p0 $0x1  }
0xb4: {  	s26 =	simm.s32 $execute0_lowered;
	[smem:$0x3FD2] =	sst s25  }
0xb5: {  	s5 =	sshll.u32 s26, $0x1;
	_ =	strace $0x8000004C;
	[dreg:$0x1] =	wrdreg $0xFFFFFFFF  }
0xb6: {  	s28 =	simm.s32 $_size_execute0_lowered;
	s3 =	sadd.s32 s3, s5;
	[dreg:$0x0] =	wrdreg $0x0  }
0xb7: {  	s5 =	sshll.u32 s28, $0x1;
	[dreg:$0x2] =	wrdreg s3  }
0xb8: {  	[dreg:$0x3] =	wrdreg s5  }
0xb9: {  	[dreg:$0x4] =	wrdreg $0xC0  }
0xba: {  	_ =	task [dreg:s22], $0x5FFFF  }
0xbb: {  	[dreg:$0x1] =	wrdreg $0xFFFFFFFF  }
0xbc: {  	[dreg:$0x0] =	wrdreg $0x60  }
0xbd: {  	[dreg:$0x2] =	wrdreg s24  }
0xbe: {  	[dreg:$0x3] =	wrdreg $0xA  }
0xbf: {  	_ =	task.clear_ibuf [dreg:s22], $0x4FFFF;
	_ =	strace $0x9000004C  }
0xc0: {  	s29 =	simm.s32 $0xA;
	_ =	strace $0x8000004E  }
0xc1: {  	_ =	swait.ge [sflag:s29], $0x1  }
0xc2: {  	[sflag:s29] =	ssyncadd.s32 $0xFFFFFFFF  }
0xc3: {  	_ =	strace $0x9000004E  }
0xc4: {  	_ =	sfence  }
0xc5: {  	s30 =	sld [smem:$0x0];
	_ =	sdelay $0x2  }
0xc6: {  	s31 =	sshll.u32 s1, $0xD;
	s1 =	sshrl.u32 s1, $0x2  }
0xc7: {  	s4 =	sand.u32 $0x4000, s31;
	s1 =	sadd.s32 s1, s30  }
0xc8: {  	s0 =	sor.u32 s4, s0;
	s1 =	sshll.u32 s1, $0x11  }
0xc9: {  	s0 =	sor.u32 s1, s0  }
0xca: {  	s0 =	sadd.s32 $0x8F2B, s0  }
0xcb: {  	[sflag:s0] =	ssyncadd.remote.s32 $0x1  }
0xcc: {  	_ =	sfence.sel $0xFFFF  }
0xcd: {  	[dreg:$0x0] =	wrdreg $0xFFFFFFFF;
	(pc) =	sbr.abs _section_cstart, $3  }
0xce: {  	[dreg:$0x1] =	wrdreg $0xFFFFFFFF  }
0xcf: {  	_ =	task.clear_ibuf [dreg:s22], $0x2FFFF;
	_ =	strace $0x9FFFFFFF  }
0xd0: {  	(tm) =	ssettm $0x7FFFFFFF  }
0xd1: {  	_ =	shalt  }
tec
execute0_lowered:
.L_overlay_start_1:
0x0: {  	(tag) =	ssettag $0x1  }
0x1: {  	s1 =	srdreg.scid  }
0x2: {  	s0 =	stileid.u32;
	s26 =	sand.u32 $0x1, s1  }
0x3: {  	s31 =	sshll.u32 s0, $0x4;
	s2 =	sshll.u32 s26, $0x3  }
0x4: {  	s8 =	sor.u32 s2, s31  }
0x5: {  	s3 =	smul.u32 $0x358, s8  }
0x6: {  	s10 =	rddreg [dreg:$0x0]  }
0x7: {  	s1 =	rddreg [dreg:$0x1];
	s2 =	simm.s32 $0x0;
	s3 =	sshrl.u32 s3, $0x3  }
0x8: {  	[smem:$0x7FF] =	sst s2;
	s3 =	sadd.s32 s10, s3  }
0x9: {  	_ =	strace $0x8000004D;
	s4 =	sadd.s32 $0x8700, s3;
	s3 =	simm.s32 $0x3  }
0xa: {  	[tilespmem:s2], [sflag:$0x3] =	stream.linear.gather [hbm4b:s4+s2], $0x1AC0, $0x38;
	[tilespmem:$0x1C6C0] =	vst v63  }
0xb: {  	_ =	swait.ge [sflag:s3], $0x1AC0  }
0xc: {  	s6 =	simm.s32 $0x358;
	[sflag:s3] =	ssyncset.done $0x0  }
0xd: {  	s7 =	simm.s32 $0x1AC0;
	s5 =	sadd.s32 $0x1A3200, s10;
	[sflag:s3] =	ssyncadd.s32 $0xFFFFE540  }
0xe: {  	[tilespmem:s7], [sflag:$0x1] =	stream.indirect.gather [hbm4b:s5+s6], $0x40, s2, s6, $0xb8;
	[tilespmem:$0x1C6C0] =	vst v63  }
0xf: {  	s9 =	simm.s32 $0x1;
	s11 =	smul.u32 $0x3580, s8;
	s8 =	simm.s32 $0xF0C0  }
0x10: {  	[tilespmem:s8], [sflag:$0x2] =	stream.indirect.gather [hbm4b:s5+s6], $0x40, s6, s6, $0xb8;
	[tilespmem:$0x1C6C0] =	vst v63  }
0x11: {  	_ =	swait.ge [sflag:s9], $0xD600  }
0x12: {  	s12 =	simm.s32 $0x80;
	s28 =	sadd.s32 s11, s10;
	[sflag:s9] =	ssyncset.done $0x0  }
0x13: {  	s11 =	simm.s32 $0x40;
	s10 =	sadd.s32 $0x916800, s28;
	[sflag:s9] =	ssyncadd.s32 $0xFFFF2A00  }
0x14: {  	[hbm4b:s10+s11] =	stream.strided.scatter [tilespmem:s7], [sflag:$0x3], $0xD600, s12, s11, $0x38;
	[tilespmem:$0x1C6C0] =	vst v63  }
0x15: {  	_ =	swait.ge [sflag:s3], $0xD600  }
0x16: {  	[sflag:s3] =	ssyncset.done $0x0  }
0x17: {  	s13 =	simm.s32 $0x6B0;
	s14 =	simm.s32 $0x2;
	[sflag:s3] =	ssyncadd.s32 $0xFFFF2A00  }
0x18: {  	[tilespmem:s7], [sflag:$0x1] =	stream.indirect.gather [hbm4b:s5+s6], $0x40, s13, s6, $0xb8;
	[tilespmem:$0x1C6C0] =	vst v63  }
0x19: {  	_ =	swait.ge [sflag:s14], $0xD600  }
0x1a: {  	[sflag:s14] =	ssyncset.done $0x0  }
0x1b: {  	s15 =	sadd.s32 $0x919D80, s28;
	[sflag:s14] =	ssyncadd.s32 $0xFFFF2A00  }
0x1c: {  	[hbm4b:s15+s11] =	stream.strided.scatter [tilespmem:s8], [sflag:$0x3], $0xD600, s12, s11, $0x38;
	[tilespmem:$0x1C6C0] =	vst v63  }
0x1d: {  	_ =	swait.ge [sflag:s3], $0xD600  }
0x1e: {  	[sflag:s3] =	ssyncset.done $0x0  }
0x1f: {  	s16 =	simm.s32 $0xA08;
	[sflag:s3] =	ssyncadd.s32 $0xFFFF2A00  }
0x20: {  	[tilespmem:s8], [sflag:$0x2] =	stream.indirect.gather [hbm4b:s5+s6], $0x40, s16, s6, $0xb8;
	[tilespmem:$0x1C6C0] =	vst v63  }
0x21: {  	_ =	swait.ge [sflag:s9], $0xD600  }
0x22: {  	[sflag:s9] =	ssyncset.done $0x0  }
0x23: {  	s17 =	sadd.s32 $0x91D300, s28;
	[sflag:s9] =	ssyncadd.s32 $0xFFFF2A00  }
0x24: {  	[hbm4b:s17+s11] =	stream.strided.scatter [tilespmem:s7], [sflag:$0x3], $0xD600, s12, s11, $0x38;
	[tilespmem:$0x1C6C0] =	vst v63  }
0x25: {  	_ =	swait.ge [sflag:s3], $0xD600  }
0x26: {  	[sflag:s3] =	ssyncset.done $0x0  }
0x27: {  	s18 =	simm.s32 $0xD60;
	[sflag:s3] =	ssyncadd.s32 $0xFFFF2A00  }
0x28: {  	[tilespmem:s7], [sflag:$0x1] =	stream.indirect.gather [hbm4b:s5+s6], $0x40, s18, s6, $0xb8;
	[tilespmem:$0x1C6C0] =	vst v63  }
0x29: {  	_ =	swait.ge [sflag:s14], $0xD600  }
0x2a: {  	[sflag:s14] =	ssyncset.done $0x0  }
0x2b: {  	s19 =	sadd.s32 $0x920880, s28;
	[sflag:s14] =	ssyncadd.s32 $0xFFFF2A00  }
0x2c: {  	[hbm4b:s19+s11] =	stream.strided.scatter [tilespmem:s8], [sflag:$0x3], $0xD600, s12, s11, $0x38;
	[tilespmem:$0x1C6C0] =	vst v63  }
0x2d: {  	_ =	swait.ge [sflag:s3], $0xD600  }
0x2e: {  	[sflag:s3] =	ssyncset.done $0x0  }
0x2f: {  	s20 =	simm.s32 $0x10B8;
	[sflag:s3] =	ssyncadd.s32 $0xFFFF2A00  }
0x30: {  	[tilespmem:s8], [sflag:$0x2] =	stream.indirect.gather [hbm4b:s5+s6], $0x40, s20, s6, $0xb8;
	[tilespmem:$0x1C6C0] =	vst v63  }
0x31: {  	_ =	swait.ge [sflag:s9], $0xD600  }
0x32: {  	[sflag:s9] =	ssyncset.done $0x0  }
0x33: {  	s21 =	sadd.s32 $0x923E00, s28;
	[sflag:s9] =	ssyncadd.s32 $0xFFFF2A00  }
0x34: {  	[hbm4b:s21+s11] =	stream.strided.scatter [tilespmem:s7], [sflag:$0x3], $0xD600, s12, s11, $0x38;
	[tilespmem:$0x1C6C0] =	vst v63  }
0x35: {  	_ =	swait.ge [sflag:s3], $0xD600  }
0x36: {  	[sflag:s3] =	ssyncset.done $0x0  }
0x37: {  	s22 =	simm.s32 $0x1410;
	[sflag:s3] =	ssyncadd.s32 $0xFFFF2A00  }
0x38: {  	[tilespmem:s7], [sflag:$0x1] =	stream.indirect.gather [hbm4b:s5+s6], $0x40, s22, s6, $0xb8;
	[tilespmem:$0x1C6C0] =	vst v63  }
0x39: {  	_ =	swait.ge [sflag:s14], $0xD600  }
0x3a: {  	[sflag:s14] =	ssyncset.done $0x0  }
0x3b: {  	s23 =	sadd.s32 $0x927380, s28;
	[sflag:s14] =	ssyncadd.s32 $0xFFFF2A00  }
0x3c: {  	[hbm4b:s23+s11] =	stream.strided.scatter [tilespmem:s8], [sflag:$0x3], $0xD600, s12, s11, $0x38;
	[tilespmem:$0x1C6C0] =	vst v63  }
0x3d: {  	_ =	swait.ge [sflag:s3], $0xD600  }
0x3e: {  	[sflag:s3] =	ssyncset.done $0x0  }
0x3f: {  	s24 =	simm.s32 $0x1768;
	[sflag:s3] =	ssyncadd.s32 $0xFFFF2A00  }
0x40: {  	[tilespmem:s8], [sflag:$0x2] =	stream.indirect.gather [hbm4b:s5+s6], $0x40, s24, s6, $0xb8;
	[tilespmem:$0x1C6C0] =	vst v63  }
0x41: {  	_ =	swait.ge [sflag:s9], $0xD600  }
0x42: {  	[sflag:s9] =	ssyncset.done $0x0  }
0x43: {  	s26 =	ssub.s32 $0x2, s26;
	s25 =	sadd.s32 $0x92A900, s28;
	[sflag:s9] =	ssyncadd.s32 $0xFFFF2A00  }
0x44: {  	[hbm4b:s25+s11] =	stream.strided.scatter [tilespmem:s7], [sflag:$0x3], $0xD600, s12, s11, $0x38;
	[tilespmem:$0x1C6C0] =	vst v63  }
0x45: {  	s29 =	sshrl.u32 s26, $0x1;
	_ =	swait.ge [sflag:s3], $0xD600  }
0x46: {  	s26 =	ssub.s32 s26, s29;
	[sflag:s3] =	ssyncset.done $0x0  }
0x47: {  	s29 =	smax.u32 s26, $0x1;
	[sflag:s3] =	ssyncadd.s32 $0xFFFF2A00  }
0x48: {  	p0 =	sne.s32 s29, $0x1;
	_ =	swait.ge [sflag:s14], $0xD600  }
.Ltmp0:
0x49: {  	[sflag:s14] =	ssyncset.done $0x0;
	(pc) =	sbr.rel @!p0 .LBB2_2-.Ltmp0, $4  }
0x4a: {  	s26 =	sadd.s32 $0x92DE80, s28;
	[sflag:s14] =	ssyncadd.s32 $0xFFFF2A00  }
0x4b: {  	[hbm4b:s26+s11] =	stream.strided.scatter [tilespmem:s8], [sflag:$0x3], $0xD600, s12, s11, $0x38;
	[tilespmem:$0x1C6C0] =	vst v63  }
0x4c: {  	_ =	swait.ge [sflag:s3], $0xD600  }
0x4d: {  	s28 =	sadd.s32 $0xFFFFFFFF, s29;
	[sflag:s3] =	ssyncset.done $0x0  }
.LBB2_1:
0x4e: {  	p0 =	sne.s32 s28, $0x1;
	s28 =	sadd.s32 $0xFFFFFFFF, s28;
	[sflag:s3] =	ssyncadd.s32 $0xFFFF2A00  }
0x4f: {  	[tilespmem:s2], [sflag:$0x3] =	stream.linear.gather [hbm4b:s4+s2], $0x1AC0, $0x38;
	[tilespmem:$0x1C6C0] =	vst v63  }
0x50: {  	_ =	swait.ge [sflag:s3], $0x1AC0  }
0x51: {  	[sflag:s3] =	ssyncset.done $0x0  }
0x52: {  	[sflag:s3] =	ssyncadd.s32 $0xFFFFE540  }
0x53: {  	[tilespmem:s7], [sflag:$0x1] =	stream.indirect.gather [hbm4b:s5+s6], $0x40, s2, s6, $0xb8;
	[tilespmem:$0x1C6C0] =	vst v63  }
0x54: {  	_ = 	snop  }
0x55: {  	[tilespmem:s8], [sflag:$0x2] =	stream.indirect.gather [hbm4b:s5+s6], $0x40, s6, s6, $0xb8;
	[tilespmem:$0x1C6C0] =	vst v63  }
0x56: {  	_ =	swait.ge [sflag:s9], $0xD600  }
0x57: {  	[sflag:s9] =	ssyncset.done $0x0  }
0x58: {  	[sflag:s9] =	ssyncadd.s32 $0xFFFF2A00  }
0x59: {  	[hbm4b:s10+s11] =	stream.strided.scatter [tilespmem:s7], [sflag:$0x3], $0xD600, s12, s11, $0x38;
	[tilespmem:$0x1C6C0] =	vst v63  }
0x5a: {  	_ =	swait.ge [sflag:s3], $0xD600  }
0x5b: {  	[sflag:s3] =	ssyncset.done $0x0  }
0x5c: {  	[sflag:s3] =	ssyncadd.s32 $0xFFFF2A00  }
0x5d: {  	[tilespmem:s7], [sflag:$0x1] =	stream.indirect.gather [hbm4b:s5+s6], $0x40, s13, s6, $0xb8;
	[tilespmem:$0x1C6C0] =	vst v63  }
0x5e: {  	_ =	swait.ge [sflag:s14], $0xD600  }
0x5f: {  	[sflag:s14] =	ssyncset.done $0x0  }
0x60: {  	[sflag:s14] =	ssyncadd.s32 $0xFFFF2A00  }
0x61: {  	[hbm4b:s15+s11] =	stream.strided.scatter [tilespmem:s8], [sflag:$0x3], $0xD600, s12, s11, $0x38;
	[tilespmem:$0x1C6C0] =	vst v63  }
0x62: {  	_ =	swait.ge [sflag:s3], $0xD600  }
0x63: {  	[sflag:s3] =	ssyncset.done $0x0  }
0x64: {  	[sflag:s3] =	ssyncadd.s32 $0xFFFF2A00  }
0x65: {  	[tilespmem:s8], [sflag:$0x2] =	stream.indirect.gather [hbm4b:s5+s6], $0x40, s16, s6, $0xb8;
	[tilespmem:$0x1C6C0] =	vst v63  }
0x66: {  	_ =	swait.ge [sflag:s9], $0xD600  }
0x67: {  	[sflag:s9] =	ssyncset.done $0x0  }
0x68: {  	[sflag:s9] =	ssyncadd.s32 $0xFFFF2A00  }
0x69: {  	[hbm4b:s17+s11] =	stream.strided.scatter [tilespmem:s7], [sflag:$0x3], $0xD600, s12, s11, $0x38;
	[tilespmem:$0x1C6C0] =	vst v63  }
0x6a: {  	_ =	swait.ge [sflag:s3], $0xD600  }
0x6b: {  	[sflag:s3] =	ssyncset.done $0x0  }
0x6c: {  	[sflag:s3] =	ssyncadd.s32 $0xFFFF2A00  }
0x6d: {  	[tilespmem:s7], [sflag:$0x1] =	stream.indirect.gather [hbm4b:s5+s6], $0x40, s18, s6, $0xb8;
	[tilespmem:$0x1C6C0] =	vst v63  }
0x6e: {  	_ =	swait.ge [sflag:s14], $0xD600  }
0x6f: {  	[sflag:s14] =	ssyncset.done $0x0  }
0x70: {  	[sflag:s14] =	ssyncadd.s32 $0xFFFF2A00  }
0x71: {  	[hbm4b:s19+s11] =	stream.strided.scatter [tilespmem:s8], [sflag:$0x3], $0xD600, s12, s11, $0x38;
	[tilespmem:$0x1C6C0] =	vst v63  }
0x72: {  	_ =	swait.ge [sflag:s3], $0xD600  }
0x73: {  	[sflag:s3] =	ssyncset.done $0x0  }
0x74: {  	[sflag:s3] =	ssyncadd.s32 $0xFFFF2A00  }
0x75: {  	[tilespmem:s8], [sflag:$0x2] =	stream.indirect.gather [hbm4b:s5+s6], $0x40, s20, s6, $0xb8;
	[tilespmem:$0x1C6C0] =	vst v63  }
0x76: {  	_ =	swait.ge [sflag:s9], $0xD600  }
0x77: {  	[sflag:s9] =	ssyncset.done $0x0  }
0x78: {  	[sflag:s9] =	ssyncadd.s32 $0xFFFF2A00  }
0x79: {  	[hbm4b:s21+s11] =	stream.strided.scatter [tilespmem:s7], [sflag:$0x3], $0xD600, s12, s11, $0x38;
	[tilespmem:$0x1C6C0] =	vst v63  }
0x7a: {  	_ =	swait.ge [sflag:s3], $0xD600  }
0x7b: {  	[sflag:s3] =	ssyncset.done $0x0  }
0x7c: {  	[sflag:s3] =	ssyncadd.s32 $0xFFFF2A00  }
0x7d: {  	[tilespmem:s7], [sflag:$0x1] =	stream.indirect.gather [hbm4b:s5+s6], $0x40, s22, s6, $0xb8;
	[tilespmem:$0x1C6C0] =	vst v63  }
0x7e: {  	_ =	swait.ge [sflag:s14], $0xD600  }
0x7f: {  	[sflag:s14] =	ssyncset.done $0x0  }
0x80: {  	[sflag:s14] =	ssyncadd.s32 $0xFFFF2A00  }
0x81: {  	[hbm4b:s23+s11] =	stream.strided.scatter [tilespmem:s8], [sflag:$0x3], $0xD600, s12, s11, $0x38;
	[tilespmem:$0x1C6C0] =	vst v63  }
0x82: {  	_ =	swait.ge [sflag:s3], $0xD600  }
0x83: {  	[sflag:s3] =	ssyncset.done $0x0  }
0x84: {  	[sflag:s3] =	ssyncadd.s32 $0xFFFF2A00  }
0x85: {  	[tilespmem:s8], [sflag:$0x2] =	stream.indirect.gather [hbm4b:s5+s6], $0x40, s24, s6, $0xb8;
	[tilespmem:$0x1C6C0] =	vst v63  }
0x86: {  	_ =	swait.ge [sflag:s9], $0xD600  }
0x87: {  	[sflag:s9] =	ssyncset.done $0x0  }
0x88: {  	[sflag:s9] =	ssyncadd.s32 $0xFFFF2A00  }
0x89: {  	[hbm4b:s25+s11] =	stream.strided.scatter [tilespmem:s7], [sflag:$0x3], $0xD600, s12, s11, $0x38;
	[tilespmem:$0x1C6C0] =	vst v63  }
0x8a: {  	_ =	swait.ge [sflag:s3], $0xD600  }
0x8b: {  	[sflag:s3] =	ssyncset.done $0x0  }
0x8c: {  	[sflag:s3] =	ssyncadd.s32 $0xFFFF2A00  }
0x8d: {  	_ =	swait.ge [sflag:s14], $0xD600  }
.Ltmp1:
0x8e: {  	[sflag:s14] =	ssyncset.done $0x0;
	(pc) =	sbr.rel @p0 .LBB2_1-.Ltmp1, $4  }
0x8f: {  	[sflag:s14] =	ssyncadd.s32 $0xFFFF2A00  }
0x90: {  	[hbm4b:s26+s11] =	stream.strided.scatter [tilespmem:s8], [sflag:$0x3], $0xD600, s12, s11, $0x38;
	[tilespmem:$0x1C6C0] =	vst v63  }
0x91: {  	_ =	swait.ge [sflag:s3], $0xD600  }
0x92: {  	[sflag:s3] =	ssyncset.done $0x0  }
.LBB2_2:
0x93: {  	[sflag:s3] =	ssyncadd.s32 $0xFFFF2A00  }
0x94: {  	_ =	sfence.sel $0x180000  }
0x95: {  	[bflag:$0x0] =	sbarrier.arrive $0xFFFF  }
0x96: {  	p0 =	sne.s32 s0, $0x0;
	_ =	strace $0x9000004D  }
0x97: {  	s0 =	sadd.s32 @!p0 $0x100000, s1;
	[bflag:$0x2] =	sbarrier.arrive $0xFFFF  }
0x98: {  	[sflag:s0] =	ssyncadd.tile.s32 @!p0 $0x1;
	_ =	shalt  }
.Lfunc_end2:
_tile_overlayer_lowered:
.L_overlay_start_2:
0x99: {  	(tag) =	ssettag $0x2  }
0x9a: {  	s0 =	rddreg [dreg:$0x0];
	s2 =	stileid.u32  }
0x9b: {  	s1 =	rddreg [dreg:$0x1];
	p0 =	sne.s32 s2, $0x0  }
0x9c: {  	s3 =	rddreg [dreg:$0x2];
	[bflag:$0x3] =	sbarrier.arrive $0xFFFF;
	s2 =	simm.s32 @!p0 $0x1C03  }
0x9d: {  	[timem:s3], [sflag:s2] =	dma.local @!p0 [hbm:s0], s1  }
0x9e: {  	s0 =	simm.s32 @!p0 $0x3  }
0x9f: {  	_ =	swait.ge @!p0 [sflag:s0], s1  }
0xa0: {  	s1 =	ssub.s32 @!p0 $0x0, s1;
	[sflag:s0] =	ssyncset.done @!p0 $0x0  }
0xa1: {  	[sflag:s0] =	ssyncadd.s32 @!p0 s1  }
0xa2: {  	[bflag:$0x3] =	sbarrier.arrive $0xFFFF  }
0xa3: {  	_ =	shalt  }

// kernel: kernel.16.cloned.1.call-start
scs
__scs_entry_jumppad:
0x0: {  	(pc) =	sbr.rel $0x88, $3  }
0x1: {  	(tag) =	ssettag $0x0;
	lr =	simm.s32 $0x1  }
0x2: {  	[smem:$0x3F9E] =	sst lr;
	_ =	strace $0xD0000000  }
0x3: {  	_ = 	snop  }
0x4: {  	_ = 	snop  }
0x5: {  	_ = 	snop  }
0x6: {  	_ = 	snop  }
0x7: {  	_ = 	snop  }
__scs_overlays_trampoline_lowered:
0x8: {  	[smem:$0x3FAD] =	sst s0  }
0x9: {  	[smem:$0x3FAE] =	sst s1  }
0xa: {  	[smem:$0x3FAF] =	sst s2  }
0xb: {  	[smem:$0x3FB0] =	sst s3  }
0xc: {  	[smem:$0x3FB1] =	sst s4  }
0xd: {  	[smem:$0x3FB2] =	sst s5  }
0xe: {  	[smem:$0x3FB3] =	sst s6  }
0xf: {  	[smem:$0x3FB4] =	sst s7  }
0x10: {  	[smem:$0x3FB5] =	sst s8  }
0x11: {  	[smem:$0x3FB6] =	sst s9;
	s0 =	simm.s32 @!p0 $0x0  }
0x12: {  	s1 =	sld [smem:$0x3F9C];
	s0 =	simm.s32 @p0 $0x1  }
0x13: {  	[smem:$0x3FB7] =	sst s0;
	s0 =	simm.s32 @!p1 $0x0  }
0x14: {  	s2 =	sld [smem:$0x3F9B];
	s0 =	simm.s32 @p1 $0x1  }
0x15: {  	[smem:$0x3FB8] =	sst s0;
	s0 =	simm.s32 @!p2 $0x0  }
0x16: {  	s3 =	sld [smem:$0x3FDB];
	s0 =	simm.s32 @p2 $0x1  }
0x17: {  	s4 =	simm.s32 $0x1BF5;
	[smem:$0x3FBA] =	sst s0  }
0x18: {  	s0 =	sld [smem:$0x3F9D];
	_ =	swait.ge [sflag:s4], $0x0  }
0x19: {  	s7 =	sld [smem:$0x3F9E]  }
0x1a: {  	s8 =	sadd.s32 $0xFFFFE003, lr  }
0x1b: {  	s9 =	sadd.s32 $0xFFFFFEF7, lr;
	s5 =	simm.s32 $0xFFFFFFFF;
	p2 =	slt.u32 s8, $0xFFFFF086  }
0x1c: {  	p1 =	slt.u32 s9, $0xF7A;
	s5 =	simm.s32 @!p2 $0x0  }
0x1d: {  	s5 =	simm.s32 @p1 $0x1;
	p0 =	seq.s32 s7, s2  }
0x1e: {  	s7 =	smul.u32 @!p0 $0xF7A, s2;
	p2 =	seq.s32 @!p0 s5, $0x0  }
0x1f: {  	s9 =	smul.u32 $0xF7A, s1;
	s8 =	simm.s32 @!p0 $0x1BF5;
	p2 =	por !p2, p0  }
0x20: {  	[sflag:s8] =	ssyncset.s32 @!p0 $0xFFFFF086;
	s6 =	sadd.s32 @!p0 s3, s7;
	s7 =	simm.s32 @!p0 $0x108  }
0x21: {  	s3 =	sadd.s32 s3, s9;
	s6 =	sadd.s32 @!p0 $0x88, s6;
	s7 =	simm.s32 @p2 $0x1082  }
0x22: {  	[simem:s7], [sflag:s8] =	dma.local @!p0 [hbm:s6], $0xF7A  }
0x23: {  	s9 =	sor.u32 $0xD0000000, s2;
	s6 =	simm.s32 $0x108;
	_ =	swait.ge @!p0 [sflag:s8], $0x0  }
0x24: {  	s3 =	sadd.s32 $0x88, s3;
	s6 =	simm.s32 @!p1 $0x1082;
	[sflag:s4] =	ssyncset.s32 $0xFFFFF086  }
0x25: {  	[simem:s6], [sflag:s4] =	dma.local [hbm:s3], $0xF7A  }
0x26: {  	[smem:$0x3F9E] =	sst s1;
	(tag) =	ssettag s2;
	_ =	strace s9  }
0x27: {  	s1 =	sld [smem:$0x3FAE]  }
0x28: {  	s2 =	sld [smem:$0x3FAF]  }
0x29: {  	s4 =	sld [smem:$0x3FB1]  }
0x2a: {  	p0 =	seq.s32 s5, $0x0;
	s5 =	sld [smem:$0x3FB2]  }
0x2b: {  	s6 =	sld [smem:$0x3FB3]  }
0x2c: {  	s7 =	sld [smem:$0x3FB4]  }
0x2d: {  	s3 =	simm.s32 $0x108;
	s8 =	sld [smem:$0x3FB5]  }
0x2e: {  	s3 =	simm.s32 @!p0 $0x1082;
	s9 =	sld [smem:$0x3FB6]  }
0x2f: {  	lr =	sadd.s32 s0, s3;
	s0 =	sld [smem:$0x3FAD]  }
0x30: {  	s3 =	sld [smem:$0x3FB0]  }
0x31: {  	[smem:$0x3FB9] =	sst s10  }
0x32: {  	s10 =	sld [smem:$0x3FB7];
	_ =	sdelay $0x3  }
0x33: {  	p0 =	seq.s32 s10, $0x1;
	s10 =	sld [smem:$0x3FB9];
	_ =	sdelay $0x3  }
0x34: {  	[smem:$0x3FB9] =	sst s10  }
0x35: {  	s10 =	sld [smem:$0x3FB8];
	_ =	sdelay $0x3  }
0x36: {  	p1 =	seq.s32 s10, $0x1;
	s10 =	sld [smem:$0x3FB9];
	_ =	sdelay $0x3  }
0x37: {  	[smem:$0x3FB9] =	sst s10  }
0x38: {  	s10 =	sld [smem:$0x3FBA]  }
0x39: {  	_ = 	snop;
	(pc) =	sbr.ind lr, $3  }
0x3a: {  	_ = 	snop  }
0x3b: {  	_ = 	snop  }
0x3c: {  	p2 =	seq.s32 s10, $0x1;
	s10 =	sld [smem:$0x3FB9]  }
0x3d: {  	_ =	shalt  }
0x3e: {  	_ =	shalt  }
0x3f: {  	_ =	shalt  }
0x40: {  	_ =	shalt  }
0x41: {  	_ =	shalt  }
0x42: {  	_ =	shalt  }
0x43: {  	_ =	shalt  }
0x44: {  	_ =	shalt  }
0x45: {  	_ =	shalt  }
0x46: {  	_ =	shalt  }
0x47: {  	_ =	shalt  }
0x48: {  	_ =	shalt  }
0x49: {  	_ =	shalt  }
0x4a: {  	_ =	shalt  }
0x4b: {  	_ =	shalt  }
0x4c: {  	_ =	shalt  }
0x4d: {  	_ =	shalt  }
0x4e: {  	_ =	shalt  }
0x4f: {  	_ =	shalt  }
0x50: {  	_ =	shalt  }
0x51: {  	_ =	shalt  }
0x52: {  	_ =	shalt  }
0x53: {  	_ =	shalt  }
0x54: {  	_ =	shalt  }
0x55: {  	_ =	shalt  }
0x56: {  	_ =	shalt  }
0x57: {  	_ =	shalt  }
0x58: {  	_ =	shalt  }
0x59: {  	_ =	shalt  }
0x5a: {  	_ =	shalt  }
0x5b: {  	_ =	shalt  }
0x5c: {  	_ =	shalt  }
0x5d: {  	_ =	shalt  }
0x5e: {  	_ =	shalt  }
0x5f: {  	_ =	shalt  }
0x60: {  	_ =	shalt  }
0x61: {  	_ =	shalt  }
0x62: {  	_ =	shalt  }
0x63: {  	_ =	shalt  }
0x64: {  	_ =	shalt  }
0x65: {  	_ =	shalt  }
0x66: {  	_ =	shalt  }
0x67: {  	_ =	shalt  }
0x68: {  	_ =	shalt  }
0x69: {  	_ =	shalt  }
0x6a: {  	_ =	shalt  }
0x6b: {  	_ =	shalt  }
0x6c: {  	_ =	shalt  }
0x6d: {  	_ =	shalt  }
0x6e: {  	_ =	shalt  }
0x6f: {  	_ =	shalt  }
0x70: {  	_ =	shalt  }
0x71: {  	_ =	shalt  }
0x72: {  	_ =	shalt  }
0x73: {  	_ =	shalt  }
0x74: {  	_ =	shalt  }
0x75: {  	_ =	shalt  }
0x76: {  	_ =	shalt  }
0x77: {  	_ =	shalt  }
0x78: {  	_ =	shalt  }
0x79: {  	_ =	shalt  }
0x7a: {  	_ =	shalt  }
0x7b: {  	_ =	shalt  }
0x7c: {  	_ =	shalt  }
0x7d: {  	_ =	shalt  }
0x7e: {  	_ =	shalt  }
0x7f: {  	_ =	shalt  }
0x80: {  	_ =	shalt  }
0x81: {  	_ =	shalt  }
0x82: {  	_ =	shalt  }
0x83: {  	_ =	shalt  }
0x84: {  	_ =	shalt  }
0x85: {  	_ =	shalt  }
0x86: {  	_ =	shalt  }
0x87: {  	_ =	shalt  }
.Lfunc_end0:
.L_simem_size_0:
called_computation.2_lowered:
.L_overlay_start_0:
0x88: {  	s2 =	sld [smem:$0x3FD9]  }
0x89: {  	s3 =	sld [smem:$0x3FFE];
	_ =	sdelay $0x1  }
0x8a: {  	s1 =	srdreg.scid  }
0x8b: {  	s0 =	sand.u32 $0x1, s1  }
0x8c: {  	s17 =	sshll.u32 s0, $0xA;
	s2 =	sadd.s32 s3, s2  }
0x8d: {  	s2 =	sadd.s32 s2, s17  }
0x8e: {  	[smem:$0x3FC5] =	sst s2  }
0x8f: {  	_ = 	snop  }
0x90: {  	(tm) =	ssettm $0x1  }
0x91: {  	s18 =	sld [smem:$0x3FFB];
	_ =	sdelay $0x3  }
0x92: {  	_ =	strace s18  }
0x93: {  	s2 =	sld [smem:$0x3FFC];
	_ =	sdelay $0x3  }
0x94: {  	_ =	strace s2  }
0x95: {  	s2 =	sld [smem:$0x3FFD];
	_ =	sdelay $0x3  }
0x96: {  	_ =	strace s2  }
0x97: {  	_ =	strace $0x8FFFFFFF  }
0x98: {  	s19 =	sld [smem:$0x3FDB];
	_ =	sdelay $0x1  }
0x99: {  	s20 =	simm.s32 $_scs_section_size  }
0x9a: {  	s4 =	simm.s32 $_size__tile_overlayer_lowered;
	s5 =	simm.s32 $_tile_overlayer_lowered  }
0x9b: {  	s6 =	simm.s32 $0x1BFF;
	s21 =	sshll.u32 s5, $0x1;
	s3 =	sadd.s32 s20, s19  }
0x9c: {  	s22 =	simm.s32 $0x0;
	s4 =	sshll.u32 s4, $0x1;
	s5 =	sadd.s32 s21, s3  }
0x9d: {  	[timem:s22], [sflag:s6] =	dma.local [hbm:s5], s4  }
0x9e: {  	_ =	swait.ge [sflag:s6], s4  }
0x9f: {  	s4 =	ssub.s32 $0x0, s4;
	[sflag:s6] =	ssyncset.done $0x0  }
0xa0: {  	[sflag:s6] =	ssyncadd.s32 s4;
	_ =	sdelay $0x1  }
0xa1: {  	s23 =	simm.s32 $0x1B8B  }
0xa2: {  	_ =	swait.ge [sflag:s23], $0x1  }
0xa3: {  	[sflag:s23] =	ssyncset.done $0x0  }
0xa4: {  	[sflag:s23] =	ssyncadd.s32 $0xFFFFFFFF  }
0xa5: {  	s4 =	sld [smem:$0x0]  }
0xa6: {  	s5 =	sand.u32 $0xFFFFFFFE, s1  }
0xa7: {  	p0 =	sne.s32 s1, s5  }
0xa8: {  	s5 =	sshll.u32 @p0 s5, $0xE  }
0xa9: {  	s5 =	sadd.s32 @p0 $0x11B8D, s5;
	s6 =	sshll.u32 @p0 s4, $0x11  }
0xaa: {  	s5 =	sor.u32 @p0 s6, s5  }
0xab: {  	[sflag:s5] =	ssyncadd.remote.s32 @p0 $0x1;
	_ =	sdelay $0x1  }
0xac: {  	s5 =	simm.s32 @p0 $0x1B8D  }
0xad: {  	_ =	swait.eq @p0 [sflag:s5], $0x1  }
0xae: {  	[sflag:s5] =	ssyncadd.s32 @p0 $0xFFFFFFFF  }
0xaf: {  	s6 =	sshll.u32 @!p0 s1, $0xE  }
0xb0: {  	s6 =	sor.u32 @!p0 $0x4000, s6;
	s5 =	simm.s32 @!p0 $0x1B8D  }
0xb1: {  	s4 =	sshll.u32 @!p0 s4, $0x11;
	s6 =	sadd.s32 @!p0 $0x11B8D, s6;
	_ =	swait.eq @!p0 [sflag:s5], $0x1  }
0xb2: {  	s4 =	sor.u32 @!p0 s4, s6;
	[sflag:s5] =	ssyncadd.s32 @!p0 $0xFFFFFFFF  }
0xb3: {  	s25 =	simm.s32 $0x1B8E;
	s24 =	sld [smem:$0x3FFE];
	[sflag:s4] =	ssyncadd.remote.s32 @!p0 $0x1  }
0xb4: {  	s26 =	simm.s32 $execute0_lowered;
	[smem:$0x3FD2] =	sst s25  }
0xb5: {  	s5 =	sshll.u32 s26, $0x1;
	_ =	strace $0x80000049;
	[dreg:$0x1] =	wrdreg $0xFFFFFFFF  }
0xb6: {  	s28 =	simm.s32 $_size_execute0_lowered;
	s3 =	sadd.s32 s3, s5;
	[dreg:$0x0] =	wrdreg $0x0  }
0xb7: {  	s5 =	sshll.u32 s28, $0x1;
	[dreg:$0x2] =	wrdreg s3  }
0xb8: {  	[dreg:$0x3] =	wrdreg s5  }
0xb9: {  	[dreg:$0x4] =	wrdreg $0xC0  }
0xba: {  	_ =	task [dreg:s22], $0x5FFFF  }
0xbb: {  	[dreg:$0x1] =	wrdreg $0xFFFFFFFF  }
0xbc: {  	[dreg:$0x0] =	wrdreg $0x60  }
0xbd: {  	[dreg:$0x2] =	wrdreg s24  }
0xbe: {  	[dreg:$0x3] =	wrdreg $0xB  }
0xbf: {  	_ =	task.clear_ibuf [dreg:s22], $0x4FFFF;
	_ =	strace $0x90000049  }
0xc0: {  	s29 =	simm.s32 $0xB;
	_ =	strace $0x8000004B  }
0xc1: {  	_ =	swait.ge [sflag:s29], $0x1  }
0xc2: {  	[sflag:s29] =	ssyncadd.s32 $0xFFFFFFFF  }
0xc3: {  	_ =	strace $0x9000004B  }
0xc4: {  	_ =	sfence  }
0xc5: {  	s30 =	sld [smem:$0x0];
	_ =	sdelay $0x2  }
0xc6: {  	s31 =	sshll.u32 s1, $0xD;
	s1 =	sshrl.u32 s1, $0x2  }
0xc7: {  	s4 =	sand.u32 $0x4000, s31;
	s1 =	sadd.s32 s1, s30  }
0xc8: {  	s0 =	sor.u32 s4, s0;
	s1 =	sshll.u32 s1, $0x11  }
0xc9: {  	s0 =	sor.u32 s1, s0  }
0xca: {  	s0 =	sadd.s32 $0x8F2B, s0  }
0xcb: {  	[sflag:s0] =	ssyncadd.remote.s32 $0x1  }
0xcc: {  	_ =	sfence.sel $0xFFFF  }
0xcd: {  	[dreg:$0x0] =	wrdreg $0xFFFFFFFF;
	(pc) =	sbr.abs _section_cstart, $3  }
0xce: {  	[dreg:$0x1] =	wrdreg $0xFFFFFFFF  }
0xcf: {  	_ =	task.clear_ibuf [dreg:s22], $0x2FFFF;
	_ =	strace $0x9FFFFFFF  }
0xd0: {  	(tm) =	ssettm $0x7FFFFFFF  }
0xd1: {  	_ =	shalt  }
tec
execute0_lowered:
.L_overlay_start_1:
0x0: {  	(tag) =	ssettag $0x1  }
0x1: {  	s1 =	srdreg.scid  }
0x2: {  	s0 =	stileid.u32;
	s26 =	sand.u32 $0x1, s1  }
0x3: {  	s31 =	sshll.u32 s0, $0x4;
	s2 =	sshll.u32 s26, $0x3  }
0x4: {  	s8 =	sor.u32 s2, s31  }
0x5: {  	s3 =	smul.u32 $0x358, s8  }
0x6: {  	s10 =	rddreg [dreg:$0x0]  }
0x7: {  	s1 =	rddreg [dreg:$0x1];
	s2 =	simm.s32 $0x0;
	s3 =	sshrl.u32 s3, $0x3  }
0x8: {  	[smem:$0x7FF] =	sst s2;
	s3 =	sadd.s32 s10, s3  }
0x9: {  	_ =	strace $0x8000004A;
	s4 =	sadd.s32 $0xF200, s3;
	s3 =	simm.s32 $0x3  }
0xa: {  	[tilespmem:s2], [sflag:$0x3] =	stream.linear.gather [hbm4b:s4+s2], $0x1AC0, $0x38;
	[tilespmem:$0x1C6C0] =	vst v63  }
0xb: {  	_ =	swait.ge [sflag:s3], $0x1AC0  }
0xc: {  	s6 =	simm.s32 $0x358;
	[sflag:s3] =	ssyncset.done $0x0  }
0xd: {  	s7 =	simm.s32 $0x1AC0;
	s5 =	sadd.s32 $0x1A3200, s10;
	[sflag:s3] =	ssyncadd.s32 $0xFFFFE540  }
0xe: {  	[tilespmem:s7], [sflag:$0x1] =	stream.indirect.gather [hbm4b:s5+s6], $0x40, s2, s6, $0xb8;
	[tilespmem:$0x1C6C0] =	vst v63  }
0xf: {  	s9 =	simm.s32 $0x1;
	s11 =	smul.u32 $0x3580, s8;
	s8 =	simm.s32 $0xF0C0  }
0x10: {  	[tilespmem:s8], [sflag:$0x2] =	stream.indirect.gather [hbm4b:s5+s6], $0x40, s6, s6, $0xb8;
	[tilespmem:$0x1C6C0] =	vst v63  }
0x11: {  	_ =	swait.ge [sflag:s9], $0xD600  }
0x12: {  	s12 =	simm.s32 $0x80;
	s28 =	sadd.s32 s11, s10;
	[sflag:s9] =	ssyncset.done $0x0  }
0x13: {  	s11 =	simm.s32 $0x40;
	s10 =	sadd.s32 $0x5BE800, s28;
	[sflag:s9] =	ssyncadd.s32 $0xFFFF2A00  }
0x14: {  	[hbm4b:s10+s11] =	stream.strided.scatter [tilespmem:s7], [sflag:$0x3], $0xD600, s12, s11, $0x38;
	[tilespmem:$0x1C6C0] =	vst v63  }
0x15: {  	_ =	swait.ge [sflag:s3], $0xD600  }
0x16: {  	[sflag:s3] =	ssyncset.done $0x0  }
0x17: {  	s13 =	simm.s32 $0x6B0;
	s14 =	simm.s32 $0x2;
	[sflag:s3] =	ssyncadd.s32 $0xFFFF2A00  }
0x18: {  	[tilespmem:s7], [sflag:$0x1] =	stream.indirect.gather [hbm4b:s5+s6], $0x40, s13, s6, $0xb8;
	[tilespmem:$0x1C6C0] =	vst v63  }
0x19: {  	_ =	swait.ge [sflag:s14], $0xD600  }
0x1a: {  	[sflag:s14] =	ssyncset.done $0x0  }
0x1b: {  	s15 =	sadd.s32 $0x5C1D80, s28;
	[sflag:s14] =	ssyncadd.s32 $0xFFFF2A00  }
0x1c: {  	[hbm4b:s15+s11] =	stream.strided.scatter [tilespmem:s8], [sflag:$0x3], $0xD600, s12, s11, $0x38;
	[tilespmem:$0x1C6C0] =	vst v63  }
0x1d: {  	_ =	swait.ge [sflag:s3], $0xD600  }
0x1e: {  	[sflag:s3] =	ssyncset.done $0x0  }
0x1f: {  	s16 =	simm.s32 $0xA08;
	[sflag:s3] =	ssyncadd.s32 $0xFFFF2A00  }
0x20: {  	[tilespmem:s8], [sflag:$0x2] =	stream.indirect.gather [hbm4b:s5+s6], $0x40, s16, s6, $0xb8;
	[tilespmem:$0x1C6C0] =	vst v63  }
0x21: {  	_ =	swait.ge [sflag:s9], $0xD600  }
0x22: {  	[sflag:s9] =	ssyncset.done $0x0  }
0x23: {  	s17 =	sadd.s32 $0x5C5300, s28;
	[sflag:s9] =	ssyncadd.s32 $0xFFFF2A00  }
0x24: {  	[hbm4b:s17+s11] =	stream.strided.scatter [tilespmem:s7], [sflag:$0x3], $0xD600, s12, s11, $0x38;
	[tilespmem:$0x1C6C0] =	vst v63  }
0x25: {  	_ =	swait.ge [sflag:s3], $0xD600  }
0x26: {  	[sflag:s3] =	ssyncset.done $0x0  }
0x27: {  	s18 =	simm.s32 $0xD60;
	[sflag:s3] =	ssyncadd.s32 $0xFFFF2A00  }
0x28: {  	[tilespmem:s7], [sflag:$0x1] =	stream.indirect.gather [hbm4b:s5+s6], $0x40, s18, s6, $0xb8;
	[tilespmem:$0x1C6C0] =	vst v63  }
0x29: {  	_ =	swait.ge [sflag:s14], $0xD600  }
0x2a: {  	[sflag:s14] =	ssyncset.done $0x0  }
0x2b: {  	s19 =	sadd.s32 $0x5C8880, s28;
	[sflag:s14] =	ssyncadd.s32 $0xFFFF2A00  }
0x2c: {  	[hbm4b:s19+s11] =	stream.strided.scatter [tilespmem:s8], [sflag:$0x3], $0xD600, s12, s11, $0x38;
	[tilespmem:$0x1C6C0] =	vst v63  }
0x2d: {  	_ =	swait.ge [sflag:s3], $0xD600  }
0x2e: {  	[sflag:s3] =	ssyncset.done $0x0  }
0x2f: {  	s20 =	simm.s32 $0x10B8;
	[sflag:s3] =	ssyncadd.s32 $0xFFFF2A00  }
0x30: {  	[tilespmem:s8], [sflag:$0x2] =	stream.indirect.gather [hbm4b:s5+s6], $0x40, s20, s6, $0xb8;
	[tilespmem:$0x1C6C0] =	vst v63  }
0x31: {  	_ =	swait.ge [sflag:s9], $0xD600  }
0x32: {  	[sflag:s9] =	ssyncset.done $0x0  }
0x33: {  	s21 =	sadd.s32 $0x5CBE00, s28;
	[sflag:s9] =	ssyncadd.s32 $0xFFFF2A00  }
0x34: {  	[hbm4b:s21+s11] =	stream.strided.scatter [tilespmem:s7], [sflag:$0x3], $0xD600, s12, s11, $0x38;
	[tilespmem:$0x1C6C0] =	vst v63  }
0x35: {  	_ =	swait.ge [sflag:s3], $0xD600  }
0x36: {  	[sflag:s3] =	ssyncset.done $0x0  }
0x37: {  	s22 =	simm.s32 $0x1410;
	[sflag:s3] =	ssyncadd.s32 $0xFFFF2A00  }
0x38: {  	[tilespmem:s7], [sflag:$0x1] =	stream.indirect.gather [hbm4b:s5+s6], $0x40, s22, s6, $0xb8;
	[tilespmem:$0x1C6C0] =	vst v63  }
0x39: {  	_ =	swait.ge [sflag:s14], $0xD600  }
0x3a: {  	[sflag:s14] =	ssyncset.done $0x0  }
0x3b: {  	s23 =	sadd.s32 $0x5CF380, s28;
	[sflag:s14] =	ssyncadd.s32 $0xFFFF2A00  }
0x3c: {  	[hbm4b:s23+s11] =	stream.strided.scatter [tilespmem:s8], [sflag:$0x3], $0xD600, s12, s11, $0x38;
	[tilespmem:$0x1C6C0] =	vst v63  }
0x3d: {  	_ =	swait.ge [sflag:s3], $0xD600  }
0x3e: {  	[sflag:s3] =	ssyncset.done $0x0  }
0x3f: {  	s24 =	simm.s32 $0x1768;
	[sflag:s3] =	ssyncadd.s32 $0xFFFF2A00  }
0x40: {  	[tilespmem:s8], [sflag:$0x2] =	stream.indirect.gather [hbm4b:s5+s6], $0x40, s24, s6, $0xb8;
	[tilespmem:$0x1C6C0] =	vst v63  }
0x41: {  	_ =	swait.ge [sflag:s9], $0xD600  }
0x42: {  	[sflag:s9] =	ssyncset.done $0x0  }
0x43: {  	s26 =	ssub.s32 $0x2, s26;
	s25 =	sadd.s32 $0x5D2900, s28;
	[sflag:s9] =	ssyncadd.s32 $0xFFFF2A00  }
0x44: {  	[hbm4b:s25+s11] =	stream.strided.scatter [tilespmem:s7], [sflag:$0x3], $0xD600, s12, s11, $0x38;
	[tilespmem:$0x1C6C0] =	vst v63  }
0x45: {  	s29 =	sshrl.u32 s26, $0x1;
	_ =	swait.ge [sflag:s3], $0xD600  }
0x46: {  	s26 =	ssub.s32 s26, s29;
	[sflag:s3] =	ssyncset.done $0x0  }
0x47: {  	s29 =	smax.u32 s26, $0x1;
	[sflag:s3] =	ssyncadd.s32 $0xFFFF2A00  }
0x48: {  	p0 =	sne.s32 s29, $0x1;
	_ =	swait.ge [sflag:s14], $0xD600  }
.Ltmp0:
0x49: {  	[sflag:s14] =	ssyncset.done $0x0;
	(pc) =	sbr.rel @!p0 .LBB2_2-.Ltmp0, $4  }
0x4a: {  	s26 =	sadd.s32 $0x5D5E80, s28;
	[sflag:s14] =	ssyncadd.s32 $0xFFFF2A00  }
0x4b: {  	[hbm4b:s26+s11] =	stream.strided.scatter [tilespmem:s8], [sflag:$0x3], $0xD600, s12, s11, $0x38;
	[tilespmem:$0x1C6C0] =	vst v63  }
0x4c: {  	_ =	swait.ge [sflag:s3], $0xD600  }
0x4d: {  	s28 =	sadd.s32 $0xFFFFFFFF, s29;
	[sflag:s3] =	ssyncset.done $0x0  }
.LBB2_1:
0x4e: {  	p0 =	sne.s32 s28, $0x1;
	s28 =	sadd.s32 $0xFFFFFFFF, s28;
	[sflag:s3] =	ssyncadd.s32 $0xFFFF2A00  }
0x4f: {  	[tilespmem:s2], [sflag:$0x3] =	stream.linear.gather [hbm4b:s4+s2], $0x1AC0, $0x38;
	[tilespmem:$0x1C6C0] =	vst v63  }
0x50: {  	_ =	swait.ge [sflag:s3], $0x1AC0  }
0x51: {  	[sflag:s3] =	ssyncset.done $0x0  }
0x52: {  	[sflag:s3] =	ssyncadd.s32 $0xFFFFE540  }
0x53: {  	[tilespmem:s7], [sflag:$0x1] =	stream.indirect.gather [hbm4b:s5+s6], $0x40, s2, s6, $0xb8;
	[tilespmem:$0x1C6C0] =	vst v63  }
0x54: {  	_ = 	snop  }
0x55: {  	[tilespmem:s8], [sflag:$0x2] =	stream.indirect.gather [hbm4b:s5+s6], $0x40, s6, s6, $0xb8;
	[tilespmem:$0x1C6C0] =	vst v63  }
0x56: {  	_ =	swait.ge [sflag:s9], $0xD600  }
0x57: {  	[sflag:s9] =	ssyncset.done $0x0  }
0x58: {  	[sflag:s9] =	ssyncadd.s32 $0xFFFF2A00  }
0x59: {  	[hbm4b:s10+s11] =	stream.strided.scatter [tilespmem:s7], [sflag:$0x3], $0xD600, s12, s11, $0x38;
	[tilespmem:$0x1C6C0] =	vst v63  }
0x5a: {  	_ =	swait.ge [sflag:s3], $0xD600  }
0x5b: {  	[sflag:s3] =	ssyncset.done $0x0  }
0x5c: {  	[sflag:s3] =	ssyncadd.s32 $0xFFFF2A00  }
0x5d: {  	[tilespmem:s7], [sflag:$0x1] =	stream.indirect.gather [hbm4b:s5+s6], $0x40, s13, s6, $0xb8;
	[tilespmem:$0x1C6C0] =	vst v63  }
0x5e: {  	_ =	swait.ge [sflag:s14], $0xD600  }
0x5f: {  	[sflag:s14] =	ssyncset.done $0x0  }
0x60: {  	[sflag:s14] =	ssyncadd.s32 $0xFFFF2A00  }
0x61: {  	[hbm4b:s15+s11] =	stream.strided.scatter [tilespmem:s8], [sflag:$0x3], $0xD600, s12, s11, $0x38;
	[tilespmem:$0x1C6C0] =	vst v63  }
0x62: {  	_ =	swait.ge [sflag:s3], $0xD600  }
0x63: {  	[sflag:s3] =	ssyncset.done $0x0  }
0x64: {  	[sflag:s3] =	ssyncadd.s32 $0xFFFF2A00  }
0x65: {  	[tilespmem:s8], [sflag:$0x2] =	stream.indirect.gather [hbm4b:s5+s6], $0x40, s16, s6, $0xb8;
	[tilespmem:$0x1C6C0] =	vst v63  }
0x66: {  	_ =	swait.ge [sflag:s9], $0xD600  }
0x67: {  	[sflag:s9] =	ssyncset.done $0x0  }
0x68: {  	[sflag:s9] =	ssyncadd.s32 $0xFFFF2A00  }
0x69: {  	[hbm4b:s17+s11] =	stream.strided.scatter [tilespmem:s7], [sflag:$0x3], $0xD600, s12, s11, $0x38;
	[tilespmem:$0x1C6C0] =	vst v63  }
0x6a: {  	_ =	swait.ge [sflag:s3], $0xD600  }
0x6b: {  	[sflag:s3] =	ssyncset.done $0x0  }
0x6c: {  	[sflag:s3] =	ssyncadd.s32 $0xFFFF2A00  }
0x6d: {  	[tilespmem:s7], [sflag:$0x1] =	stream.indirect.gather [hbm4b:s5+s6], $0x40, s18, s6, $0xb8;
	[tilespmem:$0x1C6C0] =	vst v63  }
0x6e: {  	_ =	swait.ge [sflag:s14], $0xD600  }
0x6f: {  	[sflag:s14] =	ssyncset.done $0x0  }
0x70: {  	[sflag:s14] =	ssyncadd.s32 $0xFFFF2A00  }
0x71: {  	[hbm4b:s19+s11] =	stream.strided.scatter [tilespmem:s8], [sflag:$0x3], $0xD600, s12, s11, $0x38;
	[tilespmem:$0x1C6C0] =	vst v63  }
0x72: {  	_ =	swait.ge [sflag:s3], $0xD600  }
0x73: {  	[sflag:s3] =	ssyncset.done $0x0  }
0x74: {  	[sflag:s3] =	ssyncadd.s32 $0xFFFF2A00  }
0x75: {  	[tilespmem:s8], [sflag:$0x2] =	stream.indirect.gather [hbm4b:s5+s6], $0x40, s20, s6, $0xb8;
	[tilespmem:$0x1C6C0] =	vst v63  }
0x76: {  	_ =	swait.ge [sflag:s9], $0xD600  }
0x77: {  	[sflag:s9] =	ssyncset.done $0x0  }
0x78: {  	[sflag:s9] =	ssyncadd.s32 $0xFFFF2A00  }
0x79: {  	[hbm4b:s21+s11] =	stream.strided.scatter [tilespmem:s7], [sflag:$0x3], $0xD600, s12, s11, $0x38;
	[tilespmem:$0x1C6C0] =	vst v63  }
0x7a: {  	_ =	swait.ge [sflag:s3], $0xD600  }
0x7b: {  	[sflag:s3] =	ssyncset.done $0x0  }
0x7c: {  	[sflag:s3] =	ssyncadd.s32 $0xFFFF2A00  }
0x7d: {  	[tilespmem:s7], [sflag:$0x1] =	stream.indirect.gather [hbm4b:s5+s6], $0x40, s22, s6, $0xb8;
	[tilespmem:$0x1C6C0] =	vst v63  }
0x7e: {  	_ =	swait.ge [sflag:s14], $0xD600  }
0x7f: {  	[sflag:s14] =	ssyncset.done $0x0  }
0x80: {  	[sflag:s14] =	ssyncadd.s32 $0xFFFF2A00  }
0x81: {  	[hbm4b:s23+s11] =	stream.strided.scatter [tilespmem:s8], [sflag:$0x3], $0xD600, s12, s11, $0x38;
	[tilespmem:$0x1C6C0] =	vst v63  }
0x82: {  	_ =	swait.ge [sflag:s3], $0xD600  }
0x83: {  	[sflag:s3] =	ssyncset.done $0x0  }
0x84: {  	[sflag:s3] =	ssyncadd.s32 $0xFFFF2A00  }
0x85: {  	[tilespmem:s8], [sflag:$0x2] =	stream.indirect.gather [hbm4b:s5+s6], $0x40, s24, s6, $0xb8;
	[tilespmem:$0x1C6C0] =	vst v63  }
0x86: {  	_ =	swait.ge [sflag:s9], $0xD600  }
0x87: {  	[sflag:s9] =	ssyncset.done $0x0  }
0x88: {  	[sflag:s9] =	ssyncadd.s32 $0xFFFF2A00  }
0x89: {  	[hbm4b:s25+s11] =	stream.strided.scatter [tilespmem:s7], [sflag:$0x3], $0xD600, s12, s11, $0x38;
	[tilespmem:$0x1C6C0] =	vst v63  }
0x8a: {  	_ =	swait.ge [sflag:s3], $0xD600  }
0x8b: {  	[sflag:s3] =	ssyncset.done $0x0  }
0x8c: {  	[sflag:s3] =	ssyncadd.s32 $0xFFFF2A00  }
0x8d: {  	_ =	swait.ge [sflag:s14], $0xD600  }
.Ltmp1:
0x8e: {  	[sflag:s14] =	ssyncset.done $0x0;
	(pc) =	sbr.rel @p0 .LBB2_1-.Ltmp1, $4  }
0x8f: {  	[sflag:s14] =	ssyncadd.s32 $0xFFFF2A00  }
0x90: {  	[hbm4b:s26+s11] =	stream.strided.scatter [tilespmem:s8], [sflag:$0x3], $0xD600, s12, s11, $0x38;
	[tilespmem:$0x1C6C0] =	vst v63  }
0x91: {  	_ =	swait.ge [sflag:s3], $0xD600  }
0x92: {  	[sflag:s3] =	ssyncset.done $0x0  }
.LBB2_2:
0x93: {  	[sflag:s3] =	ssyncadd.s32 $0xFFFF2A00  }
0x94: {  	_ =	sfence.sel $0x180000  }
0x95: {  	[bflag:$0x0] =	sbarrier.arrive $0xFFFF  }
0x96: {  	p0 =	sne.s32 s0, $0x0;
	_ =	strace $0x9000004A  }
0x97: {  	s0 =	sadd.s32 @!p0 $0x100000, s1;
	[bflag:$0x2] =	sbarrier.arrive $0xFFFF  }
0x98: {  	[sflag:s0] =	ssyncadd.tile.s32 @!p0 $0x1;
	_ =	shalt  }
.Lfunc_end2:
_tile_overlayer_lowered:
.L_overlay_start_2:
0x99: {  	(tag) =	ssettag $0x2  }
0x9a: {  	s0 =	rddreg [dreg:$0x0];
	s2 =	stileid.u32  }
0x9b: {  	s1 =	rddreg [dreg:$0x1];
	p0 =	sne.s32 s2, $0x0  }
0x9c: {  	s3 =	rddreg [dreg:$0x2];
	[bflag:$0x3] =	sbarrier.arrive $0xFFFF;
	s2 =	simm.s32 @!p0 $0x1C03  }
0x9d: {  	[timem:s3], [sflag:s2] =	dma.local @!p0 [hbm:s0], s1  }
0x9e: {  	s0 =	simm.s32 @!p0 $0x3  }
0x9f: {  	_ =	swait.ge @!p0 [sflag:s0], s1  }
0xa0: {  	s1 =	ssub.s32 @!p0 $0x0, s1;
	[sflag:s0] =	ssyncset.done @!p0 $0x0  }
0xa1: {  	[sflag:s0] =	ssyncadd.s32 @!p0 s1  }
0xa2: {  	[bflag:$0x3] =	sbarrier.arrive $0xFFFF  }
0xa3: {  	_ =	shalt  }

// kernel: kernel.19.cloned.1.call-start
scs
__scs_entry_jumppad:
0x0: {  	(pc) =	sbr.rel $0x88, $3  }
0x1: {  	(tag) =	ssettag $0x0;
	lr =	simm.s32 $0x1  }
0x2: {  	[smem:$0x3F9E] =	sst lr;
	_ =	strace $0xD0000000  }
0x3: {  	_ = 	snop  }
0x4: {  	_ = 	snop  }
0x5: {  	_ = 	snop  }
0x6: {  	_ = 	snop  }
0x7: {  	_ = 	snop  }
__scs_overlays_trampoline_lowered:
0x8: {  	[smem:$0x3FAD] =	sst s0  }
0x9: {  	[smem:$0x3FAE] =	sst s1  }
0xa: {  	[smem:$0x3FAF] =	sst s2  }
0xb: {  	[smem:$0x3FB0] =	sst s3  }
0xc: {  	[smem:$0x3FB1] =	sst s4  }
0xd: {  	[smem:$0x3FB2] =	sst s5  }
0xe: {  	[smem:$0x3FB3] =	sst s6  }
0xf: {  	[smem:$0x3FB4] =	sst s7  }
0x10: {  	[smem:$0x3FB5] =	sst s8  }
0x11: {  	[smem:$0x3FB6] =	sst s9;
	s0 =	simm.s32 @!p0 $0x0  }
0x12: {  	s1 =	sld [smem:$0x3F9C];
	s0 =	simm.s32 @p0 $0x1  }
0x13: {  	[smem:$0x3FB7] =	sst s0;
	s0 =	simm.s32 @!p1 $0x0  }
0x14: {  	s2 =	sld [smem:$0x3F9B];
	s0 =	simm.s32 @p1 $0x1  }
0x15: {  	[smem:$0x3FB8] =	sst s0;
	s0 =	simm.s32 @!p2 $0x0  }
0x16: {  	s3 =	sld [smem:$0x3FDB];
	s0 =	simm.s32 @p2 $0x1  }
0x17: {  	s4 =	simm.s32 $0x1BF5;
	[smem:$0x3FBA] =	sst s0  }
0x18: {  	s0 =	sld [smem:$0x3F9D];
	_ =	swait.ge [sflag:s4], $0x0  }
0x19: {  	s7 =	sld [smem:$0x3F9E]  }
0x1a: {  	s8 =	sadd.s32 $0xFFFFE003, lr  }
0x1b: {  	s9 =	sadd.s32 $0xFFFFFEF7, lr;
	s5 =	simm.s32 $0xFFFFFFFF;
	p2 =	slt.u32 s8, $0xFFFFF086  }
0x1c: {  	p1 =	slt.u32 s9, $0xF7A;
	s5 =	simm.s32 @!p2 $0x0  }
0x1d: {  	s5 =	simm.s32 @p1 $0x1;
	p0 =	seq.s32 s7, s2  }
0x1e: {  	s7 =	smul.u32 @!p0 $0xF7A, s2;
	p2 =	seq.s32 @!p0 s5, $0x0  }
0x1f: {  	s9 =	smul.u32 $0xF7A, s1;
	s8 =	simm.s32 @!p0 $0x1BF5;
	p2 =	por !p2, p0  }
0x20: {  	[sflag:s8] =	ssyncset.s32 @!p0 $0xFFFFF086;
	s6 =	sadd.s32 @!p0 s3, s7;
	s7 =	simm.s32 @!p0 $0x108  }
0x21: {  	s3 =	sadd.s32 s3, s9;
	s6 =	sadd.s32 @!p0 $0x88, s6;
	s7 =	simm.s32 @p2 $0x1082  }
0x22: {  	[simem:s7], [sflag:s8] =	dma.local @!p0 [hbm:s6], $0xF7A  }
0x23: {  	s9 =	sor.u32 $0xD0000000, s2;
	s6 =	simm.s32 $0x108;
	_ =	swait.ge @!p0 [sflag:s8], $0x0  }
0x24: {  	s3 =	sadd.s32 $0x88, s3;
	s6 =	simm.s32 @!p1 $0x1082;
	[sflag:s4] =	ssyncset.s32 $0xFFFFF086  }
0x25: {  	[simem:s6], [sflag:s4] =	dma.local [hbm:s3], $0xF7A  }
0x26: {  	[smem:$0x3F9E] =	sst s1;
	(tag) =	ssettag s2;
	_ =	strace s9  }
0x27: {  	s1 =	sld [smem:$0x3FAE]  }
0x28: {  	s2 =	sld [smem:$0x3FAF]  }
0x29: {  	s4 =	sld [smem:$0x3FB1]  }
0x2a: {  	p0 =	seq.s32 s5, $0x0;
	s5 =	sld [smem:$0x3FB2]  }
0x2b: {  	s6 =	sld [smem:$0x3FB3]  }
0x2c: {  	s7 =	sld [smem:$0x3FB4]  }
0x2d: {  	s3 =	simm.s32 $0x108;
	s8 =	sld [smem:$0x3FB5]  }
0x2e: {  	s3 =	simm.s32 @!p0 $0x1082;
	s9 =	sld [smem:$0x3FB6]  }
0x2f: {  	lr =	sadd.s32 s0, s3;
	s0 =	sld [smem:$0x3FAD]  }
0x30: {  	s3 =	sld [smem:$0x3FB0]  }
0x31: {  	[smem:$0x3FB9] =	sst s10  }
0x32: {  	s10 =	sld [smem:$0x3FB7];
	_ =	sdelay $0x3  }
0x33: {  	p0 =	seq.s32 s10, $0x1;
	s10 =	sld [smem:$0x3FB9];
	_ =	sdelay $0x3  }
0x34: {  	[smem:$0x3FB9] =	sst s10  }
0x35: {  	s10 =	sld [smem:$0x3FB8];
	_ =	sdelay $0x3  }
0x36: {  	p1 =	seq.s32 s10, $0x1;
	s10 =	sld [smem:$0x3FB9];
	_ =	sdelay $0x3  }
0x37: {  	[smem:$0x3FB9] =	sst s10  }
0x38: {  	s10 =	sld [smem:$0x3FBA]  }
0x39: {  	_ = 	snop;
	(pc) =	sbr.ind lr, $3  }
0x3a: {  	_ = 	snop  }
0x3b: {  	_ = 	snop  }
0x3c: {  	p2 =	seq.s32 s10, $0x1;
	s10 =	sld [smem:$0x3FB9]  }
0x3d: {  	_ =	shalt  }
0x3e: {  	_ =	shalt  }
0x3f: {  	_ =	shalt  }
0x40: {  	_ =	shalt  }
0x41: {  	_ =	shalt  }
0x42: {  	_ =	shalt  }
0x43: {  	_ =	shalt  }
0x44: {  	_ =	shalt  }
0x45: {  	_ =	shalt  }
0x46: {  	_ =	shalt  }
0x47: {  	_ =	shalt  }
0x48: {  	_ =	shalt  }
0x49: {  	_ =	shalt  }
0x4a: {  	_ =	shalt  }
0x4b: {  	_ =	shalt  }
0x4c: {  	_ =	shalt  }
0x4d: {  	_ =	shalt  }
0x4e: {  	_ =	shalt  }
0x4f: {  	_ =	shalt  }
0x50: {  	_ =	shalt  }
0x51: {  	_ =	shalt  }
0x52: {  	_ =	shalt  }
0x53: {  	_ =	shalt  }
0x54: {  	_ =	shalt  }
0x55: {  	_ =	shalt  }
0x56: {  	_ =	shalt  }
0x57: {  	_ =	shalt  }
0x58: {  	_ =	shalt  }
0x59: {  	_ =	shalt  }
0x5a: {  	_ =	shalt  }
0x5b: {  	_ =	shalt  }
0x5c: {  	_ =	shalt  }
0x5d: {  	_ =	shalt  }
0x5e: {  	_ =	shalt  }
0x5f: {  	_ =	shalt  }
0x60: {  	_ =	shalt  }
0x61: {  	_ =	shalt  }
0x62: {  	_ =	shalt  }
0x63: {  	_ =	shalt  }
0x64: {  	_ =	shalt  }
0x65: {  	_ =	shalt  }
0x66: {  	_ =	shalt  }
0x67: {  	_ =	shalt  }
0x68: {  	_ =	shalt  }
0x69: {  	_ =	shalt  }
0x6a: {  	_ =	shalt  }
0x6b: {  	_ =	shalt  }
0x6c: {  	_ =	shalt  }
0x6d: {  	_ =	shalt  }
0x6e: {  	_ =	shalt  }
0x6f: {  	_ =	shalt  }
0x70: {  	_ =	shalt  }
0x71: {  	_ =	shalt  }
0x72: {  	_ =	shalt  }
0x73: {  	_ =	shalt  }
0x74: {  	_ =	shalt  }
0x75: {  	_ =	shalt  }
0x76: {  	_ =	shalt  }
0x77: {  	_ =	shalt  }
0x78: {  	_ =	shalt  }
0x79: {  	_ =	shalt  }
0x7a: {  	_ =	shalt  }
0x7b: {  	_ =	shalt  }
0x7c: {  	_ =	shalt  }
0x7d: {  	_ =	shalt  }
0x7e: {  	_ =	shalt  }
0x7f: {  	_ =	shalt  }
0x80: {  	_ =	shalt  }
0x81: {  	_ =	shalt  }
0x82: {  	_ =	shalt  }
0x83: {  	_ =	shalt  }
0x84: {  	_ =	shalt  }
0x85: {  	_ =	shalt  }
0x86: {  	_ =	shalt  }
0x87: {  	_ =	shalt  }
.Lfunc_end0:
.L_simem_size_0:
called_computation.3_lowered:
.L_overlay_start_0:
0x88: {  	s2 =	sld [smem:$0x3FD9]  }
0x89: {  	s3 =	sld [smem:$0x3FFE];
	_ =	sdelay $0x1  }
0x8a: {  	s1 =	srdreg.scid  }
0x8b: {  	s0 =	sand.u32 $0x1, s1  }
0x8c: {  	s16 =	sshll.u32 s0, $0xA;
	s2 =	sadd.s32 s3, s2  }
0x8d: {  	s2 =	sadd.s32 s2, s16  }
0x8e: {  	[smem:$0x3FC5] =	sst s2  }
0x8f: {  	_ = 	snop  }
0x90: {  	(tm) =	ssettm $0x1  }
0x91: {  	s17 =	sld [smem:$0x3FFB];
	_ =	sdelay $0x3  }
0x92: {  	_ =	strace s17  }
0x93: {  	s2 =	sld [smem:$0x3FFC];
	_ =	sdelay $0x3  }
0x94: {  	_ =	strace s2  }
0x95: {  	s2 =	sld [smem:$0x3FFD];
	_ =	sdelay $0x3  }
0x96: {  	_ =	strace s2  }
0x97: {  	_ =	strace $0x8FFFFFFF  }
0x98: {  	s18 =	sld [smem:$0x3FDB];
	_ =	sdelay $0x1  }
0x99: {  	s19 =	simm.s32 $_scs_section_size  }
0x9a: {  	s4 =	simm.s32 $_size__tile_overlayer_lowered;
	s5 =	simm.s32 $_tile_overlayer_lowered  }
0x9b: {  	s22 =	simm.s32 $0x1BFF;
	s21 =	sshll.u32 s5, $0x1;
	s2 =	sadd.s32 s19, s18  }
0x9c: {  	s6 =	simm.s32 $0x0;
	s20 =	sshll.u32 s4, $0x1;
	s4 =	sadd.s32 s21, s2  }
0x9d: {  	[timem:s6], [sflag:s22] =	dma.local [hbm:s4], s20  }
0x9e: {  	_ =	swait.ge [sflag:s22], s20  }
0x9f: {  	s3 =	ssub.s32 $0x0, s20;
	[sflag:s22] =	ssyncset.done $0x0  }
0xa0: {  	[sflag:s22] =	ssyncadd.s32 s3;
	_ =	sdelay $0x1  }
0xa1: {  	s23 =	simm.s32 $0x1B8B  }
0xa2: {  	_ =	swait.ge [sflag:s23], $0x1  }
0xa3: {  	[sflag:s23] =	ssyncset.done $0x0  }
0xa4: {  	s25 =	simm.s32 $0x1B8E;
	s24 =	sld [smem:$0x3FFE];
	[sflag:s23] =	ssyncadd.s32 $0xFFFFFFFF  }
0xa5: {  	s26 =	simm.s32 $execute0_lowered;
	[smem:$0x3FD2] =	sst s25  }
0xa6: {  	s4 =	sshll.u32 s26, $0x1;
	_ =	strace $0x80000046;
	[dreg:$0x1] =	wrdreg $0xFFFFFFFF  }
0xa7: {  	s28 =	simm.s32 $_size_execute0_lowered;
	s2 =	sadd.s32 s2, s4;
	[dreg:$0x0] =	wrdreg $0x0  }
0xa8: {  	s4 =	sshll.u32 s28, $0x1;
	[dreg:$0x2] =	wrdreg s2  }
0xa9: {  	[dreg:$0x3] =	wrdreg s4  }
0xaa: {  	[dreg:$0x4] =	wrdreg $0xC0  }
0xab: {  	_ =	task [dreg:s6], $0x5FFFF  }
0xac: {  	[dreg:$0x1] =	wrdreg $0xFFFFFFFF  }
0xad: {  	[dreg:$0x0] =	wrdreg $0x60  }
0xae: {  	[dreg:$0x2] =	wrdreg s24  }
0xaf: {  	[dreg:$0x3] =	wrdreg $0xC  }
0xb0: {  	_ =	task.clear_ibuf [dreg:s6], $0x4FFFF;
	_ =	strace $0x90000046  }
0xb1: {  	s29 =	simm.s32 $0xC;
	_ =	strace $0x80000048  }
0xb2: {  	_ =	swait.ge [sflag:s29], $0x1  }
0xb3: {  	[sflag:s29] =	ssyncadd.s32 $0xFFFFFFFF  }
0xb4: {  	_ =	strace $0x90000048  }
0xb5: {  	_ =	sfence  }
0xb6: {  	s30 =	sld [smem:$0x0];
	_ =	sdelay $0x2  }
0xb7: {  	s31 =	sshll.u32 s1, $0xD;
	s1 =	sshrl.u32 s1, $0x2  }
0xb8: {  	s3 =	sand.u32 $0x4000, s31;
	s1 =	sadd.s32 s1, s30  }
0xb9: {  	s0 =	sor.u32 s3, s0;
	s1 =	sshll.u32 s1, $0x11  }
0xba: {  	s0 =	sor.u32 s1, s0  }
0xbb: {  	s0 =	sadd.s32 $0x8F2B, s0  }
0xbc: {  	[sflag:s0] =	ssyncadd.remote.s32 $0x1  }
0xbd: {  	_ =	sfence.sel $0xFFFF  }
0xbe: {  	[dreg:$0x0] =	wrdreg $0xFFFFFFFF;
	(pc) =	sbr.abs _section_cstart, $3  }
0xbf: {  	[dreg:$0x1] =	wrdreg $0xFFFFFFFF  }
0xc0: {  	_ =	task.clear_ibuf [dreg:s6], $0x2FFFF;
	_ =	strace $0x9FFFFFFF  }
0xc1: {  	(tm) =	ssettm $0x7FFFFFFF  }
tec
execute0_lowered:
.L_overlay_start_1:
0x0: {  	(tag) =	ssettag $0x1  }
0x1: {  	s1 =	srdreg.scid  }
0x2: {  	s0 =	stileid.u32;
	s26 =	sand.u32 $0x1, s1  }
0x3: {  	s31 =	sshll.u32 s0, $0x4;
	s2 =	sshll.u32 s26, $0x3  }
0x4: {  	s8 =	sor.u32 s2, s31  }
0x5: {  	s3 =	smul.u32 $0x358, s8  }
0x6: {  	s10 =	rddreg [dreg:$0x0]  }
0x7: {  	s1 =	rddreg [dreg:$0x1];
	s2 =	simm.s32 $0x0;
	s3 =	sshrl.u32 s3, $0x3  }
0x8: {  	[smem:$0x7FF] =	sst s2;
	s3 =	sadd.s32 s10, s3  }
0x9: {  	_ =	strace $0x80000047;
	s4 =	sadd.s32 $0x15D00, s3;
	s3 =	simm.s32 $0x3  }
0xa: {  	[tilespmem:s2], [sflag:$0x3] =	stream.linear.gather [hbm4b:s4+s2], $0x1AC0, $0x38;
	[tilespmem:$0x1C6C0] =	vst v63  }
0xb: {  	_ =	swait.ge [sflag:s3], $0x1AC0  }
0xc: {  	s6 =	simm.s32 $0x358;
	[sflag:s3] =	ssyncset.done $0x0  }
0xd: {  	s7 =	simm.s32 $0x1AC0;
	s5 =	sadd.s32 $0x1A3200, s10;
	[sflag:s3] =	ssyncadd.s32 $0xFFFFE540  }
0xe: {  	[tilespmem:s7], [sflag:$0x1] =	stream.indirect.gather [hbm4b:s5+s6], $0x40, s2, s6, $0xb8;
	[tilespmem:$0x1C6C0] =	vst v63  }
0xf: {  	s9 =	simm.s32 $0x1;
	s11 =	smul.u32 $0x3580, s8;
	s8 =	simm.s32 $0xF0C0  }
0x10: {  	[tilespmem:s8], [sflag:$0x2] =	stream.indirect.gather [hbm4b:s5+s6], $0x40, s6, s6, $0xb8;
	[tilespmem:$0x1C6C0] =	vst v63  }
0x11: {  	_ =	swait.ge [sflag:s9], $0xD600  }
0x12: {  	s12 =	simm.s32 $0x80;
	s28 =	sadd.s32 s11, s10;
	[sflag:s9] =	ssyncset.done $0x0  }
0x13: {  	s11 =	simm.s32 $0x40;
	s10 =	sadd.s32 $0x266800, s28;
	[sflag:s9] =	ssyncadd.s32 $0xFFFF2A00  }
0x14: {  	[hbm4b:s10+s11] =	stream.strided.scatter [tilespmem:s7], [sflag:$0x3], $0xD600, s12, s11, $0x38;
	[tilespmem:$0x1C6C0] =	vst v63  }
0x15: {  	_ =	swait.ge [sflag:s3], $0xD600  }
0x16: {  	[sflag:s3] =	ssyncset.done $0x0  }
0x17: {  	s13 =	simm.s32 $0x6B0;
	s14 =	simm.s32 $0x2;
	[sflag:s3] =	ssyncadd.s32 $0xFFFF2A00  }
0x18: {  	[tilespmem:s7], [sflag:$0x1] =	stream.indirect.gather [hbm4b:s5+s6], $0x40, s13, s6, $0xb8;
	[tilespmem:$0x1C6C0] =	vst v63  }
0x19: {  	_ =	swait.ge [sflag:s14], $0xD600  }
0x1a: {  	[sflag:s14] =	ssyncset.done $0x0  }
0x1b: {  	s15 =	sadd.s32 $0x269D80, s28;
	[sflag:s14] =	ssyncadd.s32 $0xFFFF2A00  }
0x1c: {  	[hbm4b:s15+s11] =	stream.strided.scatter [tilespmem:s8], [sflag:$0x3], $0xD600, s12, s11, $0x38;
	[tilespmem:$0x1C6C0] =	vst v63  }
0x1d: {  	_ =	swait.ge [sflag:s3], $0xD600  }
0x1e: {  	[sflag:s3] =	ssyncset.done $0x0  }
0x1f: {  	s16 =	simm.s32 $0xA08;
	[sflag:s3] =	ssyncadd.s32 $0xFFFF2A00  }
0x20: {  	[tilespmem:s8], [sflag:$0x2] =	stream.indirect.gather [hbm4b:s5+s6], $0x40, s16, s6, $0xb8;
	[tilespmem:$0x1C6C0] =	vst v63  }
0x21: {  	_ =	swait.ge [sflag:s9], $0xD600  }
0x22: {  	[sflag:s9] =	ssyncset.done $0x0  }
0x23: {  	s17 =	sadd.s32 $0x26D300, s28;
	[sflag:s9] =	ssyncadd.s32 $0xFFFF2A00  }
0x24: {  	[hbm4b:s17+s11] =	stream.strided.scatter [tilespmem:s7], [sflag:$0x3], $0xD600, s12, s11, $0x38;
	[tilespmem:$0x1C6C0] =	vst v63  }
0x25: {  	_ =	swait.ge [sflag:s3], $0xD600  }
0x26: {  	[sflag:s3] =	ssyncset.done $0x0  }
0x27: {  	s18 =	simm.s32 $0xD60;
	[sflag:s3] =	ssyncadd.s32 $0xFFFF2A00  }
0x28: {  	[tilespmem:s7], [sflag:$0x1] =	stream.indirect.gather [hbm4b:s5+s6], $0x40, s18, s6, $0xb8;
	[tilespmem:$0x1C6C0] =	vst v63  }
0x29: {  	_ =	swait.ge [sflag:s14], $0xD600  }
0x2a: {  	[sflag:s14] =	ssyncset.done $0x0  }
0x2b: {  	s19 =	sadd.s32 $0x270880, s28;
	[sflag:s14] =	ssyncadd.s32 $0xFFFF2A00  }
0x2c: {  	[hbm4b:s19+s11] =	stream.strided.scatter [tilespmem:s8], [sflag:$0x3], $0xD600, s12, s11, $0x38;
	[tilespmem:$0x1C6C0] =	vst v63  }
0x2d: {  	_ =	swait.ge [sflag:s3], $0xD600  }
0x2e: {  	[sflag:s3] =	ssyncset.done $0x0  }
0x2f: {  	s20 =	simm.s32 $0x10B8;
	[sflag:s3] =	ssyncadd.s32 $0xFFFF2A00  }
0x30: {  	[tilespmem:s8], [sflag:$0x2] =	stream.indirect.gather [hbm4b:s5+s6], $0x40, s20, s6, $0xb8;
	[tilespmem:$0x1C6C0] =	vst v63  }
0x31: {  	_ =	swait.ge [sflag:s9], $0xD600  }
0x32: {  	[sflag:s9] =	ssyncset.done $0x0  }
0x33: {  	s21 =	sadd.s32 $0x273E00, s28;
	[sflag:s9] =	ssyncadd.s32 $0xFFFF2A00  }
0x34: {  	[hbm4b:s21+s11] =	stream.strided.scatter [tilespmem:s7], [sflag:$0x3], $0xD600, s12, s11, $0x38;
	[tilespmem:$0x1C6C0] =	vst v63  }
0x35: {  	_ =	swait.ge [sflag:s3], $0xD600  }
0x36: {  	[sflag:s3] =	ssyncset.done $0x0  }
0x37: {  	s22 =	simm.s32 $0x1410;
	[sflag:s3] =	ssyncadd.s32 $0xFFFF2A00  }
0x38: {  	[tilespmem:s7], [sflag:$0x1] =	stream.indirect.gather [hbm4b:s5+s6], $0x40, s22, s6, $0xb8;
	[tilespmem:$0x1C6C0] =	vst v63  }
0x39: {  	_ =	swait.ge [sflag:s14], $0xD600  }
0x3a: {  	[sflag:s14] =	ssyncset.done $0x0  }
0x3b: {  	s23 =	sadd.s32 $0x277380, s28;
	[sflag:s14] =	ssyncadd.s32 $0xFFFF2A00  }
0x3c: {  	[hbm4b:s23+s11] =	stream.strided.scatter [tilespmem:s8], [sflag:$0x3], $0xD600, s12, s11, $0x38;
	[tilespmem:$0x1C6C0] =	vst v63  }
0x3d: {  	_ =	swait.ge [sflag:s3], $0xD600  }
0x3e: {  	[sflag:s3] =	ssyncset.done $0x0  }
0x3f: {  	s24 =	simm.s32 $0x1768;
	[sflag:s3] =	ssyncadd.s32 $0xFFFF2A00  }
0x40: {  	[tilespmem:s8], [sflag:$0x2] =	stream.indirect.gather [hbm4b:s5+s6], $0x40, s24, s6, $0xb8;
	[tilespmem:$0x1C6C0] =	vst v63  }
0x41: {  	_ =	swait.ge [sflag:s9], $0xD600  }
0x42: {  	[sflag:s9] =	ssyncset.done $0x0  }
0x43: {  	s26 =	ssub.s32 $0x2, s26;
	s25 =	sadd.s32 $0x27A900, s28;
	[sflag:s9] =	ssyncadd.s32 $0xFFFF2A00  }
0x44: {  	[hbm4b:s25+s11] =	stream.strided.scatter [tilespmem:s7], [sflag:$0x3], $0xD600, s12, s11, $0x38;
	[tilespmem:$0x1C6C0] =	vst v63  }
0x45: {  	s29 =	sshrl.u32 s26, $0x1;
	_ =	swait.ge [sflag:s3], $0xD600  }
0x46: {  	s26 =	ssub.s32 s26, s29;
	[sflag:s3] =	ssyncset.done $0x0  }
0x47: {  	s29 =	smax.u32 s26, $0x1;
	[sflag:s3] =	ssyncadd.s32 $0xFFFF2A00  }
0x48: {  	p0 =	sne.s32 s29, $0x1;
	_ =	swait.ge [sflag:s14], $0xD600  }
.Ltmp0:
0x49: {  	[sflag:s14] =	ssyncset.done $0x0;
	(pc) =	sbr.rel @!p0 .LBB2_2-.Ltmp0, $4  }
0x4a: {  	s26 =	sadd.s32 $0x27DE80, s28;
	[sflag:s14] =	ssyncadd.s32 $0xFFFF2A00  }
0x4b: {  	[hbm4b:s26+s11] =	stream.strided.scatter [tilespmem:s8], [sflag:$0x3], $0xD600, s12, s11, $0x38;
	[tilespmem:$0x1C6C0] =	vst v63  }
0x4c: {  	_ =	swait.ge [sflag:s3], $0xD600  }
0x4d: {  	s28 =	sadd.s32 $0xFFFFFFFF, s29;
	[sflag:s3] =	ssyncset.done $0x0  }
.LBB2_1:
0x4e: {  	p0 =	sne.s32 s28, $0x1;
	s28 =	sadd.s32 $0xFFFFFFFF, s28;
	[sflag:s3] =	ssyncadd.s32 $0xFFFF2A00  }
0x4f: {  	[tilespmem:s2], [sflag:$0x3] =	stream.linear.gather [hbm4b:s4+s2], $0x1AC0, $0x38;
	[tilespmem:$0x1C6C0] =	vst v63  }
0x50: {  	_ =	swait.ge [sflag:s3], $0x1AC0  }
0x51: {  	[sflag:s3] =	ssyncset.done $0x0  }
0x52: {  	[sflag:s3] =	ssyncadd.s32 $0xFFFFE540  }
0x53: {  	[tilespmem:s7], [sflag:$0x1] =	stream.indirect.gather [hbm4b:s5+s6], $0x40, s2, s6, $0xb8;
	[tilespmem:$0x1C6C0] =	vst v63  }
0x54: {  	_ = 	snop  }
0x55: {  	[tilespmem:s8], [sflag:$0x2] =	stream.indirect.gather [hbm4b:s5+s6], $0x40, s6, s6, $0xb8;
	[tilespmem:$0x1C6C0] =	vst v63  }
0x56: {  	_ =	swait.ge [sflag:s9], $0xD600  }
0x57: {  	[sflag:s9] =	ssyncset.done $0x0  }
0x58: {  	[sflag:s9] =	ssyncadd.s32 $0xFFFF2A00  }
0x59: {  	[hbm4b:s10+s11] =	stream.strided.scatter [tilespmem:s7], [sflag:$0x3], $0xD600, s12, s11, $0x38;
	[tilespmem:$0x1C6C0] =	vst v63  }
0x5a: {  	_ =	swait.ge [sflag:s3], $0xD600  }
0x5b: {  	[sflag:s3] =	ssyncset.done $0x0  }
0x5c: {  	[sflag:s3] =	ssyncadd.s32 $0xFFFF2A00  }
0x5d: {  	[tilespmem:s7], [sflag:$0x1] =	stream.indirect.gather [hbm4b:s5+s6], $0x40, s13, s6, $0xb8;
	[tilespmem:$0x1C6C0] =	vst v63  }
0x5e: {  	_ =	swait.ge [sflag:s14], $0xD600  }
0x5f: {  	[sflag:s14] =	ssyncset.done $0x0  }
0x60: {  	[sflag:s14] =	ssyncadd.s32 $0xFFFF2A00  }
0x61: {  	[hbm4b:s15+s11] =	stream.strided.scatter [tilespmem:s8], [sflag:$0x3], $0xD600, s12, s11, $0x38;
	[tilespmem:$0x1C6C0] =	vst v63  }
0x62: {  	_ =	swait.ge [sflag:s3], $0xD600  }
0x63: {  	[sflag:s3] =	ssyncset.done $0x0  }
0x64: {  	[sflag:s3] =	ssyncadd.s32 $0xFFFF2A00  }
0x65: {  	[tilespmem:s8], [sflag:$0x2] =	stream.indirect.gather [hbm4b:s5+s6], $0x40, s16, s6, $0xb8;
	[tilespmem:$0x1C6C0] =	vst v63  }
0x66: {  	_ =	swait.ge [sflag:s9], $0xD600  }
0x67: {  	[sflag:s9] =	ssyncset.done $0x0  }
0x68: {  	[sflag:s9] =	ssyncadd.s32 $0xFFFF2A00  }
0x69: {  	[hbm4b:s17+s11] =	stream.strided.scatter [tilespmem:s7], [sflag:$0x3], $0xD600, s12, s11, $0x38;
	[tilespmem:$0x1C6C0] =	vst v63  }
0x6a: {  	_ =	swait.ge [sflag:s3], $0xD600  }
0x6b: {  	[sflag:s3] =	ssyncset.done $0x0  }
0x6c: {  	[sflag:s3] =	ssyncadd.s32 $0xFFFF2A00  }
0x6d: {  	[tilespmem:s7], [sflag:$0x1] =	stream.indirect.gather [hbm4b:s5+s6], $0x40, s18, s6, $0xb8;
	[tilespmem:$0x1C6C0] =	vst v63  }
0x6e: {  	_ =	swait.ge [sflag:s14], $0xD600  }
0x6f: {  	[sflag:s14] =	ssyncset.done $0x0  }
0x70: {  	[sflag:s14] =	ssyncadd.s32 $0xFFFF2A00  }
0x71: {  	[hbm4b:s19+s11] =	stream.strided.scatter [tilespmem:s8], [sflag:$0x3], $0xD600, s12, s11, $0x38;
	[tilespmem:$0x1C6C0] =	vst v63  }
0x72: {  	_ =	swait.ge [sflag:s3], $0xD600  }
0x73: {  	[sflag:s3] =	ssyncset.done $0x0  }
0x74: {  	[sflag:s3] =	ssyncadd.s32 $0xFFFF2A00  }
0x75: {  	[tilespmem:s8], [sflag:$0x2] =	stream.indirect.gather [hbm4b:s5+s6], $0x40, s20, s6, $0xb8;
	[tilespmem:$0x1C6C0] =	vst v63  }
0x76: {  	_ =	swait.ge [sflag:s9], $0xD600  }
0x77: {  	[sflag:s9] =	ssyncset.done $0x0  }
0x78: {  	[sflag:s9] =	ssyncadd.s32 $0xFFFF2A00  }
0x79: {  	[hbm4b:s21+s11] =	stream.strided.scatter [tilespmem:s7], [sflag:$0x3], $0xD600, s12, s11, $0x38;
	[tilespmem:$0x1C6C0] =	vst v63  }
0x7a: {  	_ =	swait.ge [sflag:s3], $0xD600  }
0x7b: {  	[sflag:s3] =	ssyncset.done $0x0  }
0x7c: {  	[sflag:s3] =	ssyncadd.s32 $0xFFFF2A00  }
0x7d: {  	[tilespmem:s7], [sflag:$0x1] =	stream.indirect.gather [hbm4b:s5+s6], $0x40, s22, s6, $0xb8;
	[tilespmem:$0x1C6C0] =	vst v63  }
0x7e: {  	_ =	swait.ge [sflag:s14], $0xD600  }
0x7f: {  	[sflag:s14] =	ssyncset.done $0x0  }
0x80: {  	[sflag:s14] =	ssyncadd.s32 $0xFFFF2A00  }
0x81: {  	[hbm4b:s23+s11] =	stream.strided.scatter [tilespmem:s8], [sflag:$0x3], $0xD600, s12, s11, $0x38;
	[tilespmem:$0x1C6C0] =	vst v63  }
0x82: {  	_ =	swait.ge [sflag:s3], $0xD600  }
0x83: {  	[sflag:s3] =	ssyncset.done $0x0  }
0x84: {  	[sflag:s3] =	ssyncadd.s32 $0xFFFF2A00  }
0x85: {  	[tilespmem:s8], [sflag:$0x2] =	stream.indirect.gather [hbm4b:s5+s6], $0x40, s24, s6, $0xb8;
	[tilespmem:$0x1C6C0] =	vst v63  }
0x86: {  	_ =	swait.ge [sflag:s9], $0xD600  }
0x87: {  	[sflag:s9] =	ssyncset.done $0x0  }
0x88: {  	[sflag:s9] =	ssyncadd.s32 $0xFFFF2A00  }
0x89: {  	[hbm4b:s25+s11] =	stream.strided.scatter [tilespmem:s7], [sflag:$0x3], $0xD600, s12, s11, $0x38;
	[tilespmem:$0x1C6C0] =	vst v63  }
0x8a: {  	_ =	swait.ge [sflag:s3], $0xD600  }
0x8b: {  	[sflag:s3] =	ssyncset.done $0x0  }
0x8c: {  	[sflag:s3] =	ssyncadd.s32 $0xFFFF2A00  }
0x8d: {  	_ =	swait.ge [sflag:s14], $0xD600  }
.Ltmp1:
0x8e: {  	[sflag:s14] =	ssyncset.done $0x0;
	(pc) =	sbr.rel @p0 .LBB2_1-.Ltmp1, $4  }
0x8f: {  	[sflag:s14] =	ssyncadd.s32 $0xFFFF2A00  }
0x90: {  	[hbm4b:s26+s11] =	stream.strided.scatter [tilespmem:s8], [sflag:$0x3], $0xD600, s12, s11, $0x38;
	[tilespmem:$0x1C6C0] =	vst v63  }
0x91: {  	_ =	swait.ge [sflag:s3], $0xD600  }
0x92: {  	[sflag:s3] =	ssyncset.done $0x0  }
.LBB2_2:
0x93: {  	[sflag:s3] =	ssyncadd.s32 $0xFFFF2A00  }
0x94: {  	_ =	sfence.sel $0x180000  }
0x95: {  	[bflag:$0x0] =	sbarrier.arrive $0xFFFF  }
0x96: {  	p0 =	sne.s32 s0, $0x0;
	_ =	strace $0x90000047  }
0x97: {  	s0 =	sadd.s32 @!p0 $0x100000, s1;
	[bflag:$0x2] =	sbarrier.arrive $0xFFFF  }
0x98: {  	[sflag:s0] =	ssyncadd.tile.s32 @!p0 $0x1;
	_ =	shalt  }
.Lfunc_end2:
_tile_overlayer_lowered:
.L_overlay_start_2:
0x99: {  	(tag) =	ssettag $0x2  }
0x9a: {  	s0 =	rddreg [dreg:$0x0];
	s2 =	stileid.u32  }
0x9b: {  	s1 =	rddreg [dreg:$0x1];
	p0 =	sne.s32 s2, $0x0  }
0x9c: {  	s3 =	rddreg [dreg:$0x2];
	[bflag:$0x3] =	sbarrier.arrive $0xFFFF;
	s2 =	simm.s32 @!p0 $0x1C03  }
0x9d: {  	[timem:s3], [sflag:s2] =	dma.local @!p0 [hbm:s0], s1  }
0x9e: {  	s0 =	simm.s32 @!p0 $0x3  }
0x9f: {  	_ =	swait.ge @!p0 [sflag:s0], s1  }
0xa0: {  	s1 =	ssub.s32 @!p0 $0x0, s1;
	[sflag:s0] =	ssyncset.done @!p0 $0x0  }
0xa1: {  	[sflag:s0] =	ssyncadd.s32 @!p0 s1  }
0xa2: {  	[bflag:$0x3] =	sbarrier.arrive $0xFFFF  }
0xa3: {  	_ =	shalt  }

</sc_bundles>
